<compile_context>
chip_gen: v7x
topology: tpu7x:2x2x1
jax: 0.10.2.dev20260603
libtpu: 0.0.44.dev20260713+nightly
codegen_flags: <defaults>
</compile_context>

<pallas_src>
import jax
import jax.numpy as jnp
from jax import lax
from jax.experimental import pallas as pl
from jax.experimental.pallas import tpu as pltpu
from jax.experimental.pallas import tpu_sc as plsc

_N_ENT = 10000
_N_ITEMS = 8000
_CH = 128
_HC = 64
_N_EDGES = 320000
_NC = 2
_NS = 16
_K = 128
_G = 160
_EPT = _K * _G
_E_PAD = _NS * _EPT
_ACC_ROWS = 10240
_ROWS_PER_TILE = _ACC_ROWS // _NS
_GARBAGE_ROW = _N_ENT
_NBUF = 5
_PRE = 3



def _edges_body(ei_ref, et_ref, comb_ref, head_ref):
    head = ei_ref[0]
    tail = ei_ref[1]
    rel = jnp.remainder(et_ref[...] - 2, 10)
    base = rel * _N_ENT + tail
    npad = (_E_PAD - _N_EDGES) // _K
    iota = (lax.broadcasted_iota(jnp.int32, (npad, _K), 0) * _K
            + lax.broadcasted_iota(jnp.int32, (npad, _K), 1))
    comb0 = jnp.concatenate([base, iota % _N_ENT], axis=0)
    comb_ref[0] = comb0
    comb_ref[1] = comb0 + 10 * _N_ENT
    head_ref[...] = jnp.concatenate(
        [head, _GARBAGE_ROW + iota % (_ACC_ROWS - _N_ENT)], axis=0)


def _scale_body(ent_ref, w_ref, out_ref):
    c = pl.program_id(1)
    r = pl.program_id(2)
    w = w_ref[pl.ds(r, 1), :]
    x = ent_ref[...] * w
    out_ref[...] = jnp.where(c == 0, x[:, :_HC], x[:, _HC:])


def _l2norm(x):
    n = jnp.sqrt(jnp.sum(x * x, axis=1, keepdims=True))
    return x / jnp.maximum(n, 1e-12)


def _norm_body(p0_ref, p1_ref, out_ref):
    out_ref[...] = _l2norm(
        jnp.concatenate([p0_ref[...], p1_ref[...]], axis=1))


def _final_body(ent_ref, q0_ref, q1_ref, p0_ref, p1_ref, item_ref, ia_ref,
                asp_ref, w1_ref, w2_ref, out_ref):
    e1 = _l2norm(jnp.concatenate([q0_ref[...], q1_ref[...]], axis=1))
    e2 = _l2norm(jnp.concatenate([p0_ref[...], p1_ref[...]], axis=1))
    ents = ent_ref[...] + e1 + e2
    agg = jnp.dot(ia_ref[...], asp_ref[...], preferred_element_type=jnp.float32)
    an = jnp.sqrt(jnp.sum(agg * agg, axis=1, keepdims=True))
    item_part = item_ref[...] + 2.0 * (agg / jnp.maximum(an, 1e-12))
    out_ref[...] = w1_ref[0, 0] * ents + w2_ref[0, 0] * item_part


def _user_body(user_ref, ua_ref, asp_ref, out_ref):
    agg = jnp.dot(ua_ref[...], asp_ref[...], preferred_element_type=jnp.float32)
    n = jnp.sqrt(jnp.sum(agg * agg, axis=1, keepdims=True))
    out_ref[...] = user_ref[...] + 2.0 * (agg / jnp.maximum(n, 1e-12))


def _build_table(ent, weight):
    return pl.pallas_call(
        _scale_body,
        grid=(10, 2, 10),
        in_specs=[
            pl.BlockSpec((1000, _CH), lambda b, c, r: (b, 0)),
            pl.BlockSpec((10, _CH), lambda b, c, r: (0, 0)),
        ],
        out_specs=pl.BlockSpec(
            (1000, _HC), lambda b, c, r: (c * 100 + r * 10 + b, 0)),
        out_shape=jax.ShapeDtypeStruct((2 * 10 * _N_ENT, _HC), jnp.float32),
    )(ent, weight)



def _gather(table, comb_v, rows_v, gsems, g, b):
    return pltpu.async_copy(table.at[comb_v.at[g]], rows_v.at[b], gsems[b])


def _gwait(table, comb_v, rows_v, gsems, g, b):
    pltpu.make_async_copy(table.at[comb_v.at[g]], rows_v.at[b], gsems[b]).wait()


def _scatter(acc, head_v, rows_v, ssems, g, b):
    return pltpu.async_copy(rows_v.at[b], acc.at[head_v.at[g]], ssems[b],
                            add=True)


def _swait(acc, head_v, rows_v, ssems, g, b):
    pltpu.make_async_copy(rows_v.at[b], acc.at[head_v.at[g]], ssems[b]).wait()


def _hop_body(table, comb, head, out, comb_v, head_v, rows_v, acc, *sems):
    gsems, ssems = sems[:_NBUF], sems[_NBUF:]
    cid = lax.axis_index("c")
    sid = lax.axis_index("s")

    pltpu.sync_copy(comb.at[cid, sid], comb_v)
    pltpu.sync_copy(head.at[sid], head_v)

    def _zrow(i, c):
        for j in range(_HC // 16):
            rows_v[0, i, pl.ds(j * 16, 16)] = jnp.zeros((16,), jnp.float32)
        return c
    lax.fori_loop(0, _K, _zrow, 0)
    for t in range(_ROWS_PER_TILE // _K):
        pltpu.sync_copy(
            rows_v.at[0],
            acc.at[pl.ds(sid * _ROWS_PER_TILE + t * _K, _K)])
    plsc.subcore_barrier()

    for b in range(_PRE):
        _gather(table, comb_v, rows_v, gsems, b, b)
    for j in range(_NBUF - _PRE):
        pb = _PRE + j
        _gather(table, comb_v, rows_v, gsems, pb, pb)
        _gwait(table, comb_v, rows_v, gsems, j, j)
        _scatter(acc, head_v, rows_v, ssems, j, j)

    def _step(i, c):
        g0 = (_NBUF - _PRE) + i * _NBUF
        for j in range(_NBUF):
            g = g0 + j
            b = (_NBUF - _PRE + j) % _NBUF
            pb = j
            _swait(acc, head_v, rows_v, ssems, g + _PRE - _NBUF, pb)
            _gather(table, comb_v, rows_v, gsems, g + _PRE, pb)
            _gwait(table, comb_v, rows_v, gsems, g, b)
            _scatter(acc, head_v, rows_v, ssems, g, b)
        return c
    lax.fori_loop(0, (_G - _NBUF) // _NBUF, _step, 0)

    for j in range(_PRE):
        g = _G - _PRE + j
        b = g % _NBUF
        _gwait(table, comb_v, rows_v, gsems, g, b)
        _scatter(acc, head_v, rows_v, ssems, g, b)
    for b in range(_NBUF):
        gg = _G - _NBUF + b
        _swait(acc, head_v, rows_v, ssems, gg, b)

    plsc.subcore_barrier()
    pltpu.sync_copy(
        acc.at[pl.ds(sid * _ROWS_PER_TILE, _ROWS_PER_TILE)],
        out.at[cid, pl.ds(sid * _ROWS_PER_TILE, _ROWS_PER_TILE)])


_hop_cache = []


def _hop(table, comb4, head3):
    if not _hop_cache:
        _hop_cache.append(pl.kernel(
            _hop_body,
            out_type=jax.ShapeDtypeStruct((_NC, _ACC_ROWS, _HC), jnp.float32),
            mesh=plsc.VectorSubcoreMesh(core_axis_name="c",
                                        subcore_axis_name="s"),
            compiler_params=pltpu.CompilerParams(use_tc_tiling_on_sc=False),
            scratch_types=(
                [pltpu.VMEM((_G, _K), jnp.int32),
                 pltpu.VMEM((_G, _K), jnp.int32),
                 pltpu.VMEM((_NBUF, _K, _HC), jnp.float32),
                 pltpu.VMEM_SHARED((_ACC_ROWS, _HC), jnp.float32)]
                + [pltpu.SemaphoreType.DMA] * (2 * _NBUF)),
        ))
    p = _hop_cache[0](table, comb4, head3)
    return p[0], p[1]



def kernel(user_emb, item_emb, entity_emb, aspect_emb, edge_index, edge_type,
           ua_interact_mat, ia_interact_mat, weight, W1, W2):
    f32 = jnp.float32
    et = edge_type.astype(jnp.int32)

    user_res = pl.pallas_call(
        _user_body,
        grid=(50,),
        in_specs=[
            pl.BlockSpec((2000, _CH), lambda b: (b, 0)),
            pl.BlockSpec((2000, 64), lambda b: (b, 0)),
            pl.BlockSpec((64, _CH), lambda b: (0, 0)),
        ],
        out_specs=pl.BlockSpec((2000, _CH), lambda b: (b, 0)),
        out_shape=jax.ShapeDtypeStruct((user_emb.shape[0], _CH), f32),
    )(user_emb, ua_interact_mat, aspect_emb)

    nrow = _N_EDGES // _K
    prow = _E_PAD // _K
    comb, headp = pl.pallas_call(
        _edges_body,
        in_specs=[
            pl.BlockSpec((2, nrow, _K), lambda: (0, 0, 0)),
            pl.BlockSpec((nrow, _K), lambda: (0, 0)),
        ],
        out_specs=[
            pl.BlockSpec((2, prow, _K), lambda: (0, 0, 0)),
            pl.BlockSpec((prow, _K), lambda: (0, 0)),
        ],
        out_shape=[
            jax.ShapeDtypeStruct((2, prow, _K), jnp.int32),
            jax.ShapeDtypeStruct((prow, _K), jnp.int32),
        ],
    )(edge_index.astype(jnp.int32).reshape(2, nrow, _K), et.reshape(nrow, _K))
    comb4 = comb.reshape(_NC, _NS, _G, _K)
    head3 = headp.reshape(_NS, _G, _K)

    table1 = _build_table(entity_emb, weight)
    p1a, p1b = _hop(table1, comb4, head3)

    e1 = pl.pallas_call(
        _norm_body,
        grid=(10,),
        in_specs=[pl.BlockSpec((1000, _HC), lambda b: (b, 0))] * 2,
        out_specs=pl.BlockSpec((1000, _CH), lambda b: (b, 0)),
        out_shape=jax.ShapeDtypeStruct((_N_ENT, _CH), f32),
    )(p1a, p1b)
    table2 = _build_table(e1, weight)
    p2a, p2b = _hop(table2, comb4, head3)

    item_res = pl.pallas_call(
        _final_body,
        grid=(8,),
        in_specs=[
            pl.BlockSpec((1000, _CH), lambda b: (b, 0)),
            pl.BlockSpec((1000, _HC), lambda b: (b, 0)),
            pl.BlockSpec((1000, _HC), lambda b: (b, 0)),
            pl.BlockSpec((1000, _HC), lambda b: (b, 0)),
            pl.BlockSpec((1000, _HC), lambda b: (b, 0)),
            pl.BlockSpec((1000, _CH), lambda b: (b, 0)),
            pl.BlockSpec((1000, 64), lambda b: (b, 0)),
            pl.BlockSpec((64, _CH), lambda b: (0, 0)),
            pl.BlockSpec((1, 1), lambda b: (0, 0)),
            pl.BlockSpec((1, 1), lambda b: (0, 0)),
        ],
        out_specs=pl.BlockSpec((1000, _CH), lambda b: (b, 0)),
        out_shape=jax.ShapeDtypeStruct((_N_ITEMS, _CH), f32),
    )(entity_emb, p1a, p1b, p2a, p2b, item_emb, ia_interact_mat, aspect_emb,
      W1.reshape(1, 1), W2.reshape(1, 1))

    return (item_res, user_res)

# --- scband reference (transcript-rebuilt; emitter-appended) ---
"""Pipeline reference for scband-graph-conv-15212774163211 (READ-ONLY COPY).

The authoritative reference and input builder live on the scoring server;
editing this copy changes nothing except your own understanding.
"""

import jax, jax.numpy as jnp
import numpy as np

N_ENT = 10000
N_USERS = 100000
N_ITEMS = 8000
N_ASPECTS = 64
N_REL = 12
CH = 128
N_HOPS = 2
N_EDGES = 320000


def scatter_mean(src, index, dim_size):
    s = jax.ops.segment_sum(src, index, num_segments=dim_size)
    cnt = jax.ops.segment_sum(jnp.ones((index.shape[0],), dtype=src.dtype), index, num_segments=dim_size)
    return s / jnp.maximum(cnt, 1.0)[:, None]


def l2norm(x, eps=1e-12):
    n = jnp.sqrt(jnp.sum(x * x, axis=1, keepdims=True))
    return x / jnp.maximum(n, eps)


def setup_inputs(seed: int = 0):
    key = jax.random.key(seed)
    ks = jax.random.split(key, 12)
    user_emb = jax.random.normal(ks[0], (N_USERS, CH), dtype=jnp.float32)
    item_emb = jax.random.normal(ks[1], (N_ITEMS, CH), dtype=jnp.float32)
    entity_emb = jax.random.normal(ks[2], (N_ENT, CH), dtype=jnp.float32)
    aspect_emb = jax.random.normal(ks[3], (N_ASPECTS, CH), dtype=jnp.float32)
    edge_index = jax.random.randint(ks[4], (2, N_EDGES), 0, N_ENT)
    edge_type = jax.random.randint(ks[5], (N_EDGES,), 0, N_REL)
    ua_interact_mat = jax.random.uniform(ks[6], (N_USERS, N_ASPECTS), dtype=jnp.float32)
    ia_interact_mat = jax.random.uniform(ks[7], (N_ITEMS, N_ASPECTS), dtype=jnp.float32)
    # learned params: relation weight (xavier-ish), scalar gates W1, W2
    weight = jax.random.normal(ks[8], (N_REL - 2, CH), dtype=jnp.float32) * 0.1
    W1 = jnp.ones((1,), dtype=jnp.float32)
    W2 = jnp.ones((1,), dtype=jnp.float32)
    return {"user_emb": user_emb, "item_emb": item_emb, "entity_emb": entity_emb,
            "aspect_emb": aspect_emb, "edge_index": edge_index, "edge_type": edge_type,
            "ua_interact_mat": ua_interact_mat, "ia_interact_mat": ia_interact_mat,
            "weight": weight, "W1": W1, "W2": W2}


def reference(user_emb, item_emb, entity_emb, aspect_emb, edge_index, edge_type,
              ua_interact_mat, ia_interact_mat, weight, W1, W2):
    n_entities = entity_emb.shape[0]
    head = edge_index[0]
    tail = edge_index[1]
    entity_res = entity_emb
    user_res = user_emb
    item_res = item_emb
    for _ in range(N_HOPS):
        # KG aggregate (mode='wrap' matches torch negative-index wrapping for edge_type-2)
        edge_rel = jnp.take(weight, edge_type - 2, axis=0, mode='wrap')
        neigh = entity_emb[tail] * edge_rel
        entity_agg = scatter_mean(neigh, head, n_entities)
        # user/item -> aspect attention
        score_ua = jax.nn.softmax(user_emb @ aspect_emb.T, axis=1)[:, :, None]
        score_ia = jax.nn.softmax(item_emb @ aspect_emb.T, axis=1)[:, :, None]
        user_agg = ua_interact_mat @ aspect_emb
        user_agg = user_agg * jnp.sum(score_ua, axis=1) + user_agg
        item_agg = ia_interact_mat @ aspect_emb
        item_agg = item_agg * jnp.sum(score_ia, axis=1) + item_agg
        # mess dropout is identity in eval mode
        item_emb = l2norm(item_agg)
        user_emb = l2norm(user_agg)
        entity_emb = l2norm(entity_agg)
        item_res = item_res + item_emb
        user_res = user_res + user_emb
        entity_res = entity_res + entity_emb
    item_res = W1 * entity_res[:N_ITEMS] + W2 * item_res
    return (item_res, user_res)

if __name__ == "__main__":
    import jax
    _d = setup_inputs()
    print(jax.jit(kernel)(*tuple(_d.values())))

</pallas_src>

<mosaic_0001>
#map = affine_map<(d0, d1) -> (0, 0)>
#map1 = affine_map<(d0, d1) -> (0, 0, 0, 0)>
#map2 = affine_map<(d0, d1) -> (0, 0, 0)>
module attributes {stable_mosaic.version = 14 : i64} {
  func.func @_hop_body(%arg0: i32, %arg1: i32, %arg2: memref<200000x64xf32, #tpu.memory_space<hbm>>, %arg3: memref<2x16x160x128xi32, #tpu.memory_space<hbm>>, %arg4: memref<16x160x128xi32, #tpu.memory_space<hbm>>, %arg5: memref<2x10240x64xf32, #tpu.memory_space<hbm>>, %arg6: memref<160x128xi32, #tpu.memory_space<vmem>>, %arg7: memref<160x128xi32, #tpu.memory_space<vmem>>, %arg8: memref<5x128x64xf32, #tpu.memory_space<vmem>>, %arg9: memref<10240x64xf32, #tpu.memory_space<vmem_shared>>, %arg10: memref<!tpu.dma_semaphore, #tpu.memory_space<semaphore_mem>>, %arg11: memref<!tpu.dma_semaphore, #tpu.memory_space<semaphore_mem>>, %arg12: memref<!tpu.dma_semaphore, #tpu.memory_space<semaphore_mem>>, %arg13: memref<!tpu.dma_semaphore, #tpu.memory_space<semaphore_mem>>, %arg14: memref<!tpu.dma_semaphore, #tpu.memory_space<semaphore_mem>>, %arg15: memref<!tpu.dma_semaphore, #tpu.memory_space<semaphore_mem>>, %arg16: memref<!tpu.dma_semaphore, #tpu.memory_space<semaphore_mem>>, %arg17: memref<!tpu.dma_semaphore, #tpu.memory_space<semaphore_mem>>, %arg18: memref<!tpu.dma_semaphore, #tpu.memory_space<semaphore_mem>>, %arg19: memref<!tpu.dma_semaphore, #tpu.memory_space<semaphore_mem>>) attributes {dimension_semantics = [#tpu.dimension_semantics<core_parallel>, #tpu.dimension_semantics<subcore_parallel>], iteration_bounds = array<i64: 2, 16>, scalar_prefetch = 0 : i64, scratch_operands = 14 : i64, tpu.core_type = #tpu.core_type<sc_vector_subcore>, window_params = [{transform_indices = #map}, {transform_indices = #map1}, {transform_indices = #map2}, {transform_indices = #map2}]} {
    "tpu.region"() ({
      %run_scoped3A_276 = tpu.sem_alloc : memref<!tpu.dma_semaphore, #tpu.memory_space<semaphore_mem>>
      %dma_start3A_277 = arith.constant 0 : i32
      %dma_start3A_278 = arith.constant 0 : i32
      %dma_start3A_279 = tpu.memref_slice %arg3[%arg0, %arg1, %dma_start3A_277, %dma_start3A_278] : memref<2x16x160x128xi32, #tpu.memory_space<hbm>> -> memref<1x1x160x128xi32, #tpu.memory_space<hbm>>
      %dma_start3A_280 = tpu.memref_squeeze %dma_start3A_279 : memref<1x1x160x128xi32, #tpu.memory_space<hbm>> -> memref<160x128xi32, #tpu.memory_space<hbm>>
      %dma_start3A_281 = arith.constant 0 : i32
      %dma_start3A_282 = arith.constant 0 : i32
      %dma_start3A_283 = tpu.memref_slice %arg3[%arg0, %arg1, %dma_start3A_281, %dma_start3A_282] : memref<2x16x160x128xi32, #tpu.memory_space<hbm>> -> memref<1x1x160x128xi32, #tpu.memory_space<hbm>>
      %dma_start3A_284 = tpu.memref_squeeze %dma_start3A_283 : memref<1x1x160x128xi32, #tpu.memory_space<hbm>> -> memref<160x128xi32, #tpu.memory_space<hbm>>
      tpu.enqueue_dma source(%dma_start3A_284 : memref<160x128xi32, #tpu.memory_space<hbm>>) target(%arg6 : memref<160x128xi32, #tpu.memory_space<vmem>>) target_semaphore(%run_scoped3A_276 : memref<!tpu.dma_semaphore, #tpu.memory_space<semaphore_mem>>)
      %dma_wait3A_285 = arith.constant 0 : i32
      %dma_wait3A_286 = arith.constant 0 : i32
      %dma_wait3A_287 = tpu.memref_slice %arg3[%arg0, %arg1, %dma_wait3A_285, %dma_wait3A_286] : memref<2x16x160x128xi32, #tpu.memory_space<hbm>> -> memref<1x1x160x128xi32, #tpu.memory_space<hbm>>
      %dma_wait3A_288 = tpu.memref_squeeze %dma_wait3A_287 : memref<1x1x160x128xi32, #tpu.memory_space<hbm>> -> memref<160x128xi32, #tpu.memory_space<hbm>>
      %dma_wait3A_289 = arith.constant 0 : i32
      %dma_wait3A_290 = arith.constant 0 : i32
      %dma_wait3A_291 = tpu.memref_slice %arg3[%arg0, %arg1, %dma_wait3A_289, %dma_wait3A_290] : memref<2x16x160x128xi32, #tpu.memory_space<hbm>> -> memref<1x1x160x128xi32, #tpu.memory_space<hbm>>
      %dma_wait3A_292 = tpu.memref_squeeze %dma_wait3A_291 : memref<1x1x160x128xi32, #tpu.memory_space<hbm>> -> memref<160x128xi32, #tpu.memory_space<hbm>>
      tpu.wait_dma2 semaphore(%run_scoped3A_276 : memref<!tpu.dma_semaphore, #tpu.memory_space<semaphore_mem>>) src(%dma_wait3A_292 : memref<160x128xi32, #tpu.memory_space<hbm>>) dst(%arg6 : memref<160x128xi32, #tpu.memory_space<vmem>>)
      tpu.yield
    }) : () -> ()
    "tpu.region"() ({
      %run_scoped3A_276 = tpu.sem_alloc : memref<!tpu.dma_semaphore, #tpu.memory_space<semaphore_mem>>
      %dma_start3A_277 = arith.constant 0 : i32
      %dma_start3A_278 = arith.constant 0 : i32
      %dma_start3A_279 = tpu.memref_slice %arg4[%arg1, %dma_start3A_277, %dma_start3A_278] : memref<16x160x128xi32, #tpu.memory_space<hbm>> -> memref<1x160x128xi32, #tpu.memory_space<hbm>>
      %dma_start3A_280 = tpu.memref_squeeze %dma_start3A_279 : memref<1x160x128xi32, #tpu.memory_space<hbm>> -> memref<160x128xi32, #tpu.memory_space<hbm>>
      %dma_start3A_281 = arith.constant 0 : i32
      %dma_start3A_282 = arith.constant 0 : i32
      %dma_start3A_283 = tpu.memref_slice %arg4[%arg1, %dma_start3A_281, %dma_start3A_282] : memref<16x160x128xi32, #tpu.memory_space<hbm>> -> memref<1x160x128xi32, #tpu.memory_space<hbm>>
      %dma_start3A_284 = tpu.memref_squeeze %dma_start3A_283 : memref<1x160x128xi32, #tpu.memory_space<hbm>> -> memref<160x128xi32, #tpu.memory_space<hbm>>
      tpu.enqueue_dma source(%dma_start3A_284 : memref<160x128xi32, #tpu.memory_space<hbm>>) target(%arg7 : memref<160x128xi32, #tpu.memory_space<vmem>>) target_semaphore(%run_scoped3A_276 : memref<!tpu.dma_semaphore, #tpu.memory_space<semaphore_mem>>)
      %dma_wait3A_285 = arith.constant 0 : i32
      %dma_wait3A_286 = arith.constant 0 : i32
      %dma_wait3A_287 = tpu.memref_slice %arg4[%arg1, %dma_wait3A_285, %dma_wait3A_286] : memref<16x160x128xi32, #tpu.memory_space<hbm>> -> memref<1x160x128xi32, #tpu.memory_space<hbm>>
      %dma_wait3A_288 = tpu.memref_squeeze %dma_wait3A_287 : memref<1x160x128xi32, #tpu.memory_space<hbm>> -> memref<160x128xi32, #tpu.memory_space<hbm>>
      %dma_wait3A_289 = arith.constant 0 : i32
      %dma_wait3A_290 = arith.constant 0 : i32
      %dma_wait3A_291 = tpu.memref_slice %arg4[%arg1, %dma_wait3A_289, %dma_wait3A_290] : memref<16x160x128xi32, #tpu.memory_space<hbm>> -> memref<1x160x128xi32, #tpu.memory_space<hbm>>
      %dma_wait3A_292 = tpu.memref_squeeze %dma_wait3A_291 : memref<1x160x128xi32, #tpu.memory_space<hbm>> -> memref<160x128xi32, #tpu.memory_space<hbm>>
      tpu.wait_dma2 semaphore(%run_scoped3A_276 : memref<!tpu.dma_semaphore, #tpu.memory_space<semaphore_mem>>) src(%dma_wait3A_292 : memref<160x128xi32, #tpu.memory_space<hbm>>) dst(%arg7 : memref<160x128xi32, #tpu.memory_space<vmem>>)
      tpu.yield
    }) : () -> ()
    %scan3A = arith.constant 0 : i32
    %scan3A_0 = arith.constant 0 : i32
    %scan3A_1 = arith.constant 128 : i32
    %scan3A_2 = arith.addi %scan3A_0, %scan3A_1 : i32
    %scan3A_3 = arith.constant 1 : i32
    scf.for %scan3A_276 = %scan3A_0 to %scan3A_2 step %scan3A_3  : i32 {
      %broadcast_in_dim3A = arith.constant 0.000000e+00 : f32
      %broadcast_in_dim3A_277 = vector.broadcast %broadcast_in_dim3A : f32 to vector<16xf32>
      %swap3A = arith.constant 0 : i32
      %swap3A_278 = arith.index_cast %swap3A : i32 to index
      %swap3A_279 = arith.index_cast %scan3A_276 : i32 to index
      %swap3A_280 = arith.constant 0 : index
      %swap3A_281 = tpu.vector_load %arg8[%swap3A_278, %swap3A_279, %swap3A_280] {strides = array<i32>} : memref<5x128x64xf32, #tpu.memory_space<vmem>>, vector<1x1x16xf32>,
      %swap3A_282 = vector.shape_cast %swap3A_281 : vector<1x1x16xf32> to vector<16xf32>
      %swap3A_283 = vector.shape_cast %broadcast_in_dim3A_277 : vector<16xf32> to vector<1x1x16xf32>
      tpu.vector_store %arg8[%swap3A_278, %swap3A_279, %swap3A_280], %swap3A_283 {strides = array<i32>} : memref<5x128x64xf32, #tpu.memory_space<vmem>>, vector<1x1x16xf32>,
      %broadcast_in_dim3A_284 = arith.constant 0.000000e+00 : f32
      %broadcast_in_dim3A_285 = vector.broadcast %broadcast_in_dim3A_284 : f32 to vector<16xf32>
      %swap3A_286 = arith.constant 0 : i32
      %swap3A_287 = arith.index_cast %swap3A_286 : i32 to index
      %swap3A_288 = arith.index_cast %scan3A_276 : i32 to index
      %swap3A_289 = arith.constant 16 : index
      %swap3A_290 = tpu.vector_load %arg8[%swap3A_287, %swap3A_288, %swap3A_289] {strides = array<i32>} : memref<5x128x64xf32, #tpu.memory_space<vmem>>, vector<1x1x16xf32>,
      %swap3A_291 = vector.shape_cast %swap3A_290 : vector<1x1x16xf32> to vector<16xf32>
      %swap3A_292 = vector.shape_cast %broadcast_in_dim3A_285 : vector<16xf32> to vector<1x1x16xf32>
      tpu.vector_store %arg8[%swap3A_287, %swap3A_288, %swap3A_289], %swap3A_292 {strides = array<i32>} : memref<5x128x64xf32, #tpu.memory_space<vmem>>, vector<1x1x16xf32>,
      %broadcast_in_dim3A_293 = arith.constant 0.000000e+00 : f32
      %broadcast_in_dim3A_294 = vector.broadcast %broadcast_in_dim3A_293 : f32 to vector<16xf32>
      %swap3A_295 = arith.constant 0 : i32
      %swap3A_296 = arith.index_cast %swap3A_295 : i32 to index
      %swap3A_297 = arith.index_cast %scan3A_276 : i32 to index
      %swap3A_298 = arith.constant 32 : index
      %swap3A_299 = tpu.vector_load %arg8[%swap3A_296, %swap3A_297, %swap3A_298] {strides = array<i32>} : memref<5x128x64xf32, #tpu.memory_space<vmem>>, vector<1x1x16xf32>,
      %swap3A_300 = vector.shape_cast %swap3A_299 : vector<1x1x16xf32> to vector<16xf32>
      %swap3A_301 = vector.shape_cast %broadcast_in_dim3A_294 : vector<16xf32> to vector<1x1x16xf32>
      tpu.vector_store %arg8[%swap3A_296, %swap3A_297, %swap3A_298], %swap3A_301 {strides = array<i32>} : memref<5x128x64xf32, #tpu.memory_space<vmem>>, vector<1x1x16xf32>,
      %broadcast_in_dim3A_302 = arith.constant 0.000000e+00 : f32
      %broadcast_in_dim3A_303 = vector.broadcast %broadcast_in_dim3A_302 : f32 to vector<16xf32>
      %swap3A_304 = arith.constant 0 : i32
      %swap3A_305 = arith.index_cast %swap3A_304 : i32 to index
      %swap3A_306 = arith.index_cast %scan3A_276 : i32 to index
      %swap3A_307 = arith.constant 48 : index
      %swap3A_308 = tpu.vector_load %arg8[%swap3A_305, %swap3A_306, %swap3A_307] {strides = array<i32>} : memref<5x128x64xf32, #tpu.memory_space<vmem>>, vector<1x1x16xf32>,
      %swap3A_309 = vector.shape_cast %swap3A_308 : vector<1x1x16xf32> to vector<16xf32>
      %swap3A_310 = vector.shape_cast %broadcast_in_dim3A_303 : vector<16xf32> to vector<1x1x16xf32>
      tpu.vector_store %arg8[%swap3A_305, %swap3A_306, %swap3A_307], %swap3A_310 {strides = array<i32>} : memref<5x128x64xf32, #tpu.memory_space<vmem>>, vector<1x1x16xf32>,
    }
    %scan3A_4 = arith.constant 128 : i32
    %mul3A = arith.constant 640 : i32
    %mul3A_5 = arith.muli %arg1, %mul3A : i32
    %add3A = arith.constant 0 : i32
    %add3A_6 = arith.addi %mul3A_5, %add3A : i32
    %run_scoped3A = arith.constant 0 : i32
    "tpu.region"() ({
      %run_scoped3A_276 = tpu.sem_alloc : memref<!tpu.dma_semaphore, #tpu.memory_space<semaphore_mem>>
      %dma_start3A_277 = arith.constant 0 : i32
      %dma_start3A_278 = arith.constant 0 : i32
      %dma_start3A_279 = tpu.memref_slice %arg8[%run_scoped3A, %dma_start3A_277, %dma_start3A_278] : memref<5x128x64xf32, #tpu.memory_space<vmem>> -> memref<1x128x64xf32, #tpu.memory_space<vmem>>
      %dma_start3A_280 = tpu.memref_squeeze %dma_start3A_279 : memref<1x128x64xf32, #tpu.memory_space<vmem>> -> memref<128x64xf32, #tpu.memory_space<vmem>>
      %dma_start3A_281 = arith.constant 0 : i32
      %dma_start3A_282 = tpu.memref_slice %arg9[%add3A_6, %dma_start3A_281] : memref<10240x64xf32, #tpu.memory_space<vmem_shared>> -> memref<128x64xf32, #tpu.memory_space<vmem_shared>>
      %dma_start3A_283 = arith.constant 0 : i32
      %dma_start3A_284 = tpu.memref_slice %arg9[%add3A_6, %dma_start3A_283] : memref<10240x64xf32, #tpu.memory_space<vmem_shared>> -> memref<128x64xf32, #tpu.memory_space<vmem_shared>>
      %dma_start3A_285 = arith.constant 0 : i32
      %dma_start3A_286 = arith.constant 0 : i32
      %dma_start3A_287 = tpu.memref_slice %arg8[%run_scoped3A, %dma_start3A_285, %dma_start3A_286] : memref<5x128x64xf32, #tpu.memory_space<vmem>> -> memref<1x128x64xf32, #tpu.memory_space<vmem>>
      %dma_start3A_288 = tpu.memref_squeeze %dma_start3A_287 : memref<1x128x64xf32, #tpu.memory_space<vmem>> -> memref<128x64xf32, #tpu.memory_space<vmem>>
      tpu.enqueue_dma source(%dma_start3A_288 : memref<128x64xf32, #tpu.memory_space<vmem>>) target(%dma_start3A_284 : memref<128x64xf32, #tpu.memory_space<vmem_shared>>) target_semaphore(%run_scoped3A_276 : memref<!tpu.dma_semaphore, #tpu.memory_space<semaphore_mem>>)
      %dma_wait3A_289 = arith.constant 0 : i32
      %dma_wait3A_290 = arith.constant 0 : i32
      %dma_wait3A_291 = tpu.memref_slice %arg8[%run_scoped3A, %dma_wait3A_289, %dma_wait3A_290] : memref<5x128x64xf32, #tpu.memory_space<vmem>> -> memref<1x128x64xf32, #tpu.memory_space<vmem>>
      %dma_wait3A_292 = tpu.memref_squeeze %dma_wait3A_291 : memref<1x128x64xf32, #tpu.memory_space<vmem>> -> memref<128x64xf32, #tpu.memory_space<vmem>>
      %dma_wait3A_293 = arith.constant 0 : i32
      %dma_wait3A_294 = tpu.memref_slice %arg9[%add3A_6, %dma_wait3A_293] : memref<10240x64xf32, #tpu.memory_space<vmem_shared>> -> memref<128x64xf32, #tpu.memory_space<vmem_shared>>
      %dma_wait3A_295 = arith.constant 0 : i32
      %dma_wait3A_296 = tpu.memref_slice %arg9[%add3A_6, %dma_wait3A_295] : memref<10240x64xf32, #tpu.memory_space<vmem_shared>> -> memref<128x64xf32, #tpu.memory_space<vmem_shared>>
      %dma_wait3A_297 = arith.constant 0 : i32
      %dma_wait3A_298 = arith.constant 0 : i32
      %dma_wait3A_299 = tpu.memref_slice %arg8[%run_scoped3A, %dma_wait3A_297, %dma_wait3A_298] : memref<5x128x64xf32, #tpu.memory_space<vmem>> -> memref<1x128x64xf32, #tpu.memory_space<vmem>>
      %dma_wait3A_300 = tpu.memref_squeeze %dma_wait3A_299 : memref<1x128x64xf32, #tpu.memory_space<vmem>> -> memref<128x64xf32, #tpu.memory_space<vmem>>
      tpu.wait_dma2 semaphore(%run_scoped3A_276 : memref<!tpu.dma_semaphore, #tpu.memory_space<semaphore_mem>>) src(%dma_wait3A_300 : memref<128x64xf32, #tpu.memory_space<vmem>>) dst(%dma_wait3A_296 : memref<128x64xf32, #tpu.memory_space<vmem_shared>>)
      tpu.yield
    }) : () -> ()
    %mul3A_7 = arith.constant 640 : i32
    %mul3A_8 = arith.muli %arg1, %mul3A_7 : i32
    %add3A_9 = arith.constant 128 : i32
    %add3A_10 = arith.addi %mul3A_8, %add3A_9 : i32
    %run_scoped3A_11 = arith.constant 0 : i32
    "tpu.region"() ({
      %run_scoped3A_276 = tpu.sem_alloc : memref<!tpu.dma_semaphore, #tpu.memory_space<semaphore_mem>>
      %dma_start3A_277 = arith.constant 0 : i32
      %dma_start3A_278 = arith.constant 0 : i32
      %dma_start3A_279 = tpu.memref_slice %arg8[%run_scoped3A_11, %dma_start3A_277, %dma_start3A_278] : memref<5x128x64xf32, #tpu.memory_space<vmem>> -> memref<1x128x64xf32, #tpu.memory_space<vmem>>
      %dma_start3A_280 = tpu.memref_squeeze %dma_start3A_279 : memref<1x128x64xf32, #tpu.memory_space<vmem>> -> memref<128x64xf32, #tpu.memory_space<vmem>>
      %dma_start3A_281 = arith.constant 0 : i32
      %dma_start3A_282 = tpu.memref_slice %arg9[%add3A_10, %dma_start3A_281] : memref<10240x64xf32, #tpu.memory_space<vmem_shared>> -> memref<128x64xf32, #tpu.memory_space<vmem_shared>>
      %dma_start3A_283 = arith.constant 0 : i32
      %dma_start3A_284 = tpu.memref_slice %arg9[%add3A_10, %dma_start3A_283] : memref<10240x64xf32, #tpu.memory_space<vmem_shared>> -> memref<128x64xf32, #tpu.memory_space<vmem_shared>>
      %dma_start3A_285 = arith.constant 0 : i32
      %dma_start3A_286 = arith.constant 0 : i32
      %dma_start3A_287 = tpu.memref_slice %arg8[%run_scoped3A_11, %dma_start3A_285, %dma_start3A_286] : memref<5x128x64xf32, #tpu.memory_space<vmem>> -> memref<1x128x64xf32, #tpu.memory_space<vmem>>
      %dma_start3A_288 = tpu.memref_squeeze %dma_start3A_287 : memref<1x128x64xf32, #tpu.memory_space<vmem>> -> memref<128x64xf32, #tpu.memory_space<vmem>>
      tpu.enqueue_dma source(%dma_start3A_288 : memref<128x64xf32, #tpu.memory_space<vmem>>) target(%dma_start3A_284 : memref<128x64xf32, #tpu.memory_space<vmem_shared>>) target_semaphore(%run_scoped3A_276 : memref<!tpu.dma_semaphore, #tpu.memory_space<semaphore_mem>>)
      %dma_wait3A_289 = arith.constant 0 : i32
      %dma_wait3A_290 = arith.constant 0 : i32
      %dma_wait3A_291 = tpu.memref_slice %arg8[%run_scoped3A_11, %dma_wait3A_289, %dma_wait3A_290] : memref<5x128x64xf32, #tpu.memory_space<vmem>> -> memref<1x128x64xf32, #tpu.memory_space<vmem>>
      %dma_wait3A_292 = tpu.memref_squeeze %dma_wait3A_291 : memref<1x128x64xf32, #tpu.memory_space<vmem>> -> memref<128x64xf32, #tpu.memory_space<vmem>>
      %dma_wait3A_293 = arith.constant 0 : i32
      %dma_wait3A_294 = tpu.memref_slice %arg9[%add3A_10, %dma_wait3A_293] : memref<10240x64xf32, #tpu.memory_space<vmem_shared>> -> memref<128x64xf32, #tpu.memory_space<vmem_shared>>
      %dma_wait3A_295 = arith.constant 0 : i32
      %dma_wait3A_296 = tpu.memref_slice %arg9[%add3A_10, %dma_wait3A_295] : memref<10240x64xf32, #tpu.memory_space<vmem_shared>> -> memref<128x64xf32, #tpu.memory_space<vmem_shared>>
      %dma_wait3A_297 = arith.constant 0 : i32
      %dma_wait3A_298 = arith.constant 0 : i32
      %dma_wait3A_299 = tpu.memref_slice %arg8[%run_scoped3A_11, %dma_wait3A_297, %dma_wait3A_298] : memref<5x128x64xf32, #tpu.memory_space<vmem>> -> memref<1x128x64xf32, #tpu.memory_space<vmem>>
      %dma_wait3A_300 = tpu.memref_squeeze %dma_wait3A_299 : memref<1x128x64xf32, #tpu.memory_space<vmem>> -> memref<128x64xf32, #tpu.memory_space<vmem>>
      tpu.wait_dma2 semaphore(%run_scoped3A_276 : memref<!tpu.dma_semaphore, #tpu.memory_space<semaphore_mem>>) src(%dma_wait3A_300 : memref<128x64xf32, #tpu.memory_space<vmem>>) dst(%dma_wait3A_296 : memref<128x64xf32, #tpu.memory_space<vmem_shared>>)
      tpu.yield
    }) : () -> ()
    %mul3A_12 = arith.constant 640 : i32
    %mul3A_13 = arith.muli %arg1, %mul3A_12 : i32
    %add3A_14 = arith.constant 256 : i32
    %add3A_15 = arith.addi %mul3A_13, %add3A_14 : i32
    %run_scoped3A_16 = arith.constant 0 : i32
    "tpu.region"() ({
      %run_scoped3A_276 = tpu.sem_alloc : memref<!tpu.dma_semaphore, #tpu.memory_space<semaphore_mem>>
      %dma_start3A_277 = arith.constant 0 : i32
      %dma_start3A_278 = arith.constant 0 : i32
      %dma_start3A_279 = tpu.memref_slice %arg8[%run_scoped3A_16, %dma_start3A_277, %dma_start3A_278] : memref<5x128x64xf32, #tpu.memory_space<vmem>> -> memref<1x128x64xf32, #tpu.memory_space<vmem>>
      %dma_start3A_280 = tpu.memref_squeeze %dma_start3A_279 : memref<1x128x64xf32, #tpu.memory_space<vmem>> -> memref<128x64xf32, #tpu.memory_space<vmem>>
      %dma_start3A_281 = arith.constant 0 : i32
      %dma_start3A_282 = tpu.memref_slice %arg9[%add3A_15, %dma_start3A_281] : memref<10240x64xf32, #tpu.memory_space<vmem_shared>> -> memref<128x64xf32, #tpu.memory_space<vmem_shared>>
      %dma_start3A_283 = arith.constant 0 : i32
      %dma_start3A_284 = tpu.memref_slice %arg9[%add3A_15, %dma_start3A_283] : memref<10240x64xf32, #tpu.memory_space<vmem_shared>> -> memref<128x64xf32, #tpu.memory_space<vmem_shared>>
      %dma_start3A_285 = arith.constant 0 : i32
      %dma_start3A_286 = arith.constant 0 : i32
      %dma_start3A_287 = tpu.memref_slice %arg8[%run_scoped3A_16, %dma_start3A_285, %dma_start3A_286] : memref<5x128x64xf32, #tpu.memory_space<vmem>> -> memref<1x128x64xf32, #tpu.memory_space<vmem>>
      %dma_start3A_288 = tpu.memref_squeeze %dma_start3A_287 : memref<1x128x64xf32, #tpu.memory_space<vmem>> -> memref<128x64xf32, #tpu.memory_space<vmem>>
      tpu.enqueue_dma source(%dma_start3A_288 : memref<128x64xf32, #tpu.memory_space<vmem>>) target(%dma_start3A_284 : memref<128x64xf32, #tpu.memory_space<vmem_shared>>) target_semaphore(%run_scoped3A_276 : memref<!tpu.dma_semaphore, #tpu.memory_space<semaphore_mem>>)
      %dma_wait3A_289 = arith.constant 0 : i32
      %dma_wait3A_290 = arith.constant 0 : i32
      %dma_wait3A_291 = tpu.memref_slice %arg8[%run_scoped3A_16, %dma_wait3A_289, %dma_wait3A_290] : memref<5x128x64xf32, #tpu.memory_space<vmem>> -> memref<1x128x64xf32, #tpu.memory_space<vmem>>
      %dma_wait3A_292 = tpu.memref_squeeze %dma_wait3A_291 : memref<1x128x64xf32, #tpu.memory_space<vmem>> -> memref<128x64xf32, #tpu.memory_space<vmem>>
      %dma_wait3A_293 = arith.constant 0 : i32
      %dma_wait3A_294 = tpu.memref_slice %arg9[%add3A_15, %dma_wait3A_293] : memref<10240x64xf32, #tpu.memory_space<vmem_shared>> -> memref<128x64xf32, #tpu.memory_space<vmem_shared>>
      %dma_wait3A_295 = arith.constant 0 : i32
      %dma_wait3A_296 = tpu.memref_slice %arg9[%add3A_15, %dma_wait3A_295] : memref<10240x64xf32, #tpu.memory_space<vmem_shared>> -> memref<128x64xf32, #tpu.memory_space<vmem_shared>>
      %dma_wait3A_297 = arith.constant 0 : i32
      %dma_wait3A_298 = arith.constant 0 : i32
      %dma_wait3A_299 = tpu.memref_slice %arg8[%run_scoped3A_16, %dma_wait3A_297, %dma_wait3A_298] : memref<5x128x64xf32, #tpu.memory_space<vmem>> -> memref<1x128x64xf32, #tpu.memory_space<vmem>>
      %dma_wait3A_300 = tpu.memref_squeeze %dma_wait3A_299 : memref<1x128x64xf32, #tpu.memory_space<vmem>> -> memref<128x64xf32, #tpu.memory_space<vmem>>
      tpu.wait_dma2 semaphore(%run_scoped3A_276 : memref<!tpu.dma_semaphore, #tpu.memory_space<semaphore_mem>>) src(%dma_wait3A_300 : memref<128x64xf32, #tpu.memory_space<vmem>>) dst(%dma_wait3A_296 : memref<128x64xf32, #tpu.memory_space<vmem_shared>>)
      tpu.yield
    }) : () -> ()
    %mul3A_17 = arith.constant 640 : i32
    %mul3A_18 = arith.muli %arg1, %mul3A_17 : i32
    %add3A_19 = arith.constant 384 : i32
    %add3A_20 = arith.addi %mul3A_18, %add3A_19 : i32
    %run_scoped3A_21 = arith.constant 0 : i32
    "tpu.region"() ({
      %run_scoped3A_276 = tpu.sem_alloc : memref<!tpu.dma_semaphore, #tpu.memory_space<semaphore_mem>>
      %dma_start3A_277 = arith.constant 0 : i32
      %dma_start3A_278 = arith.constant 0 : i32
      %dma_start3A_279 = tpu.memref_slice %arg8[%run_scoped3A_21, %dma_start3A_277, %dma_start3A_278] : memref<5x128x64xf32, #tpu.memory_space<vmem>> -> memref<1x128x64xf32, #tpu.memory_space<vmem>>
      %dma_start3A_280 = tpu.memref_squeeze %dma_start3A_279 : memref<1x128x64xf32, #tpu.memory_space<vmem>> -> memref<128x64xf32, #tpu.memory_space<vmem>>
      %dma_start3A_281 = arith.constant 0 : i32
      %dma_start3A_282 = tpu.memref_slice %arg9[%add3A_20, %dma_start3A_281] : memref<10240x64xf32, #tpu.memory_space<vmem_shared>> -> memref<128x64xf32, #tpu.memory_space<vmem_shared>>
      %dma_start3A_283 = arith.constant 0 : i32
      %dma_start3A_284 = tpu.memref_slice %arg9[%add3A_20, %dma_start3A_283] : memref<10240x64xf32, #tpu.memory_space<vmem_shared>> -> memref<128x64xf32, #tpu.memory_space<vmem_shared>>
      %dma_start3A_285 = arith.constant 0 : i32
      %dma_start3A_286 = arith.constant 0 : i32
      %dma_start3A_287 = tpu.memref_slice %arg8[%run_scoped3A_21, %dma_start3A_285, %dma_start3A_286] : memref<5x128x64xf32, #tpu.memory_space<vmem>> -> memref<1x128x64xf32, #tpu.memory_space<vmem>>
      %dma_start3A_288 = tpu.memref_squeeze %dma_start3A_287 : memref<1x128x64xf32, #tpu.memory_space<vmem>> -> memref<128x64xf32, #tpu.memory_space<vmem>>
      tpu.enqueue_dma source(%dma_start3A_288 : memref<128x64xf32, #tpu.memory_space<vmem>>) target(%dma_start3A_284 : memref<128x64xf32, #tpu.memory_space<vmem_shared>>) target_semaphore(%run_scoped3A_276 : memref<!tpu.dma_semaphore, #tpu.memory_space<semaphore_mem>>)
      %dma_wait3A_289 = arith.constant 0 : i32
      %dma_wait3A_290 = arith.constant 0 : i32
      %dma_wait3A_291 = tpu.memref_slice %arg8[%run_scoped3A_21, %dma_wait3A_289, %dma_wait3A_290] : memref<5x128x64xf32, #tpu.memory_space<vmem>> -> memref<1x128x64xf32, #tpu.memory_space<vmem>>
      %dma_wait3A_292 = tpu.memref_squeeze %dma_wait3A_291 : memref<1x128x64xf32, #tpu.memory_space<vmem>> -> memref<128x64xf32, #tpu.memory_space<vmem>>
      %dma_wait3A_293 = arith.constant 0 : i32
      %dma_wait3A_294 = tpu.memref_slice %arg9[%add3A_20, %dma_wait3A_293] : memref<10240x64xf32, #tpu.memory_space<vmem_shared>> -> memref<128x64xf32, #tpu.memory_space<vmem_shared>>
      %dma_wait3A_295 = arith.constant 0 : i32
      %dma_wait3A_296 = tpu.memref_slice %arg9[%add3A_20, %dma_wait3A_295] : memref<10240x64xf32, #tpu.memory_space<vmem_shared>> -> memref<128x64xf32, #tpu.memory_space<vmem_shared>>
      %dma_wait3A_297 = arith.constant 0 : i32
      %dma_wait3A_298 = arith.constant 0 : i32
      %dma_wait3A_299 = tpu.memref_slice %arg8[%run_scoped3A_21, %dma_wait3A_297, %dma_wait3A_298] : memref<5x128x64xf32, #tpu.memory_space<vmem>> -> memref<1x128x64xf32, #tpu.memory_space<vmem>>
      %dma_wait3A_300 = tpu.memref_squeeze %dma_wait3A_299 : memref<1x128x64xf32, #tpu.memory_space<vmem>> -> memref<128x64xf32, #tpu.memory_space<vmem>>
      tpu.wait_dma2 semaphore(%run_scoped3A_276 : memref<!tpu.dma_semaphore, #tpu.memory_space<semaphore_mem>>) src(%dma_wait3A_300 : memref<128x64xf32, #tpu.memory_space<vmem>>) dst(%dma_wait3A_296 : memref<128x64xf32, #tpu.memory_space<vmem_shared>>)
      tpu.yield
    }) : () -> ()
    %mul3A_22 = arith.constant 640 : i32
    %mul3A_23 = arith.muli %arg1, %mul3A_22 : i32
    %add3A_24 = arith.constant 512 : i32
    %add3A_25 = arith.addi %mul3A_23, %add3A_24 : i32
    %run_scoped3A_26 = arith.constant 0 : i32
    "tpu.region"() ({
      %run_scoped3A_276 = tpu.sem_alloc : memref<!tpu.dma_semaphore, #tpu.memory_space<semaphore_mem>>
      %dma_start3A_277 = arith.constant 0 : i32
      %dma_start3A_278 = arith.constant 0 : i32
      %dma_start3A_279 = tpu.memref_slice %arg8[%run_scoped3A_26, %dma_start3A_277, %dma_start3A_278] : memref<5x128x64xf32, #tpu.memory_space<vmem>> -> memref<1x128x64xf32, #tpu.memory_space<vmem>>
      %dma_start3A_280 = tpu.memref_squeeze %dma_start3A_279 : memref<1x128x64xf32, #tpu.memory_space<vmem>> -> memref<128x64xf32, #tpu.memory_space<vmem>>
      %dma_start3A_281 = arith.constant 0 : i32
      %dma_start3A_282 = tpu.memref_slice %arg9[%add3A_25, %dma_start3A_281] : memref<10240x64xf32, #tpu.memory_space<vmem_shared>> -> memref<128x64xf32, #tpu.memory_space<vmem_shared>>
      %dma_start3A_283 = arith.constant 0 : i32
      %dma_start3A_284 = tpu.memref_slice %arg9[%add3A_25, %dma_start3A_283] : memref<10240x64xf32, #tpu.memory_space<vmem_shared>> -> memref<128x64xf32, #tpu.memory_space<vmem_shared>>
      %dma_start3A_285 = arith.constant 0 : i32
      %dma_start3A_286 = arith.constant 0 : i32
      %dma_start3A_287 = tpu.memref_slice %arg8[%run_scoped3A_26, %dma_start3A_285, %dma_start3A_286] : memref<5x128x64xf32, #tpu.memory_space<vmem>> -> memref<1x128x64xf32, #tpu.memory_space<vmem>>
      %dma_start3A_288 = tpu.memref_squeeze %dma_start3A_287 : memref<1x128x64xf32, #tpu.memory_space<vmem>> -> memref<128x64xf32, #tpu.memory_space<vmem>>
      tpu.enqueue_dma source(%dma_start3A_288 : memref<128x64xf32, #tpu.memory_space<vmem>>) target(%dma_start3A_284 : memref<128x64xf32, #tpu.memory_space<vmem_shared>>) target_semaphore(%run_scoped3A_276 : memref<!tpu.dma_semaphore, #tpu.memory_space<semaphore_mem>>)
      %dma_wait3A_289 = arith.constant 0 : i32
      %dma_wait3A_290 = arith.constant 0 : i32
      %dma_wait3A_291 = tpu.memref_slice %arg8[%run_scoped3A_26, %dma_wait3A_289, %dma_wait3A_290] : memref<5x128x64xf32, #tpu.memory_space<vmem>> -> memref<1x128x64xf32, #tpu.memory_space<vmem>>
      %dma_wait3A_292 = tpu.memref_squeeze %dma_wait3A_291 : memref<1x128x64xf32, #tpu.memory_space<vmem>> -> memref<128x64xf32, #tpu.memory_space<vmem>>
      %dma_wait3A_293 = arith.constant 0 : i32
      %dma_wait3A_294 = tpu.memref_slice %arg9[%add3A_25, %dma_wait3A_293] : memref<10240x64xf32, #tpu.memory_space<vmem_shared>> -> memref<128x64xf32, #tpu.memory_space<vmem_shared>>
      %dma_wait3A_295 = arith.constant 0 : i32
      %dma_wait3A_296 = tpu.memref_slice %arg9[%add3A_25, %dma_wait3A_295] : memref<10240x64xf32, #tpu.memory_space<vmem_shared>> -> memref<128x64xf32, #tpu.memory_space<vmem_shared>>
      %dma_wait3A_297 = arith.constant 0 : i32
      %dma_wait3A_298 = arith.constant 0 : i32
      %dma_wait3A_299 = tpu.memref_slice %arg8[%run_scoped3A_26, %dma_wait3A_297, %dma_wait3A_298] : memref<5x128x64xf32, #tpu.memory_space<vmem>> -> memref<1x128x64xf32, #tpu.memory_space<vmem>>
      %dma_wait3A_300 = tpu.memref_squeeze %dma_wait3A_299 : memref<1x128x64xf32, #tpu.memory_space<vmem>> -> memref<128x64xf32, #tpu.memory_space<vmem>>
      tpu.wait_dma2 semaphore(%run_scoped3A_276 : memref<!tpu.dma_semaphore, #tpu.memory_space<semaphore_mem>>) src(%dma_wait3A_300 : memref<128x64xf32, #tpu.memory_space<vmem>>) dst(%dma_wait3A_296 : memref<128x64xf32, #tpu.memory_space<vmem_shared>>)
      tpu.yield
    }) : () -> ()
    %barrier3A = arith.constant 0 : index
    tpu.barrier barrier_id(%barrier3A)
    %dma_start3A = arith.constant 0 : i32
    %dma_start3A_27 = arith.constant 0 : i32
    %dma_start3A_28 = arith.constant 0 : i32
    %dma_start3A_29 = arith.constant 0 : i32
    %dma_start3A_30 = tpu.memref_slice %arg8[%dma_start3A_27, %dma_start3A_28, %dma_start3A_29] : memref<5x128x64xf32, #tpu.memory_space<vmem>> -> memref<1x128x64xf32, #tpu.memory_space<vmem>>
    %dma_start3A_31 = tpu.memref_squeeze %dma_start3A_30 : memref<1x128x64xf32, #tpu.memory_space<vmem>> -> memref<128x64xf32, #tpu.memory_space<vmem>>
    %dma_start3A_32 = arith.constant 0 : i32
    %dma_start3A_33 = tpu.memref_slice %arg6[%dma_start3A, %dma_start3A_32] : memref<160x128xi32, #tpu.memory_space<vmem>> -> memref<1x128xi32, #tpu.memory_space<vmem>>
    %dma_start3A_34 = tpu.memref_squeeze %dma_start3A_33 : memref<1x128xi32, #tpu.memory_space<vmem>> -> memref<128xi32, #tpu.memory_space<vmem>>
    %dma_start3A_35 = arith.constant 0 : i32
    %dma_start3A_36 = arith.constant 0 : i32
    %dma_start3A_37 = tpu.memref_slice %arg2[%dma_start3A_35, %dma_start3A_36] : memref<200000x64xf32, #tpu.memory_space<hbm>> -> memref<200000x64xf32, #tpu.memory_space<hbm>>
    tpu.enqueue_indirect_dma source(%dma_start3A_37 : memref<200000x64xf32, #tpu.memory_space<hbm>>) target(%dma_start3A_31 : memref<128x64xf32, #tpu.memory_space<vmem>>) offsets(%dma_start3A_34 : memref<128xi32, #tpu.memory_space<vmem>>) semaphore(%arg10 : memref<!tpu.dma_semaphore, #tpu.memory_space<semaphore_mem>>)
    %dma_start3A_38 = arith.constant 1 : i32
    %dma_start3A_39 = arith.constant 1 : i32
    %dma_start3A_40 = arith.constant 0 : i32
    %dma_start3A_41 = arith.constant 0 : i32
    %dma_start3A_42 = tpu.memref_slice %arg8[%dma_start3A_39, %dma_start3A_40, %dma_start3A_41] : memref<5x128x64xf32, #tpu.memory_space<vmem>> -> memref<1x128x64xf32, #tpu.memory_space<vmem>>
    %dma_start3A_43 = tpu.memref_squeeze %dma_start3A_42 : memref<1x128x64xf32, #tpu.memory_space<vmem>> -> memref<128x64xf32, #tpu.memory_space<vmem>>
    %dma_start3A_44 = arith.constant 0 : i32
    %dma_start3A_45 = tpu.memref_slice %arg6[%dma_start3A_38, %dma_start3A_44] : memref<160x128xi32, #tpu.memory_space<vmem>> -> memref<1x128xi32, #tpu.memory_space<vmem>>
    %dma_start3A_46 = tpu.memref_squeeze %dma_start3A_45 : memref<1x128xi32, #tpu.memory_space<vmem>> -> memref<128xi32, #tpu.memory_space<vmem>>
    %dma_start3A_47 = arith.constant 0 : i32
    %dma_start3A_48 = arith.constant 0 : i32
    %dma_start3A_49 = tpu.memref_slice %arg2[%dma_start3A_47, %dma_start3A_48] : memref<200000x64xf32, #tpu.memory_space<hbm>> -> memref<200000x64xf32, #tpu.memory_space<hbm>>
    tpu.enqueue_indirect_dma source(%dma_start3A_49 : memref<200000x64xf32, #tpu.memory_space<hbm>>) target(%dma_start3A_43 : memref<128x64xf32, #tpu.memory_space<vmem>>) offsets(%dma_start3A_46 : memref<128xi32, #tpu.memory_space<vmem>>) semaphore(%arg11 : memref<!tpu.dma_semaphore, #tpu.memory_space<semaphore_mem>>)
    %dma_start3A_50 = arith.constant 2 : i32
    %dma_start3A_51 = arith.constant 2 : i32
    %dma_start3A_52 = arith.constant 0 : i32
    %dma_start3A_53 = arith.constant 0 : i32
    %dma_start3A_54 = tpu.memref_slice %arg8[%dma_start3A_51, %dma_start3A_52, %dma_start3A_53] : memref<5x128x64xf32, #tpu.memory_space<vmem>> -> memref<1x128x64xf32, #tpu.memory_space<vmem>>
    %dma_start3A_55 = tpu.memref_squeeze %dma_start3A_54 : memref<1x128x64xf32, #tpu.memory_space<vmem>> -> memref<128x64xf32, #tpu.memory_space<vmem>>
    %dma_start3A_56 = arith.constant 0 : i32
    %dma_start3A_57 = tpu.memref_slice %arg6[%dma_start3A_50, %dma_start3A_56] : memref<160x128xi32, #tpu.memory_space<vmem>> -> memref<1x128xi32, #tpu.memory_space<vmem>>
    %dma_start3A_58 = tpu.memref_squeeze %dma_start3A_57 : memref<1x128xi32, #tpu.memory_space<vmem>> -> memref<128xi32, #tpu.memory_space<vmem>>
    %dma_start3A_59 = arith.constant 0 : i32
    %dma_start3A_60 = arith.constant 0 : i32
    %dma_start3A_61 = tpu.memref_slice %arg2[%dma_start3A_59, %dma_start3A_60] : memref<200000x64xf32, #tpu.memory_space<hbm>> -> memref<200000x64xf32, #tpu.memory_space<hbm>>
    tpu.enqueue_indirect_dma source(%dma_start3A_61 : memref<200000x64xf32, #tpu.memory_space<hbm>>) target(%dma_start3A_55 : memref<128x64xf32, #tpu.memory_space<vmem>>) offsets(%dma_start3A_58 : memref<128xi32, #tpu.memory_space<vmem>>) semaphore(%arg12 : memref<!tpu.dma_semaphore, #tpu.memory_space<semaphore_mem>>)
    %dma_start3A_62 = arith.constant 3 : i32
    %dma_start3A_63 = arith.constant 3 : i32
    %dma_start3A_64 = arith.constant 0 : i32
    %dma_start3A_65 = arith.constant 0 : i32
    %dma_start3A_66 = tpu.memref_slice %arg8[%dma_start3A_63, %dma_start3A_64, %dma_start3A_65] : memref<5x128x64xf32, #tpu.memory_space<vmem>> -> memref<1x128x64xf32, #tpu.memory_space<vmem>>
    %dma_start3A_67 = tpu.memref_squeeze %dma_start3A_66 : memref<1x128x64xf32, #tpu.memory_space<vmem>> -> memref<128x64xf32, #tpu.memory_space<vmem>>
    %dma_start3A_68 = arith.constant 0 : i32
    %dma_start3A_69 = tpu.memref_slice %arg6[%dma_start3A_62, %dma_start3A_68] : memref<160x128xi32, #tpu.memory_space<vmem>> -> memref<1x128xi32, #tpu.memory_space<vmem>>
    %dma_start3A_70 = tpu.memref_squeeze %dma_start3A_69 : memref<1x128xi32, #tpu.memory_space<vmem>> -> memref<128xi32, #tpu.memory_space<vmem>>
    %dma_start3A_71 = arith.constant 0 : i32
    %dma_start3A_72 = arith.constant 0 : i32
    %dma_start3A_73 = tpu.memref_slice %arg2[%dma_start3A_71, %dma_start3A_72] : memref<200000x64xf32, #tpu.memory_space<hbm>> -> memref<200000x64xf32, #tpu.memory_space<hbm>>
    tpu.enqueue_indirect_dma source(%dma_start3A_73 : memref<200000x64xf32, #tpu.memory_space<hbm>>) target(%dma_start3A_67 : memref<128x64xf32, #tpu.memory_space<vmem>>) offsets(%dma_start3A_70 : memref<128xi32, #tpu.memory_space<vmem>>) semaphore(%arg13 : memref<!tpu.dma_semaphore, #tpu.memory_space<semaphore_mem>>)
    %dma_wait3A = arith.constant 0 : i32
    %dma_wait3A_74 = arith.constant 0 : i32
    %dma_wait3A_75 = arith.constant 0 : i32
    %dma_wait3A_76 = arith.constant 0 : i32
    %dma_wait3A_77 = tpu.memref_slice %arg8[%dma_wait3A_74, %dma_wait3A_75, %dma_wait3A_76] : memref<5x128x64xf32, #tpu.memory_space<vmem>> -> memref<1x128x64xf32, #tpu.memory_space<vmem>>
    %dma_wait3A_78 = tpu.memref_squeeze %dma_wait3A_77 : memref<1x128x64xf32, #tpu.memory_space<vmem>> -> memref<128x64xf32, #tpu.memory_space<vmem>>
    %dma_wait3A_79 = arith.constant 0 : i32
    %dma_wait3A_80 = tpu.memref_slice %arg6[%dma_wait3A, %dma_wait3A_79] : memref<160x128xi32, #tpu.memory_space<vmem>> -> memref<1x128xi32, #tpu.memory_space<vmem>>
    %dma_wait3A_81 = tpu.memref_squeeze %dma_wait3A_80 : memref<1x128xi32, #tpu.memory_space<vmem>> -> memref<128xi32, #tpu.memory_space<vmem>>
    %dma_wait3A_82 = arith.constant 0 : i32
    %dma_wait3A_83 = arith.constant 0 : i32
    %dma_wait3A_84 = tpu.memref_slice %arg2[%dma_wait3A_82, %dma_wait3A_83] : memref<200000x64xf32, #tpu.memory_space<hbm>> -> memref<200000x64xf32, #tpu.memory_space<hbm>>
    tpu.wait_indirect_dma semaphore(%arg10 : memref<!tpu.dma_semaphore, #tpu.memory_space<semaphore_mem>>) src(%dma_wait3A_84 : memref<200000x64xf32, #tpu.memory_space<hbm>>) dst(%dma_wait3A_78 : memref<128x64xf32, #tpu.memory_space<vmem>>)
    %dma_start3A_85 = arith.constant 0 : i32
    %dma_start3A_86 = arith.constant 0 : i32
    %dma_start3A_87 = arith.constant 0 : i32
    %dma_start3A_88 = arith.constant 0 : i32
    %dma_start3A_89 = tpu.memref_slice %arg8[%dma_start3A_85, %dma_start3A_87, %dma_start3A_88] : memref<5x128x64xf32, #tpu.memory_space<vmem>> -> memref<1x128x64xf32, #tpu.memory_space<vmem>>
    %dma_start3A_90 = tpu.memref_squeeze %dma_start3A_89 : memref<1x128x64xf32, #tpu.memory_space<vmem>> -> memref<128x64xf32, #tpu.memory_space<vmem>>
    %dma_start3A_91 = arith.constant 0 : i32
    %dma_start3A_92 = tpu.memref_slice %arg7[%dma_start3A_86, %dma_start3A_91] : memref<160x128xi32, #tpu.memory_space<vmem>> -> memref<1x128xi32, #tpu.memory_space<vmem>>
    %dma_start3A_93 = tpu.memref_squeeze %dma_start3A_92 : memref<1x128xi32, #tpu.memory_space<vmem>> -> memref<128xi32, #tpu.memory_space<vmem>>
    %dma_start3A_94 = arith.constant 0 : i32
    %dma_start3A_95 = arith.constant 0 : i32
    %dma_start3A_96 = tpu.memref_slice %arg9[%dma_start3A_94, %dma_start3A_95] : memref<10240x64xf32, #tpu.memory_space<vmem_shared>> -> memref<10240x64xf32, #tpu.memory_space<vmem_shared>>
    tpu.enqueue_indirect_dma source(%dma_start3A_90 : memref<128x64xf32, #tpu.memory_space<vmem>>) target(%dma_start3A_96 : memref<10240x64xf32, #tpu.memory_space<vmem_shared>>) offsets(%dma_start3A_93 : memref<128xi32, #tpu.memory_space<vmem>>) semaphore(%arg15 : memref<!tpu.dma_semaphore, #tpu.memory_space<semaphore_mem>>) {add = true}
    %dma_start3A_97 = arith.constant 4 : i32
    %dma_start3A_98 = arith.constant 4 : i32
    %dma_start3A_99 = arith.constant 0 : i32
    %dma_start3A_100 = arith.constant 0 : i32
    %dma_start3A_101 = tpu.memref_slice %arg8[%dma_start3A_98, %dma_start3A_99, %dma_start3A_100] : memref<5x128x64xf32, #tpu.memory_space<vmem>> -> memref<1x128x64xf32, #tpu.memory_space<vmem>>
    %dma_start3A_102 = tpu.memref_squeeze %dma_start3A_101 : memref<1x128x64xf32, #tpu.memory_space<vmem>> -> memref<128x64xf32, #tpu.memory_space<vmem>>
    %dma_start3A_103 = arith.constant 0 : i32
    %dma_start3A_104 = tpu.memref_slice %arg6[%dma_start3A_97, %dma_start3A_103] : memref<160x128xi32, #tpu.memory_space<vmem>> -> memref<1x128xi32, #tpu.memory_space<vmem>>
    %dma_start3A_105 = tpu.memref_squeeze %dma_start3A_104 : memref<1x128xi32, #tpu.memory_space<vmem>> -> memref<128xi32, #tpu.memory_space<vmem>>
    %dma_start3A_106 = arith.constant 0 : i32
    %dma_start3A_107 = arith.constant 0 : i32
    %dma_start3A_108 = tpu.memref_slice %arg2[%dma_start3A_106, %dma_start3A_107] : memref<200000x64xf32, #tpu.memory_space<hbm>> -> memref<200000x64xf32, #tpu.memory_space<hbm>>
    tpu.enqueue_indirect_dma source(%dma_start3A_108 : memref<200000x64xf32, #tpu.memory_space<hbm>>) target(%dma_start3A_102 : memref<128x64xf32, #tpu.memory_space<vmem>>) offsets(%dma_start3A_105 : memref<128xi32, #tpu.memory_space<vmem>>) semaphore(%arg14 : memref<!tpu.dma_semaphore, #tpu.memory_space<semaphore_mem>>)
    %dma_wait3A_109 = arith.constant 1 : i32
    %dma_wait3A_110 = arith.constant 1 : i32
    %dma_wait3A_111 = arith.constant 0 : i32
    %dma_wait3A_112 = arith.constant 0 : i32
    %dma_wait3A_113 = tpu.memref_slice %arg8[%dma_wait3A_110, %dma_wait3A_111, %dma_wait3A_112] : memref<5x128x64xf32, #tpu.memory_space<vmem>> -> memref<1x128x64xf32, #tpu.memory_space<vmem>>
    %dma_wait3A_114 = tpu.memref_squeeze %dma_wait3A_113 : memref<1x128x64xf32, #tpu.memory_space<vmem>> -> memref<128x64xf32, #tpu.memory_space<vmem>>
    %dma_wait3A_115 = arith.constant 0 : i32
    %dma_wait3A_116 = tpu.memref_slice %arg6[%dma_wait3A_109, %dma_wait3A_115] : memref<160x128xi32, #tpu.memory_space<vmem>> -> memref<1x128xi32, #tpu.memory_space<vmem>>
    %dma_wait3A_117 = tpu.memref_squeeze %dma_wait3A_116 : memref<1x128xi32, #tpu.memory_space<vmem>> -> memref<128xi32, #tpu.memory_space<vmem>>
    %dma_wait3A_118 = arith.constant 0 : i32
    %dma_wait3A_119 = arith.constant 0 : i32
    %dma_wait3A_120 = tpu.memref_slice %arg2[%dma_wait3A_118, %dma_wait3A_119] : memref<200000x64xf32, #tpu.memory_space<hbm>> -> memref<200000x64xf32, #tpu.memory_space<hbm>>
    tpu.wait_indirect_dma semaphore(%arg11 : memref<!tpu.dma_semaphore, #tpu.memory_space<semaphore_mem>>) src(%dma_wait3A_120 : memref<200000x64xf32, #tpu.memory_space<hbm>>) dst(%dma_wait3A_114 : memref<128x64xf32, #tpu.memory_space<vmem>>)
    %dma_start3A_121 = arith.constant 1 : i32
    %dma_start3A_122 = arith.constant 1 : i32
    %dma_start3A_123 = arith.constant 0 : i32
    %dma_start3A_124 = arith.constant 0 : i32
    %dma_start3A_125 = tpu.memref_slice %arg8[%dma_start3A_121, %dma_start3A_123, %dma_start3A_124] : memref<5x128x64xf32, #tpu.memory_space<vmem>> -> memref<1x128x64xf32, #tpu.memory_space<vmem>>
    %dma_start3A_126 = tpu.memref_squeeze %dma_start3A_125 : memref<1x128x64xf32, #tpu.memory_space<vmem>> -> memref<128x64xf32, #tpu.memory_space<vmem>>
    %dma_start3A_127 = arith.constant 0 : i32
    %dma_start3A_128 = tpu.memref_slice %arg7[%dma_start3A_122, %dma_start3A_127] : memref<160x128xi32, #tpu.memory_space<vmem>> -> memref<1x128xi32, #tpu.memory_space<vmem>>
    %dma_start3A_129 = tpu.memref_squeeze %dma_start3A_128 : memref<1x128xi32, #tpu.memory_space<vmem>> -> memref<128xi32, #tpu.memory_space<vmem>>
    %dma_start3A_130 = arith.constant 0 : i32
    %dma_start3A_131 = arith.constant 0 : i32
    %dma_start3A_132 = tpu.memref_slice %arg9[%dma_start3A_130, %dma_start3A_131] : memref<10240x64xf32, #tpu.memory_space<vmem_shared>> -> memref<10240x64xf32, #tpu.memory_space<vmem_shared>>
    tpu.enqueue_indirect_dma source(%dma_start3A_126 : memref<128x64xf32, #tpu.memory_space<vmem>>) target(%dma_start3A_132 : memref<10240x64xf32, #tpu.memory_space<vmem_shared>>) offsets(%dma_start3A_129 : memref<128xi32, #tpu.memory_space<vmem>>) semaphore(%arg16 : memref<!tpu.dma_semaphore, #tpu.memory_space<semaphore_mem>>) {add = true}
    %scan3A_133 = arith.constant 0 : i32
    %scan3A_134 = arith.constant 0 : i32
    %scan3A_135 = arith.constant 31 : i32
    %scan3A_136 = arith.addi %scan3A_134, %scan3A_135 : i32
    %scan3A_137 = arith.constant 1 : i32
    scf.for %scan3A_276 = %scan3A_134 to %scan3A_136 step %scan3A_137  : i32 {
      %mul3A_277 = arith.constant 5 : i32
      %mul3A_278 = arith.muli %scan3A_276, %mul3A_277 : i32
      %add3A_279 = arith.constant 2 : i32
      %add3A_280 = arith.addi %add3A_279, %mul3A_278 : i32
      %add3A_281 = arith.constant 0 : i32
      %add3A_282 = arith.addi %add3A_280, %add3A_281 : i32
      %add3A_283 = arith.constant 3 : i32
      %add3A_284 = arith.addi %add3A_282, %add3A_283 : i32
      %sub3A = arith.constant 5 : i32
      %sub3A_285 = arith.subi %add3A_284, %sub3A : i32
      %dma_wait3A_286 = arith.constant 0 : i32
      %dma_wait3A_287 = arith.constant 0 : i32
      %dma_wait3A_288 = arith.constant 0 : i32
      %dma_wait3A_289 = tpu.memref_slice %arg8[%dma_wait3A_286, %dma_wait3A_287, %dma_wait3A_288] : memref<5x128x64xf32, #tpu.memory_space<vmem>> -> memref<1x128x64xf32, #tpu.memory_space<vmem>>
      %dma_wait3A_290 = tpu.memref_squeeze %dma_wait3A_289 : memref<1x128x64xf32, #tpu.memory_space<vmem>> -> memref<128x64xf32, #tpu.memory_space<vmem>>
      %dma_wait3A_291 = arith.constant 0 : i32
      %dma_wait3A_292 = tpu.memref_slice %arg7[%sub3A_285, %dma_wait3A_291] : memref<160x128xi32, #tpu.memory_space<vmem>> -> memref<1x128xi32, #tpu.memory_space<vmem>>
      %dma_wait3A_293 = tpu.memref_squeeze %dma_wait3A_292 : memref<1x128xi32, #tpu.memory_space<vmem>> -> memref<128xi32, #tpu.memory_space<vmem>>
      %dma_wait3A_294 = arith.constant 0 : i32
      %dma_wait3A_295 = arith.constant 0 : i32
      %dma_wait3A_296 = tpu.memref_slice %arg9[%dma_wait3A_294, %dma_wait3A_295] : memref<10240x64xf32, #tpu.memory_space<vmem_shared>> -> memref<10240x64xf32, #tpu.memory_space<vmem_shared>>
      tpu.wait_indirect_dma semaphore(%arg15 : memref<!tpu.dma_semaphore, #tpu.memory_space<semaphore_mem>>) src(%dma_wait3A_290 : memref<128x64xf32, #tpu.memory_space<vmem>>) dst(%dma_wait3A_296 : memref<10240x64xf32, #tpu.memory_space<vmem_shared>>)
      %add3A_297 = arith.constant 3 : i32
      %add3A_298 = arith.addi %add3A_282, %add3A_297 : i32
      %dma_start3A_299 = arith.constant 0 : i32
      %dma_start3A_300 = arith.constant 0 : i32
      %dma_start3A_301 = arith.constant 0 : i32
      %dma_start3A_302 = tpu.memref_slice %arg8[%dma_start3A_299, %dma_start3A_300, %dma_start3A_301] : memref<5x128x64xf32, #tpu.memory_space<vmem>> -> memref<1x128x64xf32, #tpu.memory_space<vmem>>
      %dma_start3A_303 = tpu.memref_squeeze %dma_start3A_302 : memref<1x128x64xf32, #tpu.memory_space<vmem>> -> memref<128x64xf32, #tpu.memory_space<vmem>>
      %dma_start3A_304 = arith.constant 0 : i32
      %dma_start3A_305 = tpu.memref_slice %arg6[%add3A_298, %dma_start3A_304] : memref<160x128xi32, #tpu.memory_space<vmem>> -> memref<1x128xi32, #tpu.memory_space<vmem>>
      %dma_start3A_306 = tpu.memref_squeeze %dma_start3A_305 : memref<1x128xi32, #tpu.memory_space<vmem>> -> memref<128xi32, #tpu.memory_space<vmem>>
      %dma_start3A_307 = arith.constant 0 : i32
      %dma_start3A_308 = arith.constant 0 : i32
      %dma_start3A_309 = tpu.memref_slice %arg2[%dma_start3A_307, %dma_start3A_308] : memref<200000x64xf32, #tpu.memory_space<hbm>> -> memref<200000x64xf32, #tpu.memory_space<hbm>>
      tpu.enqueue_indirect_dma source(%dma_start3A_309 : memref<200000x64xf32, #tpu.memory_space<hbm>>) target(%dma_start3A_303 : memref<128x64xf32, #tpu.memory_space<vmem>>) offsets(%dma_start3A_306 : memref<128xi32, #tpu.memory_space<vmem>>) semaphore(%arg10 : memref<!tpu.dma_semaphore, #tpu.memory_space<semaphore_mem>>)
      %dma_wait3A_310 = arith.constant 2 : i32
      %dma_wait3A_311 = arith.constant 0 : i32
      %dma_wait3A_312 = arith.constant 0 : i32
      %dma_wait3A_313 = tpu.memref_slice %arg8[%dma_wait3A_310, %dma_wait3A_311, %dma_wait3A_312] : memref<5x128x64xf32, #tpu.memory_space<vmem>> -> memref<1x128x64xf32, #tpu.memory_space<vmem>>
      %dma_wait3A_314 = tpu.memref_squeeze %dma_wait3A_313 : memref<1x128x64xf32, #tpu.memory_space<vmem>> -> memref<128x64xf32, #tpu.memory_space<vmem>>
      %dma_wait3A_315 = arith.constant 0 : i32
      %dma_wait3A_316 = tpu.memref_slice %arg6[%add3A_282, %dma_wait3A_315] : memref<160x128xi32, #tpu.memory_space<vmem>> -> memref<1x128xi32, #tpu.memory_space<vmem>>
      %dma_wait3A_317 = tpu.memref_squeeze %dma_wait3A_316 : memref<1x128xi32, #tpu.memory_space<vmem>> -> memref<128xi32, #tpu.memory_space<vmem>>
      %dma_wait3A_318 = arith.constant 0 : i32
      %dma_wait3A_319 = arith.constant 0 : i32
      %dma_wait3A_320 = tpu.memref_slice %arg2[%dma_wait3A_318, %dma_wait3A_319] : memref<200000x64xf32, #tpu.memory_space<hbm>> -> memref<200000x64xf32, #tpu.memory_space<hbm>>
      tpu.wait_indirect_dma semaphore(%arg12 : memref<!tpu.dma_semaphore, #tpu.memory_space<semaphore_mem>>) src(%dma_wait3A_320 : memref<200000x64xf32, #tpu.memory_space<hbm>>) dst(%dma_wait3A_314 : memref<128x64xf32, #tpu.memory_space<vmem>>)
      %dma_start3A_321 = arith.constant 2 : i32
      %dma_start3A_322 = arith.constant 0 : i32
      %dma_start3A_323 = arith.constant 0 : i32
      %dma_start3A_324 = tpu.memref_slice %arg8[%dma_start3A_321, %dma_start3A_322, %dma_start3A_323] : memref<5x128x64xf32, #tpu.memory_space<vmem>> -> memref<1x128x64xf32, #tpu.memory_space<vmem>>
      %dma_start3A_325 = tpu.memref_squeeze %dma_start3A_324 : memref<1x128x64xf32, #tpu.memory_space<vmem>> -> memref<128x64xf32, #tpu.memory_space<vmem>>
      %dma_start3A_326 = arith.constant 0 : i32
      %dma_start3A_327 = tpu.memref_slice %arg7[%add3A_282, %dma_start3A_326] : memref<160x128xi32, #tpu.memory_space<vmem>> -> memref<1x128xi32, #tpu.memory_space<vmem>>
      %dma_start3A_328 = tpu.memref_squeeze %dma_start3A_327 : memref<1x128xi32, #tpu.memory_space<vmem>> -> memref<128xi32, #tpu.memory_space<vmem>>
      %dma_start3A_329 = arith.constant 0 : i32
      %dma_start3A_330 = arith.constant 0 : i32
      %dma_start3A_331 = tpu.memref_slice %arg9[%dma_start3A_329, %dma_start3A_330] : memref<10240x64xf32, #tpu.memory_space<vmem_shared>> -> memref<10240x64xf32, #tpu.memory_space<vmem_shared>>
      tpu.enqueue_indirect_dma source(%dma_start3A_325 : memref<128x64xf32, #tpu.memory_space<vmem>>) target(%dma_start3A_331 : memref<10240x64xf32, #tpu.memory_space<vmem_shared>>) offsets(%dma_start3A_328 : memref<128xi32, #tpu.memory_space<vmem>>) semaphore(%arg17 : memref<!tpu.dma_semaphore, #tpu.memory_space<semaphore_mem>>) {add = true}
      %add3A_332 = arith.constant 1 : i32
      %add3A_333 = arith.addi %add3A_280, %add3A_332 : i32
      %add3A_334 = arith.constant 3 : i32
      %add3A_335 = arith.addi %add3A_333, %add3A_334 : i32
      %sub3A_336 = arith.constant 5 : i32
      %sub3A_337 = arith.subi %add3A_335, %sub3A_336 : i32
      %dma_wait3A_338 = arith.constant 1 : i32
      %dma_wait3A_339 = arith.constant 0 : i32
      %dma_wait3A_340 = arith.constant 0 : i32
      %dma_wait3A_341 = tpu.memref_slice %arg8[%dma_wait3A_338, %dma_wait3A_339, %dma_wait3A_340] : memref<5x128x64xf32, #tpu.memory_space<vmem>> -> memref<1x128x64xf32, #tpu.memory_space<vmem>>
      %dma_wait3A_342 = tpu.memref_squeeze %dma_wait3A_341 : memref<1x128x64xf32, #tpu.memory_space<vmem>> -> memref<128x64xf32, #tpu.memory_space<vmem>>
      %dma_wait3A_343 = arith.constant 0 : i32
      %dma_wait3A_344 = tpu.memref_slice %arg7[%sub3A_337, %dma_wait3A_343] : memref<160x128xi32, #tpu.memory_space<vmem>> -> memref<1x128xi32, #tpu.memory_space<vmem>>
      %dma_wait3A_345 = tpu.memref_squeeze %dma_wait3A_344 : memref<1x128xi32, #tpu.memory_space<vmem>> -> memref<128xi32, #tpu.memory_space<vmem>>
      %dma_wait3A_346 = arith.constant 0 : i32
      %dma_wait3A_347 = arith.constant 0 : i32
      %dma_wait3A_348 = tpu.memref_slice %arg9[%dma_wait3A_346, %dma_wait3A_347] : memref<10240x64xf32, #tpu.memory_space<vmem_shared>> -> memref<10240x64xf32, #tpu.memory_space<vmem_shared>>
      tpu.wait_indirect_dma semaphore(%arg16 : memref<!tpu.dma_semaphore, #tpu.memory_space<semaphore_mem>>) src(%dma_wait3A_342 : memref<128x64xf32, #tpu.memory_space<vmem>>) dst(%dma_wait3A_348 : memref<10240x64xf32, #tpu.memory_space<vmem_shared>>)
      %add3A_349 = arith.constant 3 : i32
      %add3A_350 = arith.addi %add3A_333, %add3A_349 : i32
      %dma_start3A_351 = arith.constant 1 : i32
      %dma_start3A_352 = arith.constant 0 : i32
      %dma_start3A_353 = arith.constant 0 : i32
      %dma_start3A_354 = tpu.memref_slice %arg8[%dma_start3A_351, %dma_start3A_352, %dma_start3A_353] : memref<5x128x64xf32, #tpu.memory_space<vmem>> -> memref<1x128x64xf32, #tpu.memory_space<vmem>>
      %dma_start3A_355 = tpu.memref_squeeze %dma_start3A_354 : memref<1x128x64xf32, #tpu.memory_space<vmem>> -> memref<128x64xf32, #tpu.memory_space<vmem>>
      %dma_start3A_356 = arith.constant 0 : i32
      %dma_start3A_357 = tpu.memref_slice %arg6[%add3A_350, %dma_start3A_356] : memref<160x128xi32, #tpu.memory_space<vmem>> -> memref<1x128xi32, #tpu.memory_space<vmem>>
      %dma_start3A_358 = tpu.memref_squeeze %dma_start3A_357 : memref<1x128xi32, #tpu.memory_space<vmem>> -> memref<128xi32, #tpu.memory_space<vmem>>
      %dma_start3A_359 = arith.constant 0 : i32
      %dma_start3A_360 = arith.constant 0 : i32
      %dma_start3A_361 = tpu.memref_slice %arg2[%dma_start3A_359, %dma_start3A_360] : memref<200000x64xf32, #tpu.memory_space<hbm>> -> memref<200000x64xf32, #tpu.memory_space<hbm>>
      tpu.enqueue_indirect_dma source(%dma_start3A_361 : memref<200000x64xf32, #tpu.memory_space<hbm>>) target(%dma_start3A_355 : memref<128x64xf32, #tpu.memory_space<vmem>>) offsets(%dma_start3A_358 : memref<128xi32, #tpu.memory_space<vmem>>) semaphore(%arg11 : memref<!tpu.dma_semaphore, #tpu.memory_space<semaphore_mem>>)
      %dma_wait3A_362 = arith.constant 3 : i32
      %dma_wait3A_363 = arith.constant 0 : i32
      %dma_wait3A_364 = arith.constant 0 : i32
      %dma_wait3A_365 = tpu.memref_slice %arg8[%dma_wait3A_362, %dma_wait3A_363, %dma_wait3A_364] : memref<5x128x64xf32, #tpu.memory_space<vmem>> -> memref<1x128x64xf32, #tpu.memory_space<vmem>>
      %dma_wait3A_366 = tpu.memref_squeeze %dma_wait3A_365 : memref<1x128x64xf32, #tpu.memory_space<vmem>> -> memref<128x64xf32, #tpu.memory_space<vmem>>
      %dma_wait3A_367 = arith.constant 0 : i32
      %dma_wait3A_368 = tpu.memref_slice %arg6[%add3A_333, %dma_wait3A_367] : memref<160x128xi32, #tpu.memory_space<vmem>> -> memref<1x128xi32, #tpu.memory_space<vmem>>
      %dma_wait3A_369 = tpu.memref_squeeze %dma_wait3A_368 : memref<1x128xi32, #tpu.memory_space<vmem>> -> memref<128xi32, #tpu.memory_space<vmem>>
      %dma_wait3A_370 = arith.constant 0 : i32
      %dma_wait3A_371 = arith.constant 0 : i32
      %dma_wait3A_372 = tpu.memref_slice %arg2[%dma_wait3A_370, %dma_wait3A_371] : memref<200000x64xf32, #tpu.memory_space<hbm>> -> memref<200000x64xf32, #tpu.memory_space<hbm>>
      tpu.wait_indirect_dma semaphore(%arg13 : memref<!tpu.dma_semaphore, #tpu.memory_space<semaphore_mem>>) src(%dma_wait3A_372 : memref<200000x64xf32, #tpu.memory_space<hbm>>) dst(%dma_wait3A_366 : memref<128x64xf32, #tpu.memory_space<vmem>>)
      %dma_start3A_373 = arith.constant 3 : i32
      %dma_start3A_374 = arith.constant 0 : i32
      %dma_start3A_375 = arith.constant 0 : i32
      %dma_start3A_376 = tpu.memref_slice %arg8[%dma_start3A_373, %dma_start3A_374, %dma_start3A_375] : memref<5x128x64xf32, #tpu.memory_space<vmem>> -> memref<1x128x64xf32, #tpu.memory_space<vmem>>
      %dma_start3A_377 = tpu.memref_squeeze %dma_start3A_376 : memref<1x128x64xf32, #tpu.memory_space<vmem>> -> memref<128x64xf32, #tpu.memory_space<vmem>>
      %dma_start3A_378 = arith.constant 0 : i32
      %dma_start3A_379 = tpu.memref_slice %arg7[%add3A_333, %dma_start3A_378] : memref<160x128xi32, #tpu.memory_space<vmem>> -> memref<1x128xi32, #tpu.memory_space<vmem>>
      %dma_start3A_380 = tpu.memref_squeeze %dma_start3A_379 : memref<1x128xi32, #tpu.memory_space<vmem>> -> memref<128xi32, #tpu.memory_space<vmem>>
      %dma_start3A_381 = arith.constant 0 : i32
      %dma_start3A_382 = arith.constant 0 : i32
      %dma_start3A_383 = tpu.memref_slice %arg9[%dma_start3A_381, %dma_start3A_382] : memref<10240x64xf32, #tpu.memory_space<vmem_shared>> -> memref<10240x64xf32, #tpu.memory_space<vmem_shared>>
      tpu.enqueue_indirect_dma source(%dma_start3A_377 : memref<128x64xf32, #tpu.memory_space<vmem>>) target(%dma_start3A_383 : memref<10240x64xf32, #tpu.memory_space<vmem_shared>>) offsets(%dma_start3A_380 : memref<128xi32, #tpu.memory_space<vmem>>) semaphore(%arg18 : memref<!tpu.dma_semaphore, #tpu.memory_space<semaphore_mem>>) {add = true}
      %add3A_384 = arith.constant 2 : i32
      %add3A_385 = arith.addi %add3A_280, %add3A_384 : i32
      %add3A_386 = arith.constant 3 : i32
      %add3A_387 = arith.addi %add3A_385, %add3A_386 : i32
      %sub3A_388 = arith.constant 5 : i32
      %sub3A_389 = arith.subi %add3A_387, %sub3A_388 : i32
      %dma_wait3A_390 = arith.constant 2 : i32
      %dma_wait3A_391 = arith.constant 0 : i32
      %dma_wait3A_392 = arith.constant 0 : i32
      %dma_wait3A_393 = tpu.memref_slice %arg8[%dma_wait3A_390, %dma_wait3A_391, %dma_wait3A_392] : memref<5x128x64xf32, #tpu.memory_space<vmem>> -> memref<1x128x64xf32, #tpu.memory_space<vmem>>
      %dma_wait3A_394 = tpu.memref_squeeze %dma_wait3A_393 : memref<1x128x64xf32, #tpu.memory_space<vmem>> -> memref<128x64xf32, #tpu.memory_space<vmem>>
      %dma_wait3A_395 = arith.constant 0 : i32
      %dma_wait3A_396 = tpu.memref_slice %arg7[%sub3A_389, %dma_wait3A_395] : memref<160x128xi32, #tpu.memory_space<vmem>> -> memref<1x128xi32, #tpu.memory_space<vmem>>
      %dma_wait3A_397 = tpu.memref_squeeze %dma_wait3A_396 : memref<1x128xi32, #tpu.memory_space<vmem>> -> memref<128xi32, #tpu.memory_space<vmem>>
      %dma_wait3A_398 = arith.constant 0 : i32
      %dma_wait3A_399 = arith.constant 0 : i32
      %dma_wait3A_400 = tpu.memref_slice %arg9[%dma_wait3A_398, %dma_wait3A_399] : memref<10240x64xf32, #tpu.memory_space<vmem_shared>> -> memref<10240x64xf32, #tpu.memory_space<vmem_shared>>
      tpu.wait_indirect_dma semaphore(%arg17 : memref<!tpu.dma_semaphore, #tpu.memory_space<semaphore_mem>>) src(%dma_wait3A_394 : memref<128x64xf32, #tpu.memory_space<vmem>>) dst(%dma_wait3A_400 : memref<10240x64xf32, #tpu.memory_space<vmem_shared>>)
      %add3A_401 = arith.constant 3 : i32
      %add3A_402 = arith.addi %add3A_385, %add3A_401 : i32
      %dma_start3A_403 = arith.constant 2 : i32
      %dma_start3A_404 = arith.constant 0 : i32
      %dma_start3A_405 = arith.constant 0 : i32
      %dma_start3A_406 = tpu.memref_slice %arg8[%dma_start3A_403, %dma_start3A_404, %dma_start3A_405] : memref<5x128x64xf32, #tpu.memory_space<vmem>> -> memref<1x128x64xf32, #tpu.memory_space<vmem>>
      %dma_start3A_407 = tpu.memref_squeeze %dma_start3A_406 : memref<1x128x64xf32, #tpu.memory_space<vmem>> -> memref<128x64xf32, #tpu.memory_space<vmem>>
      %dma_start3A_408 = arith.constant 0 : i32
      %dma_start3A_409 = tpu.memref_slice %arg6[%add3A_402, %dma_start3A_408] : memref<160x128xi32, #tpu.memory_space<vmem>> -> memref<1x128xi32, #tpu.memory_space<vmem>>
      %dma_start3A_410 = tpu.memref_squeeze %dma_start3A_409 : memref<1x128xi32, #tpu.memory_space<vmem>> -> memref<128xi32, #tpu.memory_space<vmem>>
      %dma_start3A_411 = arith.constant 0 : i32
      %dma_start3A_412 = arith.constant 0 : i32
      %dma_start3A_413 = tpu.memref_slice %arg2[%dma_start3A_411, %dma_start3A_412] : memref<200000x64xf32, #tpu.memory_space<hbm>> -> memref<200000x64xf32, #tpu.memory_space<hbm>>
      tpu.enqueue_indirect_dma source(%dma_start3A_413 : memref<200000x64xf32, #tpu.memory_space<hbm>>) target(%dma_start3A_407 : memref<128x64xf32, #tpu.memory_space<vmem>>) offsets(%dma_start3A_410 : memref<128xi32, #tpu.memory_space<vmem>>) semaphore(%arg12 : memref<!tpu.dma_semaphore, #tpu.memory_space<semaphore_mem>>)
      %dma_wait3A_414 = arith.constant 4 : i32
      %dma_wait3A_415 = arith.constant 0 : i32
      %dma_wait3A_416 = arith.constant 0 : i32
      %dma_wait3A_417 = tpu.memref_slice %arg8[%dma_wait3A_414, %dma_wait3A_415, %dma_wait3A_416] : memref<5x128x64xf32, #tpu.memory_space<vmem>> -> memref<1x128x64xf32, #tpu.memory_space<vmem>>
      %dma_wait3A_418 = tpu.memref_squeeze %dma_wait3A_417 : memref<1x128x64xf32, #tpu.memory_space<vmem>> -> memref<128x64xf32, #tpu.memory_space<vmem>>
      %dma_wait3A_419 = arith.constant 0 : i32
      %dma_wait3A_420 = tpu.memref_slice %arg6[%add3A_385, %dma_wait3A_419] : memref<160x128xi32, #tpu.memory_space<vmem>> -> memref<1x128xi32, #tpu.memory_space<vmem>>
      %dma_wait3A_421 = tpu.memref_squeeze %dma_wait3A_420 : memref<1x128xi32, #tpu.memory_space<vmem>> -> memref<128xi32, #tpu.memory_space<vmem>>
      %dma_wait3A_422 = arith.constant 0 : i32
      %dma_wait3A_423 = arith.constant 0 : i32
      %dma_wait3A_424 = tpu.memref_slice %arg2[%dma_wait3A_422, %dma_wait3A_423] : memref<200000x64xf32, #tpu.memory_space<hbm>> -> memref<200000x64xf32, #tpu.memory_space<hbm>>
      tpu.wait_indirect_dma semaphore(%arg14 : memref<!tpu.dma_semaphore, #tpu.memory_space<semaphore_mem>>) src(%dma_wait3A_424 : memref<200000x64xf32, #tpu.memory_space<hbm>>) dst(%dma_wait3A_418 : memref<128x64xf32, #tpu.memory_space<vmem>>)
      %dma_start3A_425 = arith.constant 4 : i32
      %dma_start3A_426 = arith.constant 0 : i32
      %dma_start3A_427 = arith.constant 0 : i32
      %dma_start3A_428 = tpu.memref_slice %arg8[%dma_start3A_425, %dma_start3A_426, %dma_start3A_427] : memref<5x128x64xf32, #tpu.memory_space<vmem>> -> memref<1x128x64xf32, #tpu.memory_space<vmem>>
      %dma_start3A_429 = tpu.memref_squeeze %dma_start3A_428 : memref<1x128x64xf32, #tpu.memory_space<vmem>> -> memref<128x64xf32, #tpu.memory_space<vmem>>
      %dma_start3A_430 = arith.constant 0 : i32
      %dma_start3A_431 = tpu.memref_slice %arg7[%add3A_385, %dma_start3A_430] : memref<160x128xi32, #tpu.memory_space<vmem>> -> memref<1x128xi32, #tpu.memory_space<vmem>>
      %dma_start3A_432 = tpu.memref_squeeze %dma_start3A_431 : memref<1x128xi32, #tpu.memory_space<vmem>> -> memref<128xi32, #tpu.memory_space<vmem>>
      %dma_start3A_433 = arith.constant 0 : i32
      %dma_start3A_434 = arith.constant 0 : i32
      %dma_start3A_435 = tpu.memref_slice %arg9[%dma_start3A_433, %dma_start3A_434] : memref<10240x64xf32, #tpu.memory_space<vmem_shared>> -> memref<10240x64xf32, #tpu.memory_space<vmem_shared>>
      tpu.enqueue_indirect_dma source(%dma_start3A_429 : memref<128x64xf32, #tpu.memory_space<vmem>>) target(%dma_start3A_435 : memref<10240x64xf32, #tpu.memory_space<vmem_shared>>) offsets(%dma_start3A_432 : memref<128xi32, #tpu.memory_space<vmem>>) semaphore(%arg19 : memref<!tpu.dma_semaphore, #tpu.memory_space<semaphore_mem>>) {add = true}
      %add3A_436 = arith.constant 3 : i32
      %add3A_437 = arith.addi %add3A_280, %add3A_436 : i32
      %add3A_438 = arith.constant 3 : i32
      %add3A_439 = arith.addi %add3A_437, %add3A_438 : i32
      %sub3A_440 = arith.constant 5 : i32
      %sub3A_441 = arith.subi %add3A_439, %sub3A_440 : i32
      %dma_wait3A_442 = arith.constant 3 : i32
      %dma_wait3A_443 = arith.constant 0 : i32
      %dma_wait3A_444 = arith.constant 0 : i32
      %dma_wait3A_445 = tpu.memref_slice %arg8[%dma_wait3A_442, %dma_wait3A_443, %dma_wait3A_444] : memref<5x128x64xf32, #tpu.memory_space<vmem>> -> memref<1x128x64xf32, #tpu.memory_space<vmem>>
      %dma_wait3A_446 = tpu.memref_squeeze %dma_wait3A_445 : memref<1x128x64xf32, #tpu.memory_space<vmem>> -> memref<128x64xf32, #tpu.memory_space<vmem>>
      %dma_wait3A_447 = arith.constant 0 : i32
      %dma_wait3A_448 = tpu.memref_slice %arg7[%sub3A_441, %dma_wait3A_447] : memref<160x128xi32, #tpu.memory_space<vmem>> -> memref<1x128xi32, #tpu.memory_space<vmem>>
      %dma_wait3A_449 = tpu.memref_squeeze %dma_wait3A_448 : memref<1x128xi32, #tpu.memory_space<vmem>> -> memref<128xi32, #tpu.memory_space<vmem>>
      %dma_wait3A_450 = arith.constant 0 : i32
      %dma_wait3A_451 = arith.constant 0 : i32
      %dma_wait3A_452 = tpu.memref_slice %arg9[%dma_wait3A_450, %dma_wait3A_451] : memref<10240x64xf32, #tpu.memory_space<vmem_shared>> -> memref<10240x64xf32, #tpu.memory_space<vmem_shared>>
      tpu.wait_indirect_dma semaphore(%arg18 : memref<!tpu.dma_semaphore, #tpu.memory_space<semaphore_mem>>) src(%dma_wait3A_446 : memref<128x64xf32, #tpu.memory_space<vmem>>) dst(%dma_wait3A_452 : memref<10240x64xf32, #tpu.memory_space<vmem_shared>>)
      %add3A_453 = arith.constant 3 : i32
      %add3A_454 = arith.addi %add3A_437, %add3A_453 : i32
      %dma_start3A_455 = arith.constant 3 : i32
      %dma_start3A_456 = arith.constant 0 : i32
      %dma_start3A_457 = arith.constant 0 : i32
      %dma_start3A_458 = tpu.memref_slice %arg8[%dma_start3A_455, %dma_start3A_456, %dma_start3A_457] : memref<5x128x64xf32, #tpu.memory_space<vmem>> -> memref<1x128x64xf32, #tpu.memory_space<vmem>>
      %dma_start3A_459 = tpu.memref_squeeze %dma_start3A_458 : memref<1x128x64xf32, #tpu.memory_space<vmem>> -> memref<128x64xf32, #tpu.memory_space<vmem>>
      %dma_start3A_460 = arith.constant 0 : i32
      %dma_start3A_461 = tpu.memref_slice %arg6[%add3A_454, %dma_start3A_460] : memref<160x128xi32, #tpu.memory_space<vmem>> -> memref<1x128xi32, #tpu.memory_space<vmem>>
      %dma_start3A_462 = tpu.memref_squeeze %dma_start3A_461 : memref<1x128xi32, #tpu.memory_space<vmem>> -> memref<128xi32, #tpu.memory_space<vmem>>
      %dma_start3A_463 = arith.constant 0 : i32
      %dma_start3A_464 = arith.constant 0 : i32
      %dma_start3A_465 = tpu.memref_slice %arg2[%dma_start3A_463, %dma_start3A_464] : memref<200000x64xf32, #tpu.memory_space<hbm>> -> memref<200000x64xf32, #tpu.memory_space<hbm>>
      tpu.enqueue_indirect_dma source(%dma_start3A_465 : memref<200000x64xf32, #tpu.memory_space<hbm>>) target(%dma_start3A_459 : memref<128x64xf32, #tpu.memory_space<vmem>>) offsets(%dma_start3A_462 : memref<128xi32, #tpu.memory_space<vmem>>) semaphore(%arg13 : memref<!tpu.dma_semaphore, #tpu.memory_space<semaphore_mem>>)
      %dma_wait3A_466 = arith.constant 0 : i32
      %dma_wait3A_467 = arith.constant 0 : i32
      %dma_wait3A_468 = arith.constant 0 : i32
      %dma_wait3A_469 = tpu.memref_slice %arg8[%dma_wait3A_466, %dma_wait3A_467, %dma_wait3A_468] : memref<5x128x64xf32, #tpu.memory_space<vmem>> -> memref<1x128x64xf32, #tpu.memory_space<vmem>>
      %dma_wait3A_470 = tpu.memref_squeeze %dma_wait3A_469 : memref<1x128x64xf32, #tpu.memory_space<vmem>> -> memref<128x64xf32, #tpu.memory_space<vmem>>
      %dma_wait3A_471 = arith.constant 0 : i32
      %dma_wait3A_472 = tpu.memref_slice %arg6[%add3A_437, %dma_wait3A_471] : memref<160x128xi32, #tpu.memory_space<vmem>> -> memref<1x128xi32, #tpu.memory_space<vmem>>
      %dma_wait3A_473 = tpu.memref_squeeze %dma_wait3A_472 : memref<1x128xi32, #tpu.memory_space<vmem>> -> memref<128xi32, #tpu.memory_space<vmem>>
      %dma_wait3A_474 = arith.constant 0 : i32
      %dma_wait3A_475 = arith.constant 0 : i32
      %dma_wait3A_476 = tpu.memref_slice %arg2[%dma_wait3A_474, %dma_wait3A_475] : memref<200000x64xf32, #tpu.memory_space<hbm>> -> memref<200000x64xf32, #tpu.memory_space<hbm>>
      tpu.wait_indirect_dma semaphore(%arg10 : memref<!tpu.dma_semaphore, #tpu.memory_space<semaphore_mem>>) src(%dma_wait3A_476 : memref<200000x64xf32, #tpu.memory_space<hbm>>) dst(%dma_wait3A_470 : memref<128x64xf32, #tpu.memory_space<vmem>>)
      %dma_start3A_477 = arith.constant 0 : i32
      %dma_start3A_478 = arith.constant 0 : i32
      %dma_start3A_479 = arith.constant 0 : i32
      %dma_start3A_480 = tpu.memref_slice %arg8[%dma_start3A_477, %dma_start3A_478, %dma_start3A_479] : memref<5x128x64xf32, #tpu.memory_space<vmem>> -> memref<1x128x64xf32, #tpu.memory_space<vmem>>
      %dma_start3A_481 = tpu.memref_squeeze %dma_start3A_480 : memref<1x128x64xf32, #tpu.memory_space<vmem>> -> memref<128x64xf32, #tpu.memory_space<vmem>>
      %dma_start3A_482 = arith.constant 0 : i32
      %dma_start3A_483 = tpu.memref_slice %arg7[%add3A_437, %dma_start3A_482] : memref<160x128xi32, #tpu.memory_space<vmem>> -> memref<1x128xi32, #tpu.memory_space<vmem>>
      %dma_start3A_484 = tpu.memref_squeeze %dma_start3A_483 : memref<1x128xi32, #tpu.memory_space<vmem>> -> memref<128xi32, #tpu.memory_space<vmem>>
      %dma_start3A_485 = arith.constant 0 : i32
      %dma_start3A_486 = arith.constant 0 : i32
      %dma_start3A_487 = tpu.memref_slice %arg9[%dma_start3A_485, %dma_start3A_486] : memref<10240x64xf32, #tpu.memory_space<vmem_shared>> -> memref<10240x64xf32, #tpu.memory_space<vmem_shared>>
      tpu.enqueue_indirect_dma source(%dma_start3A_481 : memref<128x64xf32, #tpu.memory_space<vmem>>) target(%dma_start3A_487 : memref<10240x64xf32, #tpu.memory_space<vmem_shared>>) offsets(%dma_start3A_484 : memref<128xi32, #tpu.memory_space<vmem>>) semaphore(%arg15 : memref<!tpu.dma_semaphore, #tpu.memory_space<semaphore_mem>>) {add = true}
      %add3A_488 = arith.constant 4 : i32
      %add3A_489 = arith.addi %add3A_280, %add3A_488 : i32
      %add3A_490 = arith.constant 3 : i32
      %add3A_491 = arith.addi %add3A_489, %add3A_490 : i32
      %sub3A_492 = arith.constant 5 : i32
      %sub3A_493 = arith.subi %add3A_491, %sub3A_492 : i32
      %dma_wait3A_494 = arith.constant 4 : i32
      %dma_wait3A_495 = arith.constant 0 : i32
      %dma_wait3A_496 = arith.constant 0 : i32
      %dma_wait3A_497 = tpu.memref_slice %arg8[%dma_wait3A_494, %dma_wait3A_495, %dma_wait3A_496] : memref<5x128x64xf32, #tpu.memory_space<vmem>> -> memref<1x128x64xf32, #tpu.memory_space<vmem>>
      %dma_wait3A_498 = tpu.memref_squeeze %dma_wait3A_497 : memref<1x128x64xf32, #tpu.memory_space<vmem>> -> memref<128x64xf32, #tpu.memory_space<vmem>>
      %dma_wait3A_499 = arith.constant 0 : i32
      %dma_wait3A_500 = tpu.memref_slice %arg7[%sub3A_493, %dma_wait3A_499] : memref<160x128xi32, #tpu.memory_space<vmem>> -> memref<1x128xi32, #tpu.memory_space<vmem>>
      %dma_wait3A_501 = tpu.memref_squeeze %dma_wait3A_500 : memref<1x128xi32, #tpu.memory_space<vmem>> -> memref<128xi32, #tpu.memory_space<vmem>>
      %dma_wait3A_502 = arith.constant 0 : i32
      %dma_wait3A_503 = arith.constant 0 : i32
      %dma_wait3A_504 = tpu.memref_slice %arg9[%dma_wait3A_502, %dma_wait3A_503] : memref<10240x64xf32, #tpu.memory_space<vmem_shared>> -> memref<10240x64xf32, #tpu.memory_space<vmem_shared>>
      tpu.wait_indirect_dma semaphore(%arg19 : memref<!tpu.dma_semaphore, #tpu.memory_space<semaphore_mem>>) src(%dma_wait3A_498 : memref<128x64xf32, #tpu.memory_space<vmem>>) dst(%dma_wait3A_504 : memref<10240x64xf32, #tpu.memory_space<vmem_shared>>)
      %add3A_505 = arith.constant 3 : i32
      %add3A_506 = arith.addi %add3A_489, %add3A_505 : i32
      %dma_start3A_507 = arith.constant 4 : i32
      %dma_start3A_508 = arith.constant 0 : i32
      %dma_start3A_509 = arith.constant 0 : i32
      %dma_start3A_510 = tpu.memref_slice %arg8[%dma_start3A_507, %dma_start3A_508, %dma_start3A_509] : memref<5x128x64xf32, #tpu.memory_space<vmem>> -> memref<1x128x64xf32, #tpu.memory_space<vmem>>
      %dma_start3A_511 = tpu.memref_squeeze %dma_start3A_510 : memref<1x128x64xf32, #tpu.memory_space<vmem>> -> memref<128x64xf32, #tpu.memory_space<vmem>>
      %dma_start3A_512 = arith.constant 0 : i32
      %dma_start3A_513 = tpu.memref_slice %arg6[%add3A_506, %dma_start3A_512] : memref<160x128xi32, #tpu.memory_space<vmem>> -> memref<1x128xi32, #tpu.memory_space<vmem>>
      %dma_start3A_514 = tpu.memref_squeeze %dma_start3A_513 : memref<1x128xi32, #tpu.memory_space<vmem>> -> memref<128xi32, #tpu.memory_space<vmem>>
      %dma_start3A_515 = arith.constant 0 : i32
      %dma_start3A_516 = arith.constant 0 : i32
      %dma_start3A_517 = tpu.memref_slice %arg2[%dma_start3A_515, %dma_start3A_516] : memref<200000x64xf32, #tpu.memory_space<hbm>> -> memref<200000x64xf32, #tpu.memory_space<hbm>>
      tpu.enqueue_indirect_dma source(%dma_start3A_517 : memref<200000x64xf32, #tpu.memory_space<hbm>>) target(%dma_start3A_511 : memref<128x64xf32, #tpu.memory_space<vmem>>) offsets(%dma_start3A_514 : memref<128xi32, #tpu.memory_space<vmem>>) semaphore(%arg14 : memref<!tpu.dma_semaphore, #tpu.memory_space<semaphore_mem>>)
      %dma_wait3A_518 = arith.constant 1 : i32
      %dma_wait3A_519 = arith.constant 0 : i32
      %dma_wait3A_520 = arith.constant 0 : i32
      %dma_wait3A_521 = tpu.memref_slice %arg8[%dma_wait3A_518, %dma_wait3A_519, %dma_wait3A_520] : memref<5x128x64xf32, #tpu.memory_space<vmem>> -> memref<1x128x64xf32, #tpu.memory_space<vmem>>
      %dma_wait3A_522 = tpu.memref_squeeze %dma_wait3A_521 : memref<1x128x64xf32, #tpu.memory_space<vmem>> -> memref<128x64xf32, #tpu.memory_space<vmem>>
      %dma_wait3A_523 = arith.constant 0 : i32
      %dma_wait3A_524 = tpu.memref_slice %arg6[%add3A_489, %dma_wait3A_523] : memref<160x128xi32, #tpu.memory_space<vmem>> -> memref<1x128xi32, #tpu.memory_space<vmem>>
      %dma_wait3A_525 = tpu.memref_squeeze %dma_wait3A_524 : memref<1x128xi32, #tpu.memory_space<vmem>> -> memref<128xi32, #tpu.memory_space<vmem>>
      %dma_wait3A_526 = arith.constant 0 : i32
      %dma_wait3A_527 = arith.constant 0 : i32
      %dma_wait3A_528 = tpu.memref_slice %arg2[%dma_wait3A_526, %dma_wait3A_527] : memref<200000x64xf32, #tpu.memory_space<hbm>> -> memref<200000x64xf32, #tpu.memory_space<hbm>>
      tpu.wait_indirect_dma semaphore(%arg11 : memref<!tpu.dma_semaphore, #tpu.memory_space<semaphore_mem>>) src(%dma_wait3A_528 : memref<200000x64xf32, #tpu.memory_space<hbm>>) dst(%dma_wait3A_522 : memref<128x64xf32, #tpu.memory_space<vmem>>)
      %dma_start3A_529 = arith.constant 1 : i32
      %dma_start3A_530 = arith.constant 0 : i32
      %dma_start3A_531 = arith.constant 0 : i32
      %dma_start3A_532 = tpu.memref_slice %arg8[%dma_start3A_529, %dma_start3A_530, %dma_start3A_531] : memref<5x128x64xf32, #tpu.memory_space<vmem>> -> memref<1x128x64xf32, #tpu.memory_space<vmem>>
      %dma_start3A_533 = tpu.memref_squeeze %dma_start3A_532 : memref<1x128x64xf32, #tpu.memory_space<vmem>> -> memref<128x64xf32, #tpu.memory_space<vmem>>
      %dma_start3A_534 = arith.constant 0 : i32
      %dma_start3A_535 = tpu.memref_slice %arg7[%add3A_489, %dma_start3A_534] : memref<160x128xi32, #tpu.memory_space<vmem>> -> memref<1x128xi32, #tpu.memory_space<vmem>>
      %dma_start3A_536 = tpu.memref_squeeze %dma_start3A_535 : memref<1x128xi32, #tpu.memory_space<vmem>> -> memref<128xi32, #tpu.memory_space<vmem>>
      %dma_start3A_537 = arith.constant 0 : i32
      %dma_start3A_538 = arith.constant 0 : i32
      %dma_start3A_539 = tpu.memref_slice %arg9[%dma_start3A_537, %dma_start3A_538] : memref<10240x64xf32, #tpu.memory_space<vmem_shared>> -> memref<10240x64xf32, #tpu.memory_space<vmem_shared>>
      tpu.enqueue_indirect_dma source(%dma_start3A_533 : memref<128x64xf32, #tpu.memory_space<vmem>>) target(%dma_start3A_539 : memref<10240x64xf32, #tpu.memory_space<vmem_shared>>) offsets(%dma_start3A_536 : memref<128xi32, #tpu.memory_space<vmem>>) semaphore(%arg16 : memref<!tpu.dma_semaphore, #tpu.memory_space<semaphore_mem>>) {add = true}
    }
    %scan3A_138 = arith.constant 31 : i32
    %dma_wait3A_139 = arith.constant 157 : i32
    %dma_wait3A_140 = arith.constant 2 : i32
    %dma_wait3A_141 = arith.constant 0 : i32
    %dma_wait3A_142 = arith.constant 0 : i32
    %dma_wait3A_143 = tpu.memref_slice %arg8[%dma_wait3A_140, %dma_wait3A_141, %dma_wait3A_142] : memref<5x128x64xf32, #tpu.memory_space<vmem>> -> memref<1x128x64xf32, #tpu.memory_space<vmem>>
    %dma_wait3A_144 = tpu.memref_squeeze %dma_wait3A_143 : memref<1x128x64xf32, #tpu.memory_space<vmem>> -> memref<128x64xf32, #tpu.memory_space<vmem>>
    %dma_wait3A_145 = arith.constant 0 : i32
    %dma_wait3A_146 = tpu.memref_slice %arg6[%dma_wait3A_139, %dma_wait3A_145] : memref<160x128xi32, #tpu.memory_space<vmem>> -> memref<1x128xi32, #tpu.memory_space<vmem>>
    %dma_wait3A_147 = tpu.memref_squeeze %dma_wait3A_146 : memref<1x128xi32, #tpu.memory_space<vmem>> -> memref<128xi32, #tpu.memory_space<vmem>>
    %dma_wait3A_148 = arith.constant 0 : i32
    %dma_wait3A_149 = arith.constant 0 : i32
    %dma_wait3A_150 = tpu.memref_slice %arg2[%dma_wait3A_148, %dma_wait3A_149] : memref<200000x64xf32, #tpu.memory_space<hbm>> -> memref<200000x64xf32, #tpu.memory_space<hbm>>
    tpu.wait_indirect_dma semaphore(%arg12 : memref<!tpu.dma_semaphore, #tpu.memory_space<semaphore_mem>>) src(%dma_wait3A_150 : memref<200000x64xf32, #tpu.memory_space<hbm>>) dst(%dma_wait3A_144 : memref<128x64xf32, #tpu.memory_space<vmem>>)
    %dma_start3A_151 = arith.constant 2 : i32
    %dma_start3A_152 = arith.constant 157 : i32
    %dma_start3A_153 = arith.constant 0 : i32
    %dma_start3A_154 = arith.constant 0 : i32
    %dma_start3A_155 = tpu.memref_slice %arg8[%dma_start3A_151, %dma_start3A_153, %dma_start3A_154] : memref<5x128x64xf32, #tpu.memory_space<vmem>> -> memref<1x128x64xf32, #tpu.memory_space<vmem>>
    %dma_start3A_156 = tpu.memref_squeeze %dma_start3A_155 : memref<1x128x64xf32, #tpu.memory_space<vmem>> -> memref<128x64xf32, #tpu.memory_space<vmem>>
    %dma_start3A_157 = arith.constant 0 : i32
    %dma_start3A_158 = tpu.memref_slice %arg7[%dma_start3A_152, %dma_start3A_157] : memref<160x128xi32, #tpu.memory_space<vmem>> -> memref<1x128xi32, #tpu.memory_space<vmem>>
    %dma_start3A_159 = tpu.memref_squeeze %dma_start3A_158 : memref<1x128xi32, #tpu.memory_space<vmem>> -> memref<128xi32, #tpu.memory_space<vmem>>
    %dma_start3A_160 = arith.constant 0 : i32
    %dma_start3A_161 = arith.constant 0 : i32
    %dma_start3A_162 = tpu.memref_slice %arg9[%dma_start3A_160, %dma_start3A_161] : memref<10240x64xf32, #tpu.memory_space<vmem_shared>> -> memref<10240x64xf32, #tpu.memory_space<vmem_shared>>
    tpu.enqueue_indirect_dma source(%dma_start3A_156 : memref<128x64xf32, #tpu.memory_space<vmem>>) target(%dma_start3A_162 : memref<10240x64xf32, #tpu.memory_space<vmem_shared>>) offsets(%dma_start3A_159 : memref<128xi32, #tpu.memory_space<vmem>>) semaphore(%arg17 : memref<!tpu.dma_semaphore, #tpu.memory_space<semaphore_mem>>) {add = true}
    %dma_wait3A_163 = arith.constant 158 : i32
    %dma_wait3A_164 = arith.constant 3 : i32
    %dma_wait3A_165 = arith.constant 0 : i32
    %dma_wait3A_166 = arith.constant 0 : i32
    %dma_wait3A_167 = tpu.memref_slice %arg8[%dma_wait3A_164, %dma_wait3A_165, %dma_wait3A_166] : memref<5x128x64xf32, #tpu.memory_space<vmem>> -> memref<1x128x64xf32, #tpu.memory_space<vmem>>
    %dma_wait3A_168 = tpu.memref_squeeze %dma_wait3A_167 : memref<1x128x64xf32, #tpu.memory_space<vmem>> -> memref<128x64xf32, #tpu.memory_space<vmem>>
    %dma_wait3A_169 = arith.constant 0 : i32
    %dma_wait3A_170 = tpu.memref_slice %arg6[%dma_wait3A_163, %dma_wait3A_169] : memref<160x128xi32, #tpu.memory_space<vmem>> -> memref<1x128xi32, #tpu.memory_space<vmem>>
    %dma_wait3A_171 = tpu.memref_squeeze %dma_wait3A_170 : memref<1x128xi32, #tpu.memory_space<vmem>> -> memref<128xi32, #tpu.memory_space<vmem>>
    %dma_wait3A_172 = arith.constant 0 : i32
    %dma_wait3A_173 = arith.constant 0 : i32
    %dma_wait3A_174 = tpu.memref_slice %arg2[%dma_wait3A_172, %dma_wait3A_173] : memref<200000x64xf32, #tpu.memory_space<hbm>> -> memref<200000x64xf32, #tpu.memory_space<hbm>>
    tpu.wait_indirect_dma semaphore(%arg13 : memref<!tpu.dma_semaphore, #tpu.memory_space<semaphore_mem>>) src(%dma_wait3A_174 : memref<200000x64xf32, #tpu.memory_space<hbm>>) dst(%dma_wait3A_168 : memref<128x64xf32, #tpu.memory_space<vmem>>)
    %dma_start3A_175 = arith.constant 3 : i32
    %dma_start3A_176 = arith.constant 158 : i32
    %dma_start3A_177 = arith.constant 0 : i32
    %dma_start3A_178 = arith.constant 0 : i32
    %dma_start3A_179 = tpu.memref_slice %arg8[%dma_start3A_175, %dma_start3A_177, %dma_start3A_178] : memref<5x128x64xf32, #tpu.memory_space<vmem>> -> memref<1x128x64xf32, #tpu.memory_space<vmem>>
    %dma_start3A_180 = tpu.memref_squeeze %dma_start3A_179 : memref<1x128x64xf32, #tpu.memory_space<vmem>> -> memref<128x64xf32, #tpu.memory_space<vmem>>
    %dma_start3A_181 = arith.constant 0 : i32
    %dma_start3A_182 = tpu.memref_slice %arg7[%dma_start3A_176, %dma_start3A_181] : memref<160x128xi32, #tpu.memory_space<vmem>> -> memref<1x128xi32, #tpu.memory_space<vmem>>
    %dma_start3A_183 = tpu.memref_squeeze %dma_start3A_182 : memref<1x128xi32, #tpu.memory_space<vmem>> -> memref<128xi32, #tpu.memory_space<vmem>>
    %dma_start3A_184 = arith.constant 0 : i32
    %dma_start3A_185 = arith.constant 0 : i32
    %dma_start3A_186 = tpu.memref_slice %arg9[%dma_start3A_184, %dma_start3A_185] : memref<10240x64xf32, #tpu.memory_space<vmem_shared>> -> memref<10240x64xf32, #tpu.memory_space<vmem_shared>>
    tpu.enqueue_indirect_dma source(%dma_start3A_180 : memref<128x64xf32, #tpu.memory_space<vmem>>) target(%dma_start3A_186 : memref<10240x64xf32, #tpu.memory_space<vmem_shared>>) offsets(%dma_start3A_183 : memref<128xi32, #tpu.memory_space<vmem>>) semaphore(%arg18 : memref<!tpu.dma_semaphore, #tpu.memory_space<semaphore_mem>>) {add = true}
    %dma_wait3A_187 = arith.constant 159 : i32
    %dma_wait3A_188 = arith.constant 4 : i32
    %dma_wait3A_189 = arith.constant 0 : i32
    %dma_wait3A_190 = arith.constant 0 : i32
    %dma_wait3A_191 = tpu.memref_slice %arg8[%dma_wait3A_188, %dma_wait3A_189, %dma_wait3A_190] : memref<5x128x64xf32, #tpu.memory_space<vmem>> -> memref<1x128x64xf32, #tpu.memory_space<vmem>>
    %dma_wait3A_192 = tpu.memref_squeeze %dma_wait3A_191 : memref<1x128x64xf32, #tpu.memory_space<vmem>> -> memref<128x64xf32, #tpu.memory_space<vmem>>
    %dma_wait3A_193 = arith.constant 0 : i32
    %dma_wait3A_194 = tpu.memref_slice %arg6[%dma_wait3A_187, %dma_wait3A_193] : memref<160x128xi32, #tpu.memory_space<vmem>> -> memref<1x128xi32, #tpu.memory_space<vmem>>
    %dma_wait3A_195 = tpu.memref_squeeze %dma_wait3A_194 : memref<1x128xi32, #tpu.memory_space<vmem>> -> memref<128xi32, #tpu.memory_space<vmem>>
    %dma_wait3A_196 = arith.constant 0 : i32
    %dma_wait3A_197 = arith.constant 0 : i32
    %dma_wait3A_198 = tpu.memref_slice %arg2[%dma_wait3A_196, %dma_wait3A_197] : memref<200000x64xf32, #tpu.memory_space<hbm>> -> memref<200000x64xf32, #tpu.memory_space<hbm>>
    tpu.wait_indirect_dma semaphore(%arg14 : memref<!tpu.dma_semaphore, #tpu.memory_space<semaphore_mem>>) src(%dma_wait3A_198 : memref<200000x64xf32, #tpu.memory_space<hbm>>) dst(%dma_wait3A_192 : memref<128x64xf32, #tpu.memory_space<vmem>>)
    %dma_start3A_199 = arith.constant 4 : i32
    %dma_start3A_200 = arith.constant 159 : i32
    %dma_start3A_201 = arith.constant 0 : i32
    %dma_start3A_202 = arith.constant 0 : i32
    %dma_start3A_203 = tpu.memref_slice %arg8[%dma_start3A_199, %dma_start3A_201, %dma_start3A_202] : memref<5x128x64xf32, #tpu.memory_space<vmem>> -> memref<1x128x64xf32, #tpu.memory_space<vmem>>
    %dma_start3A_204 = tpu.memref_squeeze %dma_start3A_203 : memref<1x128x64xf32, #tpu.memory_space<vmem>> -> memref<128x64xf32, #tpu.memory_space<vmem>>
    %dma_start3A_205 = arith.constant 0 : i32
    %dma_start3A_206 = tpu.memref_slice %arg7[%dma_start3A_200, %dma_start3A_205] : memref<160x128xi32, #tpu.memory_space<vmem>> -> memref<1x128xi32, #tpu.memory_space<vmem>>
    %dma_start3A_207 = tpu.memref_squeeze %dma_start3A_206 : memref<1x128xi32, #tpu.memory_space<vmem>> -> memref<128xi32, #tpu.memory_space<vmem>>
    %dma_start3A_208 = arith.constant 0 : i32
    %dma_start3A_209 = arith.constant 0 : i32
    %dma_start3A_210 = tpu.memref_slice %arg9[%dma_start3A_208, %dma_start3A_209] : memref<10240x64xf32, #tpu.memory_space<vmem_shared>> -> memref<10240x64xf32, #tpu.memory_space<vmem_shared>>
    tpu.enqueue_indirect_dma source(%dma_start3A_204 : memref<128x64xf32, #tpu.memory_space<vmem>>) target(%dma_start3A_210 : memref<10240x64xf32, #tpu.memory_space<vmem_shared>>) offsets(%dma_start3A_207 : memref<128xi32, #tpu.memory_space<vmem>>) semaphore(%arg19 : memref<!tpu.dma_semaphore, #tpu.memory_space<semaphore_mem>>) {add = true}
    %dma_wait3A_211 = arith.constant 0 : i32
    %dma_wait3A_212 = arith.constant 155 : i32
    %dma_wait3A_213 = arith.constant 0 : i32
    %dma_wait3A_214 = arith.constant 0 : i32
    %dma_wait3A_215 = tpu.memref_slice %arg8[%dma_wait3A_211, %dma_wait3A_213, %dma_wait3A_214] : memref<5x128x64xf32, #tpu.memory_space<vmem>> -> memref<1x128x64xf32, #tpu.memory_space<vmem>>
    %dma_wait3A_216 = tpu.memref_squeeze %dma_wait3A_215 : memref<1x128x64xf32, #tpu.memory_space<vmem>> -> memref<128x64xf32, #tpu.memory_space<vmem>>
    %dma_wait3A_217 = arith.constant 0 : i32
    %dma_wait3A_218 = tpu.memref_slice %arg7[%dma_wait3A_212, %dma_wait3A_217] : memref<160x128xi32, #tpu.memory_space<vmem>> -> memref<1x128xi32, #tpu.memory_space<vmem>>
    %dma_wait3A_219 = tpu.memref_squeeze %dma_wait3A_218 : memref<1x128xi32, #tpu.memory_space<vmem>> -> memref<128xi32, #tpu.memory_space<vmem>>
    %dma_wait3A_220 = arith.constant 0 : i32
    %dma_wait3A_221 = arith.constant 0 : i32
    %dma_wait3A_222 = tpu.memref_slice %arg9[%dma_wait3A_220, %dma_wait3A_221] : memref<10240x64xf32, #tpu.memory_space<vmem_shared>> -> memref<10240x64xf32, #tpu.memory_space<vmem_shared>>
    tpu.wait_indirect_dma semaphore(%arg15 : memref<!tpu.dma_semaphore, #tpu.memory_space<semaphore_mem>>) src(%dma_wait3A_216 : memref<128x64xf32, #tpu.memory_space<vmem>>) dst(%dma_wait3A_222 : memref<10240x64xf32, #tpu.memory_space<vmem_shared>>)
    %dma_wait3A_223 = arith.constant 1 : i32
    %dma_wait3A_224 = arith.constant 156 : i32
    %dma_wait3A_225 = arith.constant 0 : i32
    %dma_wait3A_226 = arith.constant 0 : i32
    %dma_wait3A_227 = tpu.memref_slice %arg8[%dma_wait3A_223, %dma_wait3A_225, %dma_wait3A_226] : memref<5x128x64xf32, #tpu.memory_space<vmem>> -> memref<1x128x64xf32, #tpu.memory_space<vmem>>
    %dma_wait3A_228 = tpu.memref_squeeze %dma_wait3A_227 : memref<1x128x64xf32, #tpu.memory_space<vmem>> -> memref<128x64xf32, #tpu.memory_space<vmem>>
    %dma_wait3A_229 = arith.constant 0 : i32
    %dma_wait3A_230 = tpu.memref_slice %arg7[%dma_wait3A_224, %dma_wait3A_229] : memref<160x128xi32, #tpu.memory_space<vmem>> -> memref<1x128xi32, #tpu.memory_space<vmem>>
    %dma_wait3A_231 = tpu.memref_squeeze %dma_wait3A_230 : memref<1x128xi32, #tpu.memory_space<vmem>> -> memref<128xi32, #tpu.memory_space<vmem>>
    %dma_wait3A_232 = arith.constant 0 : i32
    %dma_wait3A_233 = arith.constant 0 : i32
    %dma_wait3A_234 = tpu.memref_slice %arg9[%dma_wait3A_232, %dma_wait3A_233] : memref<10240x64xf32, #tpu.memory_space<vmem_shared>> -> memref<10240x64xf32, #tpu.memory_space<vmem_shared>>
    tpu.wait_indirect_dma semaphore(%arg16 : memref<!tpu.dma_semaphore, #tpu.memory_space<semaphore_mem>>) src(%dma_wait3A_228 : memref<128x64xf32, #tpu.memory_space<vmem>>) dst(%dma_wait3A_234 : memref<10240x64xf32, #tpu.memory_space<vmem_shared>>)
    %dma_wait3A_235 = arith.constant 2 : i32
    %dma_wait3A_236 = arith.constant 157 : i32
    %dma_wait3A_237 = arith.constant 0 : i32
    %dma_wait3A_238 = arith.constant 0 : i32
    %dma_wait3A_239 = tpu.memref_slice %arg8[%dma_wait3A_235, %dma_wait3A_237, %dma_wait3A_238] : memref<5x128x64xf32, #tpu.memory_space<vmem>> -> memref<1x128x64xf32, #tpu.memory_space<vmem>>
    %dma_wait3A_240 = tpu.memref_squeeze %dma_wait3A_239 : memref<1x128x64xf32, #tpu.memory_space<vmem>> -> memref<128x64xf32, #tpu.memory_space<vmem>>
    %dma_wait3A_241 = arith.constant 0 : i32
    %dma_wait3A_242 = tpu.memref_slice %arg7[%dma_wait3A_236, %dma_wait3A_241] : memref<160x128xi32, #tpu.memory_space<vmem>> -> memref<1x128xi32, #tpu.memory_space<vmem>>
    %dma_wait3A_243 = tpu.memref_squeeze %dma_wait3A_242 : memref<1x128xi32, #tpu.memory_space<vmem>> -> memref<128xi32, #tpu.memory_space<vmem>>
    %dma_wait3A_244 = arith.constant 0 : i32
    %dma_wait3A_245 = arith.constant 0 : i32
    %dma_wait3A_246 = tpu.memref_slice %arg9[%dma_wait3A_244, %dma_wait3A_245] : memref<10240x64xf32, #tpu.memory_space<vmem_shared>> -> memref<10240x64xf32, #tpu.memory_space<vmem_shared>>
    tpu.wait_indirect_dma semaphore(%arg17 : memref<!tpu.dma_semaphore, #tpu.memory_space<semaphore_mem>>) src(%dma_wait3A_240 : memref<128x64xf32, #tpu.memory_space<vmem>>) dst(%dma_wait3A_246 : memref<10240x64xf32, #tpu.memory_space<vmem_shared>>)
    %dma_wait3A_247 = arith.constant 3 : i32
    %dma_wait3A_248 = arith.constant 158 : i32
    %dma_wait3A_249 = arith.constant 0 : i32
    %dma_wait3A_250 = arith.constant 0 : i32
    %dma_wait3A_251 = tpu.memref_slice %arg8[%dma_wait3A_247, %dma_wait3A_249, %dma_wait3A_250] : memref<5x128x64xf32, #tpu.memory_space<vmem>> -> memref<1x128x64xf32, #tpu.memory_space<vmem>>
    %dma_wait3A_252 = tpu.memref_squeeze %dma_wait3A_251 : memref<1x128x64xf32, #tpu.memory_space<vmem>> -> memref<128x64xf32, #tpu.memory_space<vmem>>
    %dma_wait3A_253 = arith.constant 0 : i32
    %dma_wait3A_254 = tpu.memref_slice %arg7[%dma_wait3A_248, %dma_wait3A_253] : memref<160x128xi32, #tpu.memory_space<vmem>> -> memref<1x128xi32, #tpu.memory_space<vmem>>
    %dma_wait3A_255 = tpu.memref_squeeze %dma_wait3A_254 : memref<1x128xi32, #tpu.memory_space<vmem>> -> memref<128xi32, #tpu.memory_space<vmem>>
    %dma_wait3A_256 = arith.constant 0 : i32
    %dma_wait3A_257 = arith.constant 0 : i32
    %dma_wait3A_258 = tpu.memref_slice %arg9[%dma_wait3A_256, %dma_wait3A_257] : memref<10240x64xf32, #tpu.memory_space<vmem_shared>> -> memref<10240x64xf32, #tpu.memory_space<vmem_shared>>
    tpu.wait_indirect_dma semaphore(%arg18 : memref<!tpu.dma_semaphore, #tpu.memory_space<semaphore_mem>>) src(%dma_wait3A_252 : memref<128x64xf32, #tpu.memory_space<vmem>>) dst(%dma_wait3A_258 : memref<10240x64xf32, #tpu.memory_space<vmem_shared>>)
    %dma_wait3A_259 = arith.constant 4 : i32
    %dma_wait3A_260 = arith.constant 159 : i32
    %dma_wait3A_261 = arith.constant 0 : i32
    %dma_wait3A_262 = arith.constant 0 : i32
    %dma_wait3A_263 = tpu.memref_slice %arg8[%dma_wait3A_259, %dma_wait3A_261, %dma_wait3A_262] : memref<5x128x64xf32, #tpu.memory_space<vmem>> -> memref<1x128x64xf32, #tpu.memory_space<vmem>>
    %dma_wait3A_264 = tpu.memref_squeeze %dma_wait3A_263 : memref<1x128x64xf32, #tpu.memory_space<vmem>> -> memref<128x64xf32, #tpu.memory_space<vmem>>
    %dma_wait3A_265 = arith.constant 0 : i32
    %dma_wait3A_266 = tpu.memref_slice %arg7[%dma_wait3A_260, %dma_wait3A_265] : memref<160x128xi32, #tpu.memory_space<vmem>> -> memref<1x128xi32, #tpu.memory_space<vmem>>
    %dma_wait3A_267 = tpu.memref_squeeze %dma_wait3A_266 : memref<1x128xi32, #tpu.memory_space<vmem>> -> memref<128xi32, #tpu.memory_space<vmem>>
    %dma_wait3A_268 = arith.constant 0 : i32
    %dma_wait3A_269 = arith.constant 0 : i32
    %dma_wait3A_270 = tpu.memref_slice %arg9[%dma_wait3A_268, %dma_wait3A_269] : memref<10240x64xf32, #tpu.memory_space<vmem_shared>> -> memref<10240x64xf32, #tpu.memory_space<vmem_shared>>
    tpu.wait_indirect_dma semaphore(%arg19 : memref<!tpu.dma_semaphore, #tpu.memory_space<semaphore_mem>>) src(%dma_wait3A_264 : memref<128x64xf32, #tpu.memory_space<vmem>>) dst(%dma_wait3A_270 : memref<10240x64xf32, #tpu.memory_space<vmem_shared>>)
    %barrier3A_271 = arith.constant 0 : index
    tpu.barrier barrier_id(%barrier3A_271)
    %mul3A_272 = arith.constant 640 : i32
    %mul3A_273 = arith.muli %arg1, %mul3A_272 : i32
    %mul3A_274 = arith.constant 640 : i32
    %mul3A_275 = arith.muli %arg1, %mul3A_274 : i32
    "tpu.region"() ({
      %run_scoped3A_276 = tpu.sem_alloc : memref<!tpu.dma_semaphore, #tpu.memory_space<semaphore_mem>>
      %dma_start3A_277 = arith.constant 0 : i32
      %dma_start3A_278 = tpu.memref_slice %arg5[%arg0, %mul3A_275, %dma_start3A_277] : memref<2x10240x64xf32, #tpu.memory_space<hbm>> -> memref<1x640x64xf32, #tpu.memory_space<hbm>>
      %dma_start3A_279 = tpu.memref_squeeze %dma_start3A_278 : memref<1x640x64xf32, #tpu.memory_space<hbm>> -> memref<640x64xf32, #tpu.memory_space<hbm>>
      %dma_start3A_280 = arith.constant 0 : i32
      %dma_start3A_281 = tpu.memref_slice %arg9[%mul3A_273, %dma_start3A_280] : memref<10240x64xf32, #tpu.memory_space<vmem_shared>> -> memref<640x64xf32, #tpu.memory_space<vmem_shared>>
      tpu.enqueue_dma source(%dma_start3A_281 : memref<640x64xf32, #tpu.memory_space<vmem_shared>>) target(%dma_start3A_279 : memref<640x64xf32, #tpu.memory_space<hbm>>) target_semaphore(%run_scoped3A_276 : memref<!tpu.dma_semaphore, #tpu.memory_space<semaphore_mem>>)
      %dma_wait3A_282 = arith.constant 0 : i32
      %dma_wait3A_283 = tpu.memref_slice %arg5[%arg0, %mul3A_275, %dma_wait3A_282] : memref<2x10240x64xf32, #tpu.memory_space<hbm>> -> memref<1x640x64xf32, #tpu.memory_space<hbm>>
      %dma_wait3A_284 = tpu.memref_squeeze %dma_wait3A_283 : memref<1x640x64xf32, #tpu.memory_space<hbm>> -> memref<640x64xf32, #tpu.memory_space<hbm>>
      %dma_wait3A_285 = arith.constant 0 : i32
      %dma_wait3A_286 = tpu.memref_slice %arg9[%mul3A_273, %dma_wait3A_285] : memref<10240x64xf32, #tpu.memory_space<vmem_shared>> -> memref<640x64xf32, #tpu.memory_space<vmem_shared>>
      tpu.wait_dma2 semaphore(%run_scoped3A_276 : memref<!tpu.dma_semaphore, #tpu.memory_space<semaphore_mem>>) src(%dma_wait3A_286 : memref<640x64xf32, #tpu.memory_space<vmem_shared>>) dst(%dma_wait3A_284 : memref<640x64xf32, #tpu.memory_space<hbm>>)
      tpu.yield
    }) : () -> ()
    return
  }
}

#map = affine_map<(d0, d1) -> (0, 0)>
#map1 = affine_map<(d0, d1) -> (0, 0, 0, 0)>
#map2 = affine_map<(d0, d1) -> (0, 0, 0)>
module attributes {stable_mosaic.version = 14 : i64} {
  func.func @_hop_body(%arg0: i32, %arg1: i32, %arg2: memref<200000x64xf32, #tpu.memory_space<hbm>>, %arg3: memref<2x16x160x128xi32, #tpu.memory_space<hbm>>, %arg4: memref<16x160x128xi32, #tpu.memory_space<hbm>>, %arg5: memref<2x10240x64xf32, #tpu.memory_space<hbm>>, %arg6: memref<160x128xi32, #tpu.memory_space<vmem>>, %arg7: memref<160x128xi32, #tpu.memory_space<vmem>>, %arg8: memref<5x128x64xf32, #tpu.memory_space<vmem>>, %arg9: memref<10240x64xf32, #tpu.memory_space<vmem_shared>>, %arg10: memref<!tpu.dma_semaphore, #tpu.memory_space<semaphore_mem>>, %arg11: memref<!tpu.dma_semaphore, #tpu.memory_space<semaphore_mem>>, %arg12: memref<!tpu.dma_semaphore, #tpu.memory_space<semaphore_mem>>, %arg13: memref<!tpu.dma_semaphore, #tpu.memory_space<semaphore_mem>>, %arg14: memref<!tpu.dma_semaphore, #tpu.memory_space<semaphore_mem>>, %arg15: memref<!tpu.dma_semaphore, #tpu.memory_space<semaphore_mem>>, %arg16: memref<!tpu.dma_semaphore, #tpu.memory_space<semaphore_mem>>, %arg17: memref<!tpu.dma_semaphore, #tpu.memory_space<semaphore_mem>>, %arg18: memref<!tpu.dma_semaphore, #tpu.memory_space<semaphore_mem>>, %arg19: memref<!tpu.dma_semaphore, #tpu.memory_space<semaphore_mem>>) attributes {dimension_semantics = [#tpu.dimension_semantics<core_parallel>, #tpu.dimension_semantics<subcore_parallel>], iteration_bounds = array<i64: 2, 16>, scalar_prefetch = 0 : i64, scratch_operands = 14 : i64, tpu.core_type = #tpu.core_type<sc_vector_subcore>, window_params = [{transform_indices = #map}, {transform_indices = #map1}, {transform_indices = #map2}, {transform_indices = #map2}]} {
    "tpu.region"() ({
      %run_scoped3A_276 = tpu.sem_alloc : memref<!tpu.dma_semaphore, #tpu.memory_space<semaphore_mem>>
      %dma_start3A_277 = arith.constant 0 : i32
      %dma_start3A_278 = arith.constant 0 : i32
      %dma_start3A_279 = tpu.memref_slice %arg3[%arg0, %arg1, %dma_start3A_277, %dma_start3A_278] : memref<2x16x160x128xi32, #tpu.memory_space<hbm>> -> memref<1x1x160x128xi32, #tpu.memory_space<hbm>>
      %dma_start3A_280 = tpu.memref_squeeze %dma_start3A_279 : memref<1x1x160x128xi32, #tpu.memory_space<hbm>> -> memref<160x128xi32, #tpu.memory_space<hbm>>
      %dma_start3A_281 = arith.constant 0 : i32
      %dma_start3A_282 = arith.constant 0 : i32
      %dma_start3A_283 = tpu.memref_slice %arg3[%arg0, %arg1, %dma_start3A_281, %dma_start3A_282] : memref<2x16x160x128xi32, #tpu.memory_space<hbm>> -> memref<1x1x160x128xi32, #tpu.memory_space<hbm>>
      %dma_start3A_284 = tpu.memref_squeeze %dma_start3A_283 : memref<1x1x160x128xi32, #tpu.memory_space<hbm>> -> memref<160x128xi32, #tpu.memory_space<hbm>>
      tpu.enqueue_dma source(%dma_start3A_284 : memref<160x128xi32, #tpu.memory_space<hbm>>) target(%arg6 : memref<160x128xi32, #tpu.memory_space<vmem>>) target_semaphore(%run_scoped3A_276 : memref<!tpu.dma_semaphore, #tpu.memory_space<semaphore_mem>>)
      %dma_wait3A_285 = arith.constant 0 : i32
      %dma_wait3A_286 = arith.constant 0 : i32
      %dma_wait3A_287 = tpu.memref_slice %arg3[%arg0, %arg1, %dma_wait3A_285, %dma_wait3A_286] : memref<2x16x160x128xi32, #tpu.memory_space<hbm>> -> memref<1x1x160x128xi32, #tpu.memory_space<hbm>>
      %dma_wait3A_288 = tpu.memref_squeeze %dma_wait3A_287 : memref<1x1x160x128xi32, #tpu.memory_space<hbm>> -> memref<160x128xi32, #tpu.memory_space<hbm>>
      %dma_wait3A_289 = arith.constant 0 : i32
      %dma_wait3A_290 = arith.constant 0 : i32
      %dma_wait3A_291 = tpu.memref_slice %arg3[%arg0, %arg1, %dma_wait3A_289, %dma_wait3A_290] : memref<2x16x160x128xi32, #tpu.memory_space<hbm>> -> memref<1x1x160x128xi32, #tpu.memory_space<hbm>>
      %dma_wait3A_292 = tpu.memref_squeeze %dma_wait3A_291 : memref<1x1x160x128xi32, #tpu.memory_space<hbm>> -> memref<160x128xi32, #tpu.memory_space<hbm>>
      tpu.wait_dma2 semaphore(%run_scoped3A_276 : memref<!tpu.dma_semaphore, #tpu.memory_space<semaphore_mem>>) src(%dma_wait3A_292 : memref<160x128xi32, #tpu.memory_space<hbm>>) dst(%arg6 : memref<160x128xi32, #tpu.memory_space<vmem>>)
      tpu.yield
    }) : () -> ()
    "tpu.region"() ({
      %run_scoped3A_276 = tpu.sem_alloc : memref<!tpu.dma_semaphore, #tpu.memory_space<semaphore_mem>>
      %dma_start3A_277 = arith.constant 0 : i32
      %dma_start3A_278 = arith.constant 0 : i32
      %dma_start3A_279 = tpu.memref_slice %arg4[%arg1, %dma_start3A_277, %dma_start3A_278] : memref<16x160x128xi32, #tpu.memory_space<hbm>> -> memref<1x160x128xi32, #tpu.memory_space<hbm>>
      %dma_start3A_280 = tpu.memref_squeeze %dma_start3A_279 : memref<1x160x128xi32, #tpu.memory_space<hbm>> -> memref<160x128xi32, #tpu.memory_space<hbm>>
      %dma_start3A_281 = arith.constant 0 : i32
      %dma_start3A_282 = arith.constant 0 : i32
      %dma_start3A_283 = tpu.memref_slice %arg4[%arg1, %dma_start3A_281, %dma_start3A_282] : memref<16x160x128xi32, #tpu.memory_space<hbm>> -> memref<1x160x128xi32, #tpu.memory_space<hbm>>
      %dma_start3A_284 = tpu.memref_squeeze %dma_start3A_283 : memref<1x160x128xi32, #tpu.memory_space<hbm>> -> memref<160x128xi32, #tpu.memory_space<hbm>>
      tpu.enqueue_dma source(%dma_start3A_284 : memref<160x128xi32, #tpu.memory_space<hbm>>) target(%arg7 : memref<160x128xi32, #tpu.memory_space<vmem>>) target_semaphore(%run_scoped3A_276 : memref<!tpu.dma_semaphore, #tpu.memory_space<semaphore_mem>>)
      %dma_wait3A_285 = arith.constant 0 : i32
      %dma_wait3A_286 = arith.constant 0 : i32
      %dma_wait3A_287 = tpu.memref_slice %arg4[%arg1, %dma_wait3A_285, %dma_wait3A_286] : memref<16x160x128xi32, #tpu.memory_space<hbm>> -> memref<1x160x128xi32, #tpu.memory_space<hbm>>
      %dma_wait3A_288 = tpu.memref_squeeze %dma_wait3A_287 : memref<1x160x128xi32, #tpu.memory_space<hbm>> -> memref<160x128xi32, #tpu.memory_space<hbm>>
      %dma_wait3A_289 = arith.constant 0 : i32
      %dma_wait3A_290 = arith.constant 0 : i32
      %dma_wait3A_291 = tpu.memref_slice %arg4[%arg1, %dma_wait3A_289, %dma_wait3A_290] : memref<16x160x128xi32, #tpu.memory_space<hbm>> -> memref<1x160x128xi32, #tpu.memory_space<hbm>>
      %dma_wait3A_292 = tpu.memref_squeeze %dma_wait3A_291 : memref<1x160x128xi32, #tpu.memory_space<hbm>> -> memref<160x128xi32, #tpu.memory_space<hbm>>
      tpu.wait_dma2 semaphore(%run_scoped3A_276 : memref<!tpu.dma_semaphore, #tpu.memory_space<semaphore_mem>>) src(%dma_wait3A_292 : memref<160x128xi32, #tpu.memory_space<hbm>>) dst(%arg7 : memref<160x128xi32, #tpu.memory_space<vmem>>)
      tpu.yield
    }) : () -> ()
    %scan3A = arith.constant 0 : i32
    %scan3A_0 = arith.constant 0 : i32
    %scan3A_1 = arith.constant 128 : i32
    %scan3A_2 = arith.addi %scan3A_0, %scan3A_1 : i32
    %scan3A_3 = arith.constant 1 : i32
    scf.for %scan3A_276 = %scan3A_0 to %scan3A_2 step %scan3A_3  : i32 {
      %broadcast_in_dim3A = arith.constant 0.000000e+00 : f32
      %broadcast_in_dim3A_277 = vector.broadcast %broadcast_in_dim3A : f32 to vector<16xf32>
      %swap3A = arith.constant 0 : i32
      %swap3A_278 = arith.index_cast %swap3A : i32 to index
      %swap3A_279 = arith.index_cast %scan3A_276 : i32 to index
      %swap3A_280 = arith.constant 0 : index
      %swap3A_281 = tpu.vector_load %arg8[%swap3A_278, %swap3A_279, %swap3A_280] {strides = array<i32>} : memref<5x128x64xf32, #tpu.memory_space<vmem>>, vector<1x1x16xf32>,
      %swap3A_282 = vector.shape_cast %swap3A_281 : vector<1x1x16xf32> to vector<16xf32>
      %swap3A_283 = vector.shape_cast %broadcast_in_dim3A_277 : vector<16xf32> to vector<1x1x16xf32>
      tpu.vector_store %arg8[%swap3A_278, %swap3A_279, %swap3A_280], %swap3A_283 {strides = array<i32>} : memref<5x128x64xf32, #tpu.memory_space<vmem>>, vector<1x1x16xf32>,
      %broadcast_in_dim3A_284 = arith.constant 0.000000e+00 : f32
      %broadcast_in_dim3A_285 = vector.broadcast %broadcast_in_dim3A_284 : f32 to vector<16xf32>
      %swap3A_286 = arith.constant 0 : i32
      %swap3A_287 = arith.index_cast %swap3A_286 : i32 to index
      %swap3A_288 = arith.index_cast %scan3A_276 : i32 to index
      %swap3A_289 = arith.constant 16 : index
      %swap3A_290 = tpu.vector_load %arg8[%swap3A_287, %swap3A_288, %swap3A_289] {strides = array<i32>} : memref<5x128x64xf32, #tpu.memory_space<vmem>>, vector<1x1x16xf32>,
      %swap3A_291 = vector.shape_cast %swap3A_290 : vector<1x1x16xf32> to vector<16xf32>
      %swap3A_292 = vector.shape_cast %broadcast_in_dim3A_285 : vector<16xf32> to vector<1x1x16xf32>
      tpu.vector_store %arg8[%swap3A_287, %swap3A_288, %swap3A_289], %swap3A_292 {strides = array<i32>} : memref<5x128x64xf32, #tpu.memory_space<vmem>>, vector<1x1x16xf32>,
      %broadcast_in_dim3A_293 = arith.constant 0.000000e+00 : f32
      %broadcast_in_dim3A_294 = vector.broadcast %broadcast_in_dim3A_293 : f32 to vector<16xf32>
      %swap3A_295 = arith.constant 0 : i32
      %swap3A_296 = arith.index_cast %swap3A_295 : i32 to index
      %swap3A_297 = arith.index_cast %scan3A_276 : i32 to index
      %swap3A_298 = arith.constant 32 : index
      %swap3A_299 = tpu.vector_load %arg8[%swap3A_296, %swap3A_297, %swap3A_298] {strides = array<i32>} : memref<5x128x64xf32, #tpu.memory_space<vmem>>, vector<1x1x16xf32>,
      %swap3A_300 = vector.shape_cast %swap3A_299 : vector<1x1x16xf32> to vector<16xf32>
      %swap3A_301 = vector.shape_cast %broadcast_in_dim3A_294 : vector<16xf32> to vector<1x1x16xf32>
      tpu.vector_store %arg8[%swap3A_296, %swap3A_297, %swap3A_298], %swap3A_301 {strides = array<i32>} : memref<5x128x64xf32, #tpu.memory_space<vmem>>, vector<1x1x16xf32>,
      %broadcast_in_dim3A_302 = arith.constant 0.000000e+00 : f32
      %broadcast_in_dim3A_303 = vector.broadcast %broadcast_in_dim3A_302 : f32 to vector<16xf32>
      %swap3A_304 = arith.constant 0 : i32
      %swap3A_305 = arith.index_cast %swap3A_304 : i32 to index
      %swap3A_306 = arith.index_cast %scan3A_276 : i32 to index
      %swap3A_307 = arith.constant 48 : index
      %swap3A_308 = tpu.vector_load %arg8[%swap3A_305, %swap3A_306, %swap3A_307] {strides = array<i32>} : memref<5x128x64xf32, #tpu.memory_space<vmem>>, vector<1x1x16xf32>,
      %swap3A_309 = vector.shape_cast %swap3A_308 : vector<1x1x16xf32> to vector<16xf32>
      %swap3A_310 = vector.shape_cast %broadcast_in_dim3A_303 : vector<16xf32> to vector<1x1x16xf32>
      tpu.vector_store %arg8[%swap3A_305, %swap3A_306, %swap3A_307], %swap3A_310 {strides = array<i32>} : memref<5x128x64xf32, #tpu.memory_space<vmem>>, vector<1x1x16xf32>,
    }
    %scan3A_4 = arith.constant 128 : i32
    %mul3A = arith.constant 640 : i32
    %mul3A_5 = arith.muli %arg1, %mul3A : i32
    %add3A = arith.constant 0 : i32
    %add3A_6 = arith.addi %mul3A_5, %add3A : i32
    %run_scoped3A = arith.constant 0 : i32
    "tpu.region"() ({
      %run_scoped3A_276 = tpu.sem_alloc : memref<!tpu.dma_semaphore, #tpu.memory_space<semaphore_mem>>
      %dma_start3A_277 = arith.constant 0 : i32
      %dma_start3A_278 = arith.constant 0 : i32
      %dma_start3A_279 = tpu.memref_slice %arg8[%run_scoped3A, %dma_start3A_277, %dma_start3A_278] : memref<5x128x64xf32, #tpu.memory_space<vmem>> -> memref<1x128x64xf32, #tpu.memory_space<vmem>>
      %dma_start3A_280 = tpu.memref_squeeze %dma_start3A_279 : memref<1x128x64xf32, #tpu.memory_space<vmem>> -> memref<128x64xf32, #tpu.memory_space<vmem>>
      %dma_start3A_281 = arith.constant 0 : i32
      %dma_start3A_282 = tpu.memref_slice %arg9[%add3A_6, %dma_start3A_281] : memref<10240x64xf32, #tpu.memory_space<vmem_shared>> -> memref<128x64xf32, #tpu.memory_space<vmem_shared>>
      %dma_start3A_283 = arith.constant 0 : i32
      %dma_start3A_284 = tpu.memref_slice %arg9[%add3A_6, %dma_start3A_283] : memref<10240x64xf32, #tpu.memory_space<vmem_shared>> -> memref<128x64xf32, #tpu.memory_space<vmem_shared>>
      %dma_start3A_285 = arith.constant 0 : i32
      %dma_start3A_286 = arith.constant 0 : i32
      %dma_start3A_287 = tpu.memref_slice %arg8[%run_scoped3A, %dma_start3A_285, %dma_start3A_286] : memref<5x128x64xf32, #tpu.memory_space<vmem>> -> memref<1x128x64xf32, #tpu.memory_space<vmem>>
      %dma_start3A_288 = tpu.memref_squeeze %dma_start3A_287 : memref<1x128x64xf32, #tpu.memory_space<vmem>> -> memref<128x64xf32, #tpu.memory_space<vmem>>
      tpu.enqueue_dma source(%dma_start3A_288 : memref<128x64xf32, #tpu.memory_space<vmem>>) target(%dma_start3A_284 : memref<128x64xf32, #tpu.memory_space<vmem_shared>>) target_semaphore(%run_scoped3A_276 : memref<!tpu.dma_semaphore, #tpu.memory_space<semaphore_mem>>)
      %dma_wait3A_289 = arith.constant 0 : i32
      %dma_wait3A_290 = arith.constant 0 : i32
      %dma_wait3A_291 = tpu.memref_slice %arg8[%run_scoped3A, %dma_wait3A_289, %dma_wait3A_290] : memref<5x128x64xf32, #tpu.memory_space<vmem>> -> memref<1x128x64xf32, #tpu.memory_space<vmem>>
      %dma_wait3A_292 = tpu.memref_squeeze %dma_wait3A_291 : memref<1x128x64xf32, #tpu.memory_space<vmem>> -> memref<128x64xf32, #tpu.memory_space<vmem>>
      %dma_wait3A_293 = arith.constant 0 : i32
      %dma_wait3A_294 = tpu.memref_slice %arg9[%add3A_6, %dma_wait3A_293] : memref<10240x64xf32, #tpu.memory_space<vmem_shared>> -> memref<128x64xf32, #tpu.memory_space<vmem_shared>>
      %dma_wait3A_295 = arith.constant 0 : i32
      %dma_wait3A_296 = tpu.memref_slice %arg9[%add3A_6, %dma_wait3A_295] : memref<10240x64xf32, #tpu.memory_space<vmem_shared>> -> memref<128x64xf32, #tpu.memory_space<vmem_shared>>
      %dma_wait3A_297 = arith.constant 0 : i32
      %dma_wait3A_298 = arith.constant 0 : i32
      %dma_wait3A_299 = tpu.memref_slice %arg8[%run_scoped3A, %dma_wait3A_297, %dma_wait3A_298] : memref<5x128x64xf32, #tpu.memory_space<vmem>> -> memref<1x128x64xf32, #tpu.memory_space<vmem>>
      %dma_wait3A_300 = tpu.memref_squeeze %dma_wait3A_299 : memref<1x128x64xf32, #tpu.memory_space<vmem>> -> memref<128x64xf32, #tpu.memory_space<vmem>>
      tpu.wait_dma2 semaphore(%run_scoped3A_276 : memref<!tpu.dma_semaphore, #tpu.memory_space<semaphore_mem>>) src(%dma_wait3A_300 : memref<128x64xf32, #tpu.memory_space<vmem>>) dst(%dma_wait3A_296 : memref<128x64xf32, #tpu.memory_space<vmem_shared>>)
      tpu.yield
    }) : () -> ()
    %mul3A_7 = arith.constant 640 : i32
    %mul3A_8 = arith.muli %arg1, %mul3A_7 : i32
    %add3A_9 = arith.constant 128 : i32
    %add3A_10 = arith.addi %mul3A_8, %add3A_9 : i32
    %run_scoped3A_11 = arith.constant 0 : i32
    "tpu.region"() ({
      %run_scoped3A_276 = tpu.sem_alloc : memref<!tpu.dma_semaphore, #tpu.memory_space<semaphore_mem>>
      %dma_start3A_277 = arith.constant 0 : i32
      %dma_start3A_278 = arith.constant 0 : i32
      %dma_start3A_279 = tpu.memref_slice %arg8[%run_scoped3A_11, %dma_start3A_277, %dma_start3A_278] : memref<5x128x64xf32, #tpu.memory_space<vmem>> -> memref<1x128x64xf32, #tpu.memory_space<vmem>>
      %dma_start3A_280 = tpu.memref_squeeze %dma_start3A_279 : memref<1x128x64xf32, #tpu.memory_space<vmem>> -> memref<128x64xf32, #tpu.memory_space<vmem>>
      %dma_start3A_281 = arith.constant 0 : i32
      %dma_start3A_282 = tpu.memref_slice %arg9[%add3A_10, %dma_start3A_281] : memref<10240x64xf32, #tpu.memory_space<vmem_shared>> -> memref<128x64xf32, #tpu.memory_space<vmem_shared>>
      %dma_start3A_283 = arith.constant 0 : i32
      %dma_start3A_284 = tpu.memref_slice %arg9[%add3A_10, %dma_start3A_283] : memref<10240x64xf32, #tpu.memory_space<vmem_shared>> -> memref<128x64xf32, #tpu.memory_space<vmem_shared>>
      %dma_start3A_285 = arith.constant 0 : i32
      %dma_start3A_286 = arith.constant 0 : i32
      %dma_start3A_287 = tpu.memref_slice %arg8[%run_scoped3A_11, %dma_start3A_285, %dma_start3A_286] : memref<5x128x64xf32, #tpu.memory_space<vmem>> -> memref<1x128x64xf32, #tpu.memory_space<vmem>>
      %dma_start3A_288 = tpu.memref_squeeze %dma_start3A_287 : memref<1x128x64xf32, #tpu.memory_space<vmem>> -> memref<128x64xf32, #tpu.memory_space<vmem>>
      tpu.enqueue_dma source(%dma_start3A_288 : memref<128x64xf32, #tpu.memory_space<vmem>>) target(%dma_start3A_284 : memref<128x64xf32, #tpu.memory_space<vmem_shared>>) target_semaphore(%run_scoped3A_276 : memref<!tpu.dma_semaphore, #tpu.memory_space<semaphore_mem>>)
      %dma_wait3A_289 = arith.constant 0 : i32
      %dma_wait3A_290 = arith.constant 0 : i32
      %dma_wait3A_291 = tpu.memref_slice %arg8[%run_scoped3A_11, %dma_wait3A_289, %dma_wait3A_290] : memref<5x128x64xf32, #tpu.memory_space<vmem>> -> memref<1x128x64xf32, #tpu.memory_space<vmem>>
      %dma_wait3A_292 = tpu.memref_squeeze %dma_wait3A_291 : memref<1x128x64xf32, #tpu.memory_space<vmem>> -> memref<128x64xf32, #tpu.memory_space<vmem>>
      %dma_wait3A_293 = arith.constant 0 : i32
      %dma_wait3A_294 = tpu.memref_slice %arg9[%add3A_10, %dma_wait3A_293] : memref<10240x64xf32, #tpu.memory_space<vmem_shared>> -> memref<128x64xf32, #tpu.memory_space<vmem_shared>>
      %dma_wait3A_295 = arith.constant 0 : i32
      %dma_wait3A_296 = tpu.memref_slice %arg9[%add3A_10, %dma_wait3A_295] : memref<10240x64xf32, #tpu.memory_space<vmem_shared>> -> memref<128x64xf32, #tpu.memory_space<vmem_shared>>
      %dma_wait3A_297 = arith.constant 0 : i32
      %dma_wait3A_298 = arith.constant 0 : i32
      %dma_wait3A_299 = tpu.memref_slice %arg8[%run_scoped3A_11, %dma_wait3A_297, %dma_wait3A_298] : memref<5x128x64xf32, #tpu.memory_space<vmem>> -> memref<1x128x64xf32, #tpu.memory_space<vmem>>
      %dma_wait3A_300 = tpu.memref_squeeze %dma_wait3A_299 : memref<1x128x64xf32, #tpu.memory_space<vmem>> -> memref<128x64xf32, #tpu.memory_space<vmem>>
      tpu.wait_dma2 semaphore(%run_scoped3A_276 : memref<!tpu.dma_semaphore, #tpu.memory_space<semaphore_mem>>) src(%dma_wait3A_300 : memref<128x64xf32, #tpu.memory_space<vmem>>) dst(%dma_wait3A_296 : memref<128x64xf32, #tpu.memory_space<vmem_shared>>)
      tpu.yield
    }) : () -> ()
    %mul3A_12 = arith.constant 640 : i32
    %mul3A_13 = arith.muli %arg1, %mul3A_12 : i32
    %add3A_14 = arith.constant 256 : i32
    %add3A_15 = arith.addi %mul3A_13, %add3A_14 : i32
    %run_scoped3A_16 = arith.constant 0 : i32
    "tpu.region"() ({
      %run_scoped3A_276 = tpu.sem_alloc : memref<!tpu.dma_semaphore, #tpu.memory_space<semaphore_mem>>
      %dma_start3A_277 = arith.constant 0 : i32
      %dma_start3A_278 = arith.constant 0 : i32
      %dma_start3A_279 = tpu.memref_slice %arg8[%run_scoped3A_16, %dma_start3A_277, %dma_start3A_278] : memref<5x128x64xf32, #tpu.memory_space<vmem>> -> memref<1x128x64xf32, #tpu.memory_space<vmem>>
      %dma_start3A_280 = tpu.memref_squeeze %dma_start3A_279 : memref<1x128x64xf32, #tpu.memory_space<vmem>> -> memref<128x64xf32, #tpu.memory_space<vmem>>
      %dma_start3A_281 = arith.constant 0 : i32
      %dma_start3A_282 = tpu.memref_slice %arg9[%add3A_15, %dma_start3A_281] : memref<10240x64xf32, #tpu.memory_space<vmem_shared>> -> memref<128x64xf32, #tpu.memory_space<vmem_shared>>
      %dma_start3A_283 = arith.constant 0 : i32
      %dma_start3A_284 = tpu.memref_slice %arg9[%add3A_15, %dma_start3A_283] : memref<10240x64xf32, #tpu.memory_space<vmem_shared>> -> memref<128x64xf32, #tpu.memory_space<vmem_shared>>
      %dma_start3A_285 = arith.constant 0 : i32
      %dma_start3A_286 = arith.constant 0 : i32
      %dma_start3A_287 = tpu.memref_slice %arg8[%run_scoped3A_16, %dma_start3A_285, %dma_start3A_286] : memref<5x128x64xf32, #tpu.memory_space<vmem>> -> memref<1x128x64xf32, #tpu.memory_space<vmem>>
      %dma_start3A_288 = tpu.memref_squeeze %dma_start3A_287 : memref<1x128x64xf32, #tpu.memory_space<vmem>> -> memref<128x64xf32, #tpu.memory_space<vmem>>
      tpu.enqueue_dma source(%dma_start3A_288 : memref<128x64xf32, #tpu.memory_space<vmem>>) target(%dma_start3A_284 : memref<128x64xf32, #tpu.memory_space<vmem_shared>>) target_semaphore(%run_scoped3A_276 : memref<!tpu.dma_semaphore, #tpu.memory_space<semaphore_mem>>)
      %dma_wait3A_289 = arith.constant 0 : i32
      %dma_wait3A_290 = arith.constant 0 : i32
      %dma_wait3A_291 = tpu.memref_slice %arg8[%run_scoped3A_16, %dma_wait3A_289, %dma_wait3A_290] : memref<5x128x64xf32, #tpu.memory_space<vmem>> -> memref<1x128x64xf32, #tpu.memory_space<vmem>>
      %dma_wait3A_292 = tpu.memref_squeeze %dma_wait3A_291 : memref<1x128x64xf32, #tpu.memory_space<vmem>> -> memref<128x64xf32, #tpu.memory_space<vmem>>
      %dma_wait3A_293 = arith.constant 0 : i32
      %dma_wait3A_294 = tpu.memref_slice %arg9[%add3A_15, %dma_wait3A_293] : memref<10240x64xf32, #tpu.memory_space<vmem_shared>> -> memref<128x64xf32, #tpu.memory_space<vmem_shared>>
      %dma_wait3A_295 = arith.constant 0 : i32
      %dma_wait3A_296 = tpu.memref_slice %arg9[%add3A_15, %dma_wait3A_295] : memref<10240x64xf32, #tpu.memory_space<vmem_shared>> -> memref<128x64xf32, #tpu.memory_space<vmem_shared>>
      %dma_wait3A_297 = arith.constant 0 : i32
      %dma_wait3A_298 = arith.constant 0 : i32
      %dma_wait3A_299 = tpu.memref_slice %arg8[%run_scoped3A_16, %dma_wait3A_297, %dma_wait3A_298] : memref<5x128x64xf32, #tpu.memory_space<vmem>> -> memref<1x128x64xf32, #tpu.memory_space<vmem>>
      %dma_wait3A_300 = tpu.memref_squeeze %dma_wait3A_299 : memref<1x128x64xf32, #tpu.memory_space<vmem>> -> memref<128x64xf32, #tpu.memory_space<vmem>>
      tpu.wait_dma2 semaphore(%run_scoped3A_276 : memref<!tpu.dma_semaphore, #tpu.memory_space<semaphore_mem>>) src(%dma_wait3A_300 : memref<128x64xf32, #tpu.memory_space<vmem>>) dst(%dma_wait3A_296 : memref<128x64xf32, #tpu.memory_space<vmem_shared>>)
      tpu.yield
    }) : () -> ()
    %mul3A_17 = arith.constant 640 : i32
    %mul3A_18 = arith.muli %arg1, %mul3A_17 : i32
    %add3A_19 = arith.constant 384 : i32
    %add3A_20 = arith.addi %mul3A_18, %add3A_19 : i32
    %run_scoped3A_21 = arith.constant 0 : i32
    "tpu.region"() ({
      %run_scoped3A_276 = tpu.sem_alloc : memref<!tpu.dma_semaphore, #tpu.memory_space<semaphore_mem>>
      %dma_start3A_277 = arith.constant 0 : i32
      %dma_start3A_278 = arith.constant 0 : i32
      %dma_start3A_279 = tpu.memref_slice %arg8[%run_scoped3A_21, %dma_start3A_277, %dma_start3A_278] : memref<5x128x64xf32, #tpu.memory_space<vmem>> -> memref<1x128x64xf32, #tpu.memory_space<vmem>>
      %dma_start3A_280 = tpu.memref_squeeze %dma_start3A_279 : memref<1x128x64xf32, #tpu.memory_space<vmem>> -> memref<128x64xf32, #tpu.memory_space<vmem>>
      %dma_start3A_281 = arith.constant 0 : i32
      %dma_start3A_282 = tpu.memref_slice %arg9[%add3A_20, %dma_start3A_281] : memref<10240x64xf32, #tpu.memory_space<vmem_shared>> -> memref<128x64xf32, #tpu.memory_space<vmem_shared>>
      %dma_start3A_283 = arith.constant 0 : i32
      %dma_start3A_284 = tpu.memref_slice %arg9[%add3A_20, %dma_start3A_283] : memref<10240x64xf32, #tpu.memory_space<vmem_shared>> -> memref<128x64xf32, #tpu.memory_space<vmem_shared>>
      %dma_start3A_285 = arith.constant 0 : i32
      %dma_start3A_286 = arith.constant 0 : i32
      %dma_start3A_287 = tpu.memref_slice %arg8[%run_scoped3A_21, %dma_start3A_285, %dma_start3A_286] : memref<5x128x64xf32, #tpu.memory_space<vmem>> -> memref<1x128x64xf32, #tpu.memory_space<vmem>>
      %dma_start3A_288 = tpu.memref_squeeze %dma_start3A_287 : memref<1x128x64xf32, #tpu.memory_space<vmem>> -> memref<128x64xf32, #tpu.memory_space<vmem>>
      tpu.enqueue_dma source(%dma_start3A_288 : memref<128x64xf32, #tpu.memory_space<vmem>>) target(%dma_start3A_284 : memref<128x64xf32, #tpu.memory_space<vmem_shared>>) target_semaphore(%run_scoped3A_276 : memref<!tpu.dma_semaphore, #tpu.memory_space<semaphore_mem>>)
      %dma_wait3A_289 = arith.constant 0 : i32
      %dma_wait3A_290 = arith.constant 0 : i32
      %dma_wait3A_291 = tpu.memref_slice %arg8[%run_scoped3A_21, %dma_wait3A_289, %dma_wait3A_290] : memref<5x128x64xf32, #tpu.memory_space<vmem>> -> memref<1x128x64xf32, #tpu.memory_space<vmem>>
      %dma_wait3A_292 = tpu.memref_squeeze %dma_wait3A_291 : memref<1x128x64xf32, #tpu.memory_space<vmem>> -> memref<128x64xf32, #tpu.memory_space<vmem>>
      %dma_wait3A_293 = arith.constant 0 : i32
      %dma_wait3A_294 = tpu.memref_slice %arg9[%add3A_20, %dma_wait3A_293] : memref<10240x64xf32, #tpu.memory_space<vmem_shared>> -> memref<128x64xf32, #tpu.memory_space<vmem_shared>>
      %dma_wait3A_295 = arith.constant 0 : i32
      %dma_wait3A_296 = tpu.memref_slice %arg9[%add3A_20, %dma_wait3A_295] : memref<10240x64xf32, #tpu.memory_space<vmem_shared>> -> memref<128x64xf32, #tpu.memory_space<vmem_shared>>
      %dma_wait3A_297 = arith.constant 0 : i32
      %dma_wait3A_298 = arith.constant 0 : i32
      %dma_wait3A_299 = tpu.memref_slice %arg8[%run_scoped3A_21, %dma_wait3A_297, %dma_wait3A_298] : memref<5x128x64xf32, #tpu.memory_space<vmem>> -> memref<1x128x64xf32, #tpu.memory_space<vmem>>
      %dma_wait3A_300 = tpu.memref_squeeze %dma_wait3A_299 : memref<1x128x64xf32, #tpu.memory_space<vmem>> -> memref<128x64xf32, #tpu.memory_space<vmem>>
      tpu.wait_dma2 semaphore(%run_scoped3A_276 : memref<!tpu.dma_semaphore, #tpu.memory_space<semaphore_mem>>) src(%dma_wait3A_300 : memref<128x64xf32, #tpu.memory_space<vmem>>) dst(%dma_wait3A_296 : memref<128x64xf32, #tpu.memory_space<vmem_shared>>)
      tpu.yield
    }) : () -> ()
    %mul3A_22 = arith.constant 640 : i32
    %mul3A_23 = arith.muli %arg1, %mul3A_22 : i32
    %add3A_24 = arith.constant 512 : i32
    %add3A_25 = arith.addi %mul3A_23, %add3A_24 : i32
    %run_scoped3A_26 = arith.constant 0 : i32
    "tpu.region"() ({
      %run_scoped3A_276 = tpu.sem_alloc : memref<!tpu.dma_semaphore, #tpu.memory_space<semaphore_mem>>
      %dma_start3A_277 = arith.constant 0 : i32
      %dma_start3A_278 = arith.constant 0 : i32
      %dma_start3A_279 = tpu.memref_slice %arg8[%run_scoped3A_26, %dma_start3A_277, %dma_start3A_278] : memref<5x128x64xf32, #tpu.memory_space<vmem>> -> memref<1x128x64xf32, #tpu.memory_space<vmem>>
      %dma_start3A_280 = tpu.memref_squeeze %dma_start3A_279 : memref<1x128x64xf32, #tpu.memory_space<vmem>> -> memref<128x64xf32, #tpu.memory_space<vmem>>
      %dma_start3A_281 = arith.constant 0 : i32
      %dma_start3A_282 = tpu.memref_slice %arg9[%add3A_25, %dma_start3A_281] : memref<10240x64xf32, #tpu.memory_space<vmem_shared>> -> memref<128x64xf32, #tpu.memory_space<vmem_shared>>
      %dma_start3A_283 = arith.constant 0 : i32
      %dma_start3A_284 = tpu.memref_slice %arg9[%add3A_25, %dma_start3A_283] : memref<10240x64xf32, #tpu.memory_space<vmem_shared>> -> memref<128x64xf32, #tpu.memory_space<vmem_shared>>
      %dma_start3A_285 = arith.constant 0 : i32
      %dma_start3A_286 = arith.constant 0 : i32
      %dma_start3A_287 = tpu.memref_slice %arg8[%run_scoped3A_26, %dma_start3A_285, %dma_start3A_286] : memref<5x128x64xf32, #tpu.memory_space<vmem>> -> memref<1x128x64xf32, #tpu.memory_space<vmem>>
      %dma_start3A_288 = tpu.memref_squeeze %dma_start3A_287 : memref<1x128x64xf32, #tpu.memory_space<vmem>> -> memref<128x64xf32, #tpu.memory_space<vmem>>
      tpu.enqueue_dma source(%dma_start3A_288 : memref<128x64xf32, #tpu.memory_space<vmem>>) target(%dma_start3A_284 : memref<128x64xf32, #tpu.memory_space<vmem_shared>>) target_semaphore(%run_scoped3A_276 : memref<!tpu.dma_semaphore, #tpu.memory_space<semaphore_mem>>)
      %dma_wait3A_289 = arith.constant 0 : i32
      %dma_wait3A_290 = arith.constant 0 : i32
      %dma_wait3A_291 = tpu.memref_slice %arg8[%run_scoped3A_26, %dma_wait3A_289, %dma_wait3A_290] : memref<5x128x64xf32, #tpu.memory_space<vmem>> -> memref<1x128x64xf32, #tpu.memory_space<vmem>>
      %dma_wait3A_292 = tpu.memref_squeeze %dma_wait3A_291 : memref<1x128x64xf32, #tpu.memory_space<vmem>> -> memref<128x64xf32, #tpu.memory_space<vmem>>
      %dma_wait3A_293 = arith.constant 0 : i32
      %dma_wait3A_294 = tpu.memref_slice %arg9[%add3A_25, %dma_wait3A_293] : memref<10240x64xf32, #tpu.memory_space<vmem_shared>> -> memref<128x64xf32, #tpu.memory_space<vmem_shared>>
      %dma_wait3A_295 = arith.constant 0 : i32
      %dma_wait3A_296 = tpu.memref_slice %arg9[%add3A_25, %dma_wait3A_295] : memref<10240x64xf32, #tpu.memory_space<vmem_shared>> -> memref<128x64xf32, #tpu.memory_space<vmem_shared>>
      %dma_wait3A_297 = arith.constant 0 : i32
      %dma_wait3A_298 = arith.constant 0 : i32
      %dma_wait3A_299 = tpu.memref_slice %arg8[%run_scoped3A_26, %dma_wait3A_297, %dma_wait3A_298] : memref<5x128x64xf32, #tpu.memory_space<vmem>> -> memref<1x128x64xf32, #tpu.memory_space<vmem>>
      %dma_wait3A_300 = tpu.memref_squeeze %dma_wait3A_299 : memref<1x128x64xf32, #tpu.memory_space<vmem>> -> memref<128x64xf32, #tpu.memory_space<vmem>>
      tpu.wait_dma2 semaphore(%run_scoped3A_276 : memref<!tpu.dma_semaphore, #tpu.memory_space<semaphore_mem>>) src(%dma_wait3A_300 : memref<128x64xf32, #tpu.memory_space<vmem>>) dst(%dma_wait3A_296 : memref<128x64xf32, #tpu.memory_space<vmem_shared>>)
      tpu.yield
    }) : () -> ()
    %barrier3A = arith.constant 0 : index
    tpu.barrier barrier_id(%barrier3A)
    %dma_start3A = arith.constant 0 : i32
    %dma_start3A_27 = arith.constant 0 : i32
    %dma_start3A_28 = arith.constant 0 : i32
    %dma_start3A_29 = arith.constant 0 : i32
    %dma_start3A_30 = tpu.memref_slice %arg8[%dma_start3A_27, %dma_start3A_28, %dma_start3A_29] : memref<5x128x64xf32, #tpu.memory_space<vmem>> -> memref<1x128x64xf32, #tpu.memory_space<vmem>>
    %dma_start3A_31 = tpu.memref_squeeze %dma_start3A_30 : memref<1x128x64xf32, #tpu.memory_space<vmem>> -> memref<128x64xf32, #tpu.memory_space<vmem>>
    %dma_start3A_32 = arith.constant 0 : i32
    %dma_start3A_33 = tpu.memref_slice %arg6[%dma_start3A, %dma_start3A_32] : memref<160x128xi32, #tpu.memory_space<vmem>> -> memref<1x128xi32, #tpu.memory_space<vmem>>
    %dma_start3A_34 = tpu.memref_squeeze %dma_start3A_33 : memref<1x128xi32, #tpu.memory_space<vmem>> -> memref<128xi32, #tpu.memory_space<vmem>>
    %dma_start3A_35 = arith.constant 0 : i32
    %dma_start3A_36 = arith.constant 0 : i32
    %dma_start3A_37 = tpu.memref_slice %arg2[%dma_start3A_35, %dma_start3A_36] : memref<200000x64xf32, #tpu.memory_space<hbm>> -> memref<200000x64xf32, #tpu.memory_space<hbm>>
    tpu.enqueue_indirect_dma source(%dma_start3A_37 : memref<200000x64xf32, #tpu.memory_space<hbm>>) target(%dma_start3A_31 : memref<128x64xf32, #tpu.memory_space<vmem>>) offsets(%dma_start3A_34 : memref<128xi32, #tpu.memory_space<vmem>>) semaphore(%arg10 : memref<!tpu.dma_semaphore, #tpu.memory_space<semaphore_mem>>)
    %dma_start3A_38 = arith.constant 1 : i32
    %dma_start3A_39 = arith.constant 1 : i32
    %dma_start3A_40 = arith.constant 0 : i32
    %dma_start3A_41 = arith.constant 0 : i32
    %dma_start3A_42 = tpu.memref_slice %arg8[%dma_start3A_39, %dma_start3A_40, %dma_start3A_41] : memref<5x128x64xf32, #tpu.memory_space<vmem>> -> memref<1x128x64xf32, #tpu.memory_space<vmem>>
    %dma_start3A_43 = tpu.memref_squeeze %dma_start3A_42 : memref<1x128x64xf32, #tpu.memory_space<vmem>> -> memref<128x64xf32, #tpu.memory_space<vmem>>
    %dma_start3A_44 = arith.constant 0 : i32
    %dma_start3A_45 = tpu.memref_slice %arg6[%dma_start3A_38, %dma_start3A_44] : memref<160x128xi32, #tpu.memory_space<vmem>> -> memref<1x128xi32, #tpu.memory_space<vmem>>
    %dma_start3A_46 = tpu.memref_squeeze %dma_start3A_45 : memref<1x128xi32, #tpu.memory_space<vmem>> -> memref<128xi32, #tpu.memory_space<vmem>>
    %dma_start3A_47 = arith.constant 0 : i32
    %dma_start3A_48 = arith.constant 0 : i32
    %dma_start3A_49 = tpu.memref_slice %arg2[%dma_start3A_47, %dma_start3A_48] : memref<200000x64xf32, #tpu.memory_space<hbm>> -> memref<200000x64xf32, #tpu.memory_space<hbm>>
    tpu.enqueue_indirect_dma source(%dma_start3A_49 : memref<200000x64xf32, #tpu.memory_space<hbm>>) target(%dma_start3A_43 : memref<128x64xf32, #tpu.memory_space<vmem>>) offsets(%dma_start3A_46 : memref<128xi32, #tpu.memory_space<vmem>>) semaphore(%arg11 : memref<!tpu.dma_semaphore, #tpu.memory_space<semaphore_mem>>)
    %dma_start3A_50 = arith.constant 2 : i32
    %dma_start3A_51 = arith.constant 2 : i32
    %dma_start3A_52 = arith.constant 0 : i32
    %dma_start3A_53 = arith.constant 0 : i32
    %dma_start3A_54 = tpu.memref_slice %arg8[%dma_start3A_51, %dma_start3A_52, %dma_start3A_53] : memref<5x128x64xf32, #tpu.memory_space<vmem>> -> memref<1x128x64xf32, #tpu.memory_space<vmem>>
    %dma_start3A_55 = tpu.memref_squeeze %dma_start3A_54 : memref<1x128x64xf32, #tpu.memory_space<vmem>> -> memref<128x64xf32, #tpu.memory_space<vmem>>
    %dma_start3A_56 = arith.constant 0 : i32
    %dma_start3A_57 = tpu.memref_slice %arg6[%dma_start3A_50, %dma_start3A_56] : memref<160x128xi32, #tpu.memory_space<vmem>> -> memref<1x128xi32, #tpu.memory_space<vmem>>
    %dma_start3A_58 = tpu.memref_squeeze %dma_start3A_57 : memref<1x128xi32, #tpu.memory_space<vmem>> -> memref<128xi32, #tpu.memory_space<vmem>>
    %dma_start3A_59 = arith.constant 0 : i32
    %dma_start3A_60 = arith.constant 0 : i32
    %dma_start3A_61 = tpu.memref_slice %arg2[%dma_start3A_59, %dma_start3A_60] : memref<200000x64xf32, #tpu.memory_space<hbm>> -> memref<200000x64xf32, #tpu.memory_space<hbm>>
    tpu.enqueue_indirect_dma source(%dma_start3A_61 : memref<200000x64xf32, #tpu.memory_space<hbm>>) target(%dma_start3A_55 : memref<128x64xf32, #tpu.memory_space<vmem>>) offsets(%dma_start3A_58 : memref<128xi32, #tpu.memory_space<vmem>>) semaphore(%arg12 : memref<!tpu.dma_semaphore, #tpu.memory_space<semaphore_mem>>)
    %dma_start3A_62 = arith.constant 3 : i32
    %dma_start3A_63 = arith.constant 3 : i32
    %dma_start3A_64 = arith.constant 0 : i32
    %dma_start3A_65 = arith.constant 0 : i32
    %dma_start3A_66 = tpu.memref_slice %arg8[%dma_start3A_63, %dma_start3A_64, %dma_start3A_65] : memref<5x128x64xf32, #tpu.memory_space<vmem>> -> memref<1x128x64xf32, #tpu.memory_space<vmem>>
    %dma_start3A_67 = tpu.memref_squeeze %dma_start3A_66 : memref<1x128x64xf32, #tpu.memory_space<vmem>> -> memref<128x64xf32, #tpu.memory_space<vmem>>
    %dma_start3A_68 = arith.constant 0 : i32
    %dma_start3A_69 = tpu.memref_slice %arg6[%dma_start3A_62, %dma_start3A_68] : memref<160x128xi32, #tpu.memory_space<vmem>> -> memref<1x128xi32, #tpu.memory_space<vmem>>
    %dma_start3A_70 = tpu.memref_squeeze %dma_start3A_69 : memref<1x128xi32, #tpu.memory_space<vmem>> -> memref<128xi32, #tpu.memory_space<vmem>>
    %dma_start3A_71 = arith.constant 0 : i32
    %dma_start3A_72 = arith.constant 0 : i32
    %dma_start3A_73 = tpu.memref_slice %arg2[%dma_start3A_71, %dma_start3A_72] : memref<200000x64xf32, #tpu.memory_space<hbm>> -> memref<200000x64xf32, #tpu.memory_space<hbm>>
    tpu.enqueue_indirect_dma source(%dma_start3A_73 : memref<200000x64xf32, #tpu.memory_space<hbm>>) target(%dma_start3A_67 : memref<128x64xf32, #tpu.memory_space<vmem>>) offsets(%dma_start3A_70 : memref<128xi32, #tpu.memory_space<vmem>>) semaphore(%arg13 : memref<!tpu.dma_semaphore, #tpu.memory_space<semaphore_mem>>)
    %dma_wait3A = arith.constant 0 : i32
    %dma_wait3A_74 = arith.constant 0 : i32
    %dma_wait3A_75 = arith.constant 0 : i32
    %dma_wait3A_76 = arith.constant 0 : i32
    %dma_wait3A_77 = tpu.memref_slice %arg8[%dma_wait3A_74, %dma_wait3A_75, %dma_wait3A_76] : memref<5x128x64xf32, #tpu.memory_space<vmem>> -> memref<1x128x64xf32, #tpu.memory_space<vmem>>
    %dma_wait3A_78 = tpu.memref_squeeze %dma_wait3A_77 : memref<1x128x64xf32, #tpu.memory_space<vmem>> -> memref<128x64xf32, #tpu.memory_space<vmem>>
    %dma_wait3A_79 = arith.constant 0 : i32
    %dma_wait3A_80 = tpu.memref_slice %arg6[%dma_wait3A, %dma_wait3A_79] : memref<160x128xi32, #tpu.memory_space<vmem>> -> memref<1x128xi32, #tpu.memory_space<vmem>>
    %dma_wait3A_81 = tpu.memref_squeeze %dma_wait3A_80 : memref<1x128xi32, #tpu.memory_space<vmem>> -> memref<128xi32, #tpu.memory_space<vmem>>
    %dma_wait3A_82 = arith.constant 0 : i32
    %dma_wait3A_83 = arith.constant 0 : i32
    %dma_wait3A_84 = tpu.memref_slice %arg2[%dma_wait3A_82, %dma_wait3A_83] : memref<200000x64xf32, #tpu.memory_space<hbm>> -> memref<200000x64xf32, #tpu.memory_space<hbm>>
    tpu.wait_indirect_dma semaphore(%arg10 : memref<!tpu.dma_semaphore, #tpu.memory_space<semaphore_mem>>) src(%dma_wait3A_84 : memref<200000x64xf32, #tpu.memory_space<hbm>>) dst(%dma_wait3A_78 : memref<128x64xf32, #tpu.memory_space<vmem>>)
    %dma_start3A_85 = arith.constant 0 : i32
    %dma_start3A_86 = arith.constant 0 : i32
    %dma_start3A_87 = arith.constant 0 : i32
    %dma_start3A_88 = arith.constant 0 : i32
    %dma_start3A_89 = tpu.memref_slice %arg8[%dma_start3A_85, %dma_start3A_87, %dma_start3A_88] : memref<5x128x64xf32, #tpu.memory_space<vmem>> -> memref<1x128x64xf32, #tpu.memory_space<vmem>>
    %dma_start3A_90 = tpu.memref_squeeze %dma_start3A_89 : memref<1x128x64xf32, #tpu.memory_space<vmem>> -> memref<128x64xf32, #tpu.memory_space<vmem>>
    %dma_start3A_91 = arith.constant 0 : i32
    %dma_start3A_92 = tpu.memref_slice %arg7[%dma_start3A_86, %dma_start3A_91] : memref<160x128xi32, #tpu.memory_space<vmem>> -> memref<1x128xi32, #tpu.memory_space<vmem>>
    %dma_start3A_93 = tpu.memref_squeeze %dma_start3A_92 : memref<1x128xi32, #tpu.memory_space<vmem>> -> memref<128xi32, #tpu.memory_space<vmem>>
    %dma_start3A_94 = arith.constant 0 : i32
    %dma_start3A_95 = arith.constant 0 : i32
    %dma_start3A_96 = tpu.memref_slice %arg9[%dma_start3A_94, %dma_start3A_95] : memref<10240x64xf32, #tpu.memory_space<vmem_shared>> -> memref<10240x64xf32, #tpu.memory_space<vmem_shared>>
    tpu.enqueue_indirect_dma source(%dma_start3A_90 : memref<128x64xf32, #tpu.memory_space<vmem>>) target(%dma_start3A_96 : memref<10240x64xf32, #tpu.memory_space<vmem_shared>>) offsets(%dma_start3A_93 : memref<128xi32, #tpu.memory_space<vmem>>) semaphore(%arg15 : memref<!tpu.dma_semaphore, #tpu.memory_space<semaphore_mem>>) {add = true}
    %dma_start3A_97 = arith.constant 4 : i32
    %dma_start3A_98 = arith.constant 4 : i32
    %dma_start3A_99 = arith.constant 0 : i32
    %dma_start3A_100 = arith.constant 0 : i32
    %dma_start3A_101 = tpu.memref_slice %arg8[%dma_start3A_98, %dma_start3A_99, %dma_start3A_100] : memref<5x128x64xf32, #tpu.memory_space<vmem>> -> memref<1x128x64xf32, #tpu.memory_space<vmem>>
    %dma_start3A_102 = tpu.memref_squeeze %dma_start3A_101 : memref<1x128x64xf32, #tpu.memory_space<vmem>> -> memref<128x64xf32, #tpu.memory_space<vmem>>
    %dma_start3A_103 = arith.constant 0 : i32
    %dma_start3A_104 = tpu.memref_slice %arg6[%dma_start3A_97, %dma_start3A_103] : memref<160x128xi32, #tpu.memory_space<vmem>> -> memref<1x128xi32, #tpu.memory_space<vmem>>
    %dma_start3A_105 = tpu.memref_squeeze %dma_start3A_104 : memref<1x128xi32, #tpu.memory_space<vmem>> -> memref<128xi32, #tpu.memory_space<vmem>>
    %dma_start3A_106 = arith.constant 0 : i32
    %dma_start3A_107 = arith.constant 0 : i32
    %dma_start3A_108 = tpu.memref_slice %arg2[%dma_start3A_106, %dma_start3A_107] : memref<200000x64xf32, #tpu.memory_space<hbm>> -> memref<200000x64xf32, #tpu.memory_space<hbm>>
    tpu.enqueue_indirect_dma source(%dma_start3A_108 : memref<200000x64xf32, #tpu.memory_space<hbm>>) target(%dma_start3A_102 : memref<128x64xf32, #tpu.memory_space<vmem>>) offsets(%dma_start3A_105 : memref<128xi32, #tpu.memory_space<vmem>>) semaphore(%arg14 : memref<!tpu.dma_semaphore, #tpu.memory_space<semaphore_mem>>)
    %dma_wait3A_109 = arith.constant 1 : i32
    %dma_wait3A_110 = arith.constant 1 : i32
    %dma_wait3A_111 = arith.constant 0 : i32
    %dma_wait3A_112 = arith.constant 0 : i32
    %dma_wait3A_113 = tpu.memref_slice %arg8[%dma_wait3A_110, %dma_wait3A_111, %dma_wait3A_112] : memref<5x128x64xf32, #tpu.memory_space<vmem>> -> memref<1x128x64xf32, #tpu.memory_space<vmem>>
    %dma_wait3A_114 = tpu.memref_squeeze %dma_wait3A_113 : memref<1x128x64xf32, #tpu.memory_space<vmem>> -> memref<128x64xf32, #tpu.memory_space<vmem>>
    %dma_wait3A_115 = arith.constant 0 : i32
    %dma_wait3A_116 = tpu.memref_slice %arg6[%dma_wait3A_109, %dma_wait3A_115] : memref<160x128xi32, #tpu.memory_space<vmem>> -> memref<1x128xi32, #tpu.memory_space<vmem>>
    %dma_wait3A_117 = tpu.memref_squeeze %dma_wait3A_116 : memref<1x128xi32, #tpu.memory_space<vmem>> -> memref<128xi32, #tpu.memory_space<vmem>>
    %dma_wait3A_118 = arith.constant 0 : i32
    %dma_wait3A_119 = arith.constant 0 : i32
    %dma_wait3A_120 = tpu.memref_slice %arg2[%dma_wait3A_118, %dma_wait3A_119] : memref<200000x64xf32, #tpu.memory_space<hbm>> -> memref<200000x64xf32, #tpu.memory_space<hbm>>
    tpu.wait_indirect_dma semaphore(%arg11 : memref<!tpu.dma_semaphore, #tpu.memory_space<semaphore_mem>>) src(%dma_wait3A_120 : memref<200000x64xf32, #tpu.memory_space<hbm>>) dst(%dma_wait3A_114 : memref<128x64xf32, #tpu.memory_space<vmem>>)
    %dma_start3A_121 = arith.constant 1 : i32
    %dma_start3A_122 = arith.constant 1 : i32
    %dma_start3A_123 = arith.constant 0 : i32
    %dma_start3A_124 = arith.constant 0 : i32
    %dma_start3A_125 = tpu.memref_slice %arg8[%dma_start3A_121, %dma_start3A_123, %dma_start3A_124] : memref<5x128x64xf32, #tpu.memory_space<vmem>> -> memref<1x128x64xf32, #tpu.memory_space<vmem>>
    %dma_start3A_126 = tpu.memref_squeeze %dma_start3A_125 : memref<1x128x64xf32, #tpu.memory_space<vmem>> -> memref<128x64xf32, #tpu.memory_space<vmem>>
    %dma_start3A_127 = arith.constant 0 : i32
    %dma_start3A_128 = tpu.memref_slice %arg7[%dma_start3A_122, %dma_start3A_127] : memref<160x128xi32, #tpu.memory_space<vmem>> -> memref<1x128xi32, #tpu.memory_space<vmem>>
    %dma_start3A_129 = tpu.memref_squeeze %dma_start3A_128 : memref<1x128xi32, #tpu.memory_space<vmem>> -> memref<128xi32, #tpu.memory_space<vmem>>
    %dma_start3A_130 = arith.constant 0 : i32
    %dma_start3A_131 = arith.constant 0 : i32
    %dma_start3A_132 = tpu.memref_slice %arg9[%dma_start3A_130, %dma_start3A_131] : memref<10240x64xf32, #tpu.memory_space<vmem_shared>> -> memref<10240x64xf32, #tpu.memory_space<vmem_shared>>
    tpu.enqueue_indirect_dma source(%dma_start3A_126 : memref<128x64xf32, #tpu.memory_space<vmem>>) target(%dma_start3A_132 : memref<10240x64xf32, #tpu.memory_space<vmem_shared>>) offsets(%dma_start3A_129 : memref<128xi32, #tpu.memory_space<vmem>>) semaphore(%arg16 : memref<!tpu.dma_semaphore, #tpu.memory_space<semaphore_mem>>) {add = true}
    %scan3A_133 = arith.constant 0 : i32
    %scan3A_134 = arith.constant 0 : i32
    %scan3A_135 = arith.constant 31 : i32
    %scan3A_136 = arith.addi %scan3A_134, %scan3A_135 : i32
    %scan3A_137 = arith.constant 1 : i32
    scf.for %scan3A_276 = %scan3A_134 to %scan3A_136 step %scan3A_137  : i32 {
      %mul3A_277 = arith.constant 5 : i32
      %mul3A_278 = arith.muli %scan3A_276, %mul3A_277 : i32
      %add3A_279 = arith.constant 2 : i32
      %add3A_280 = arith.addi %add3A_279, %mul3A_278 : i32
      %add3A_281 = arith.constant 0 : i32
      %add3A_282 = arith.addi %add3A_280, %add3A_281 : i32
      %add3A_283 = arith.constant 3 : i32
      %add3A_284 = arith.addi %add3A_282, %add3A_283 : i32
      %sub3A = arith.constant 5 : i32
      %sub3A_285 = arith.subi %add3A_284, %sub3A : i32
      %dma_wait3A_286 = arith.constant 0 : i32
      %dma_wait3A_287 = arith.constant 0 : i32
      %dma_wait3A_288 = arith.constant 0 : i32
      %dma_wait3A_289 = tpu.memref_slice %arg8[%dma_wait3A_286, %dma_wait3A_287, %dma_wait3A_288] : memref<5x128x64xf32, #tpu.memory_space<vmem>> -> memref<1x128x64xf32, #tpu.memory_space<vmem>>
      %dma_wait3A_290 = tpu.memref_squeeze %dma_wait3A_289 : memref<1x128x64xf32, #tpu.memory_space<vmem>> -> memref<128x64xf32, #tpu.memory_space<vmem>>
      %dma_wait3A_291 = arith.constant 0 : i32
      %dma_wait3A_292 = tpu.memref_slice %arg7[%sub3A_285, %dma_wait3A_291] : memref<160x128xi32, #tpu.memory_space<vmem>> -> memref<1x128xi32, #tpu.memory_space<vmem>>
      %dma_wait3A_293 = tpu.memref_squeeze %dma_wait3A_292 : memref<1x128xi32, #tpu.memory_space<vmem>> -> memref<128xi32, #tpu.memory_space<vmem>>
      %dma_wait3A_294 = arith.constant 0 : i32
      %dma_wait3A_295 = arith.constant 0 : i32
      %dma_wait3A_296 = tpu.memref_slice %arg9[%dma_wait3A_294, %dma_wait3A_295] : memref<10240x64xf32, #tpu.memory_space<vmem_shared>> -> memref<10240x64xf32, #tpu.memory_space<vmem_shared>>
      tpu.wait_indirect_dma semaphore(%arg15 : memref<!tpu.dma_semaphore, #tpu.memory_space<semaphore_mem>>) src(%dma_wait3A_290 : memref<128x64xf32, #tpu.memory_space<vmem>>) dst(%dma_wait3A_296 : memref<10240x64xf32, #tpu.memory_space<vmem_shared>>)
      %add3A_297 = arith.constant 3 : i32
      %add3A_298 = arith.addi %add3A_282, %add3A_297 : i32
      %dma_start3A_299 = arith.constant 0 : i32
      %dma_start3A_300 = arith.constant 0 : i32
      %dma_start3A_301 = arith.constant 0 : i32
      %dma_start3A_302 = tpu.memref_slice %arg8[%dma_start3A_299, %dma_start3A_300, %dma_start3A_301] : memref<5x128x64xf32, #tpu.memory_space<vmem>> -> memref<1x128x64xf32, #tpu.memory_space<vmem>>
      %dma_start3A_303 = tpu.memref_squeeze %dma_start3A_302 : memref<1x128x64xf32, #tpu.memory_space<vmem>> -> memref<128x64xf32, #tpu.memory_space<vmem>>
      %dma_start3A_304 = arith.constant 0 : i32
      %dma_start3A_305 = tpu.memref_slice %arg6[%add3A_298, %dma_start3A_304] : memref<160x128xi32, #tpu.memory_space<vmem>> -> memref<1x128xi32, #tpu.memory_space<vmem>>
      %dma_start3A_306 = tpu.memref_squeeze %dma_start3A_305 : memref<1x128xi32, #tpu.memory_space<vmem>> -> memref<128xi32, #tpu.memory_space<vmem>>
      %dma_start3A_307 = arith.constant 0 : i32
      %dma_start3A_308 = arith.constant 0 : i32
      %dma_start3A_309 = tpu.memref_slice %arg2[%dma_start3A_307, %dma_start3A_308] : memref<200000x64xf32, #tpu.memory_space<hbm>> -> memref<200000x64xf32, #tpu.memory_space<hbm>>
      tpu.enqueue_indirect_dma source(%dma_start3A_309 : memref<200000x64xf32, #tpu.memory_space<hbm>>) target(%dma_start3A_303 : memref<128x64xf32, #tpu.memory_space<vmem>>) offsets(%dma_start3A_306 : memref<128xi32, #tpu.memory_space<vmem>>) semaphore(%arg10 : memref<!tpu.dma_semaphore, #tpu.memory_space<semaphore_mem>>)
      %dma_wait3A_310 = arith.constant 2 : i32
      %dma_wait3A_311 = arith.constant 0 : i32
      %dma_wait3A_312 = arith.constant 0 : i32
      %dma_wait3A_313 = tpu.memref_slice %arg8[%dma_wait3A_310, %dma_wait3A_311, %dma_wait3A_312] : memref<5x128x64xf32, #tpu.memory_space<vmem>> -> memref<1x128x64xf32, #tpu.memory_space<vmem>>
      %dma_wait3A_314 = tpu.memref_squeeze %dma_wait3A_313 : memref<1x128x64xf32, #tpu.memory_space<vmem>> -> memref<128x64xf32, #tpu.memory_space<vmem>>
      %dma_wait3A_315 = arith.constant 0 : i32
      %dma_wait3A_316 = tpu.memref_slice %arg6[%add3A_282, %dma_wait3A_315] : memref<160x128xi32, #tpu.memory_space<vmem>> -> memref<1x128xi32, #tpu.memory_space<vmem>>
      %dma_wait3A_317 = tpu.memref_squeeze %dma_wait3A_316 : memref<1x128xi32, #tpu.memory_space<vmem>> -> memref<128xi32, #tpu.memory_space<vmem>>
      %dma_wait3A_318 = arith.constant 0 : i32
      %dma_wait3A_319 = arith.constant 0 : i32
      %dma_wait3A_320 = tpu.memref_slice %arg2[%dma_wait3A_318, %dma_wait3A_319] : memref<200000x64xf32, #tpu.memory_space<hbm>> -> memref<200000x64xf32, #tpu.memory_space<hbm>>
      tpu.wait_indirect_dma semaphore(%arg12 : memref<!tpu.dma_semaphore, #tpu.memory_space<semaphore_mem>>) src(%dma_wait3A_320 : memref<200000x64xf32, #tpu.memory_space<hbm>>) dst(%dma_wait3A_314 : memref<128x64xf32, #tpu.memory_space<vmem>>)
      %dma_start3A_321 = arith.constant 2 : i32
      %dma_start3A_322 = arith.constant 0 : i32
      %dma_start3A_323 = arith.constant 0 : i32
      %dma_start3A_324 = tpu.memref_slice %arg8[%dma_start3A_321, %dma_start3A_322, %dma_start3A_323] : memref<5x128x64xf32, #tpu.memory_space<vmem>> -> memref<1x128x64xf32, #tpu.memory_space<vmem>>
      %dma_start3A_325 = tpu.memref_squeeze %dma_start3A_324 : memref<1x128x64xf32, #tpu.memory_space<vmem>> -> memref<128x64xf32, #tpu.memory_space<vmem>>
      %dma_start3A_326 = arith.constant 0 : i32
      %dma_start3A_327 = tpu.memref_slice %arg7[%add3A_282, %dma_start3A_326] : memref<160x128xi32, #tpu.memory_space<vmem>> -> memref<1x128xi32, #tpu.memory_space<vmem>>
      %dma_start3A_328 = tpu.memref_squeeze %dma_start3A_327 : memref<1x128xi32, #tpu.memory_space<vmem>> -> memref<128xi32, #tpu.memory_space<vmem>>
      %dma_start3A_329 = arith.constant 0 : i32
      %dma_start3A_330 = arith.constant 0 : i32
      %dma_start3A_331 = tpu.memref_slice %arg9[%dma_start3A_329, %dma_start3A_330] : memref<10240x64xf32, #tpu.memory_space<vmem_shared>> -> memref<10240x64xf32, #tpu.memory_space<vmem_shared>>
      tpu.enqueue_indirect_dma source(%dma_start3A_325 : memref<128x64xf32, #tpu.memory_space<vmem>>) target(%dma_start3A_331 : memref<10240x64xf32, #tpu.memory_space<vmem_shared>>) offsets(%dma_start3A_328 : memref<128xi32, #tpu.memory_space<vmem>>) semaphore(%arg17 : memref<!tpu.dma_semaphore, #tpu.memory_space<semaphore_mem>>) {add = true}
      %add3A_332 = arith.constant 1 : i32
      %add3A_333 = arith.addi %add3A_280, %add3A_332 : i32
      %add3A_334 = arith.constant 3 : i32
      %add3A_335 = arith.addi %add3A_333, %add3A_334 : i32
      %sub3A_336 = arith.constant 5 : i32
      %sub3A_337 = arith.subi %add3A_335, %sub3A_336 : i32
      %dma_wait3A_338 = arith.constant 1 : i32
      %dma_wait3A_339 = arith.constant 0 : i32
      %dma_wait3A_340 = arith.constant 0 : i32
      %dma_wait3A_341 = tpu.memref_slice %arg8[%dma_wait3A_338, %dma_wait3A_339, %dma_wait3A_340] : memref<5x128x64xf32, #tpu.memory_space<vmem>> -> memref<1x128x64xf32, #tpu.memory_space<vmem>>
      %dma_wait3A_342 = tpu.memref_squeeze %dma_wait3A_341 : memref<1x128x64xf32, #tpu.memory_space<vmem>> -> memref<128x64xf32, #tpu.memory_space<vmem>>
      %dma_wait3A_343 = arith.constant 0 : i32
      %dma_wait3A_344 = tpu.memref_slice %arg7[%sub3A_337, %dma_wait3A_343] : memref<160x128xi32, #tpu.memory_space<vmem>> -> memref<1x128xi32, #tpu.memory_space<vmem>>
      %dma_wait3A_345 = tpu.memref_squeeze %dma_wait3A_344 : memref<1x128xi32, #tpu.memory_space<vmem>> -> memref<128xi32, #tpu.memory_space<vmem>>
      %dma_wait3A_346 = arith.constant 0 : i32
      %dma_wait3A_347 = arith.constant 0 : i32
      %dma_wait3A_348 = tpu.memref_slice %arg9[%dma_wait3A_346, %dma_wait3A_347] : memref<10240x64xf32, #tpu.memory_space<vmem_shared>> -> memref<10240x64xf32, #tpu.memory_space<vmem_shared>>
      tpu.wait_indirect_dma semaphore(%arg16 : memref<!tpu.dma_semaphore, #tpu.memory_space<semaphore_mem>>) src(%dma_wait3A_342 : memref<128x64xf32, #tpu.memory_space<vmem>>) dst(%dma_wait3A_348 : memref<10240x64xf32, #tpu.memory_space<vmem_shared>>)
      %add3A_349 = arith.constant 3 : i32
      %add3A_350 = arith.addi %add3A_333, %add3A_349 : i32
      %dma_start3A_351 = arith.constant 1 : i32
      %dma_start3A_352 = arith.constant 0 : i32
      %dma_start3A_353 = arith.constant 0 : i32
      %dma_start3A_354 = tpu.memref_slice %arg8[%dma_start3A_351, %dma_start3A_352, %dma_start3A_353] : memref<5x128x64xf32, #tpu.memory_space<vmem>> -> memref<1x128x64xf32, #tpu.memory_space<vmem>>
      %dma_start3A_355 = tpu.memref_squeeze %dma_start3A_354 : memref<1x128x64xf32, #tpu.memory_space<vmem>> -> memref<128x64xf32, #tpu.memory_space<vmem>>
      %dma_start3A_356 = arith.constant 0 : i32
      %dma_start3A_357 = tpu.memref_slice %arg6[%add3A_350, %dma_start3A_356] : memref<160x128xi32, #tpu.memory_space<vmem>> -> memref<1x128xi32, #tpu.memory_space<vmem>>
      %dma_start3A_358 = tpu.memref_squeeze %dma_start3A_357 : memref<1x128xi32, #tpu.memory_space<vmem>> -> memref<128xi32, #tpu.memory_space<vmem>>
      %dma_start3A_359 = arith.constant 0 : i32
      %dma_start3A_360 = arith.constant 0 : i32
      %dma_start3A_361 = tpu.memref_slice %arg2[%dma_start3A_359, %dma_start3A_360] : memref<200000x64xf32, #tpu.memory_space<hbm>> -> memref<200000x64xf32, #tpu.memory_space<hbm>>
      tpu.enqueue_indirect_dma source(%dma_start3A_361 : memref<200000x64xf32, #tpu.memory_space<hbm>>) target(%dma_start3A_355 : memref<128x64xf32, #tpu.memory_space<vmem>>) offsets(%dma_start3A_358 : memref<128xi32, #tpu.memory_space<vmem>>) semaphore(%arg11 : memref<!tpu.dma_semaphore, #tpu.memory_space<semaphore_mem>>)
      %dma_wait3A_362 = arith.constant 3 : i32
      %dma_wait3A_363 = arith.constant 0 : i32
      %dma_wait3A_364 = arith.constant 0 : i32
      %dma_wait3A_365 = tpu.memref_slice %arg8[%dma_wait3A_362, %dma_wait3A_363, %dma_wait3A_364] : memref<5x128x64xf32, #tpu.memory_space<vmem>> -> memref<1x128x64xf32, #tpu.memory_space<vmem>>
      %dma_wait3A_366 = tpu.memref_squeeze %dma_wait3A_365 : memref<1x128x64xf32, #tpu.memory_space<vmem>> -> memref<128x64xf32, #tpu.memory_space<vmem>>
      %dma_wait3A_367 = arith.constant 0 : i32
      %dma_wait3A_368 = tpu.memref_slice %arg6[%add3A_333, %dma_wait3A_367] : memref<160x128xi32, #tpu.memory_space<vmem>> -> memref<1x128xi32, #tpu.memory_space<vmem>>
      %dma_wait3A_369 = tpu.memref_squeeze %dma_wait3A_368 : memref<1x128xi32, #tpu.memory_space<vmem>> -> memref<128xi32, #tpu.memory_space<vmem>>
      %dma_wait3A_370 = arith.constant 0 : i32
      %dma_wait3A_371 = arith.constant 0 : i32
      %dma_wait3A_372 = tpu.memref_slice %arg2[%dma_wait3A_370, %dma_wait3A_371] : memref<200000x64xf32, #tpu.memory_space<hbm>> -> memref<200000x64xf32, #tpu.memory_space<hbm>>
      tpu.wait_indirect_dma semaphore(%arg13 : memref<!tpu.dma_semaphore, #tpu.memory_space<semaphore_mem>>) src(%dma_wait3A_372 : memref<200000x64xf32, #tpu.memory_space<hbm>>) dst(%dma_wait3A_366 : memref<128x64xf32, #tpu.memory_space<vmem>>)
      %dma_start3A_373 = arith.constant 3 : i32
      %dma_start3A_374 = arith.constant 0 : i32
      %dma_start3A_375 = arith.constant 0 : i32
      %dma_start3A_376 = tpu.memref_slice %arg8[%dma_start3A_373, %dma_start3A_374, %dma_start3A_375] : memref<5x128x64xf32, #tpu.memory_space<vmem>> -> memref<1x128x64xf32, #tpu.memory_space<vmem>>
      %dma_start3A_377 = tpu.memref_squeeze %dma_start3A_376 : memref<1x128x64xf32, #tpu.memory_space<vmem>> -> memref<128x64xf32, #tpu.memory_space<vmem>>
      %dma_start3A_378 = arith.constant 0 : i32
      %dma_start3A_379 = tpu.memref_slice %arg7[%add3A_333, %dma_start3A_378] : memref<160x128xi32, #tpu.memory_space<vmem>> -> memref<1x128xi32, #tpu.memory_space<vmem>>
      %dma_start3A_380 = tpu.memref_squeeze %dma_start3A_379 : memref<1x128xi32, #tpu.memory_space<vmem>> -> memref<128xi32, #tpu.memory_space<vmem>>
      %dma_start3A_381 = arith.constant 0 : i32
      %dma_start3A_382 = arith.constant 0 : i32
      %dma_start3A_383 = tpu.memref_slice %arg9[%dma_start3A_381, %dma_start3A_382] : memref<10240x64xf32, #tpu.memory_space<vmem_shared>> -> memref<10240x64xf32, #tpu.memory_space<vmem_shared>>
      tpu.enqueue_indirect_dma source(%dma_start3A_377 : memref<128x64xf32, #tpu.memory_space<vmem>>) target(%dma_start3A_383 : memref<10240x64xf32, #tpu.memory_space<vmem_shared>>) offsets(%dma_start3A_380 : memref<128xi32, #tpu.memory_space<vmem>>) semaphore(%arg18 : memref<!tpu.dma_semaphore, #tpu.memory_space<semaphore_mem>>) {add = true}
      %add3A_384 = arith.constant 2 : i32
      %add3A_385 = arith.addi %add3A_280, %add3A_384 : i32
      %add3A_386 = arith.constant 3 : i32
      %add3A_387 = arith.addi %add3A_385, %add3A_386 : i32
      %sub3A_388 = arith.constant 5 : i32
      %sub3A_389 = arith.subi %add3A_387, %sub3A_388 : i32
      %dma_wait3A_390 = arith.constant 2 : i32
      %dma_wait3A_391 = arith.constant 0 : i32
      %dma_wait3A_392 = arith.constant 0 : i32
      %dma_wait3A_393 = tpu.memref_slice %arg8[%dma_wait3A_390, %dma_wait3A_391, %dma_wait3A_392] : memref<5x128x64xf32, #tpu.memory_space<vmem>> -> memref<1x128x64xf32, #tpu.memory_space<vmem>>
      %dma_wait3A_394 = tpu.memref_squeeze %dma_wait3A_393 : memref<1x128x64xf32, #tpu.memory_space<vmem>> -> memref<128x64xf32, #tpu.memory_space<vmem>>
      %dma_wait3A_395 = arith.constant 0 : i32
      %dma_wait3A_396 = tpu.memref_slice %arg7[%sub3A_389, %dma_wait3A_395] : memref<160x128xi32, #tpu.memory_space<vmem>> -> memref<1x128xi32, #tpu.memory_space<vmem>>
      %dma_wait3A_397 = tpu.memref_squeeze %dma_wait3A_396 : memref<1x128xi32, #tpu.memory_space<vmem>> -> memref<128xi32, #tpu.memory_space<vmem>>
      %dma_wait3A_398 = arith.constant 0 : i32
      %dma_wait3A_399 = arith.constant 0 : i32
      %dma_wait3A_400 = tpu.memref_slice %arg9[%dma_wait3A_398, %dma_wait3A_399] : memref<10240x64xf32, #tpu.memory_space<vmem_shared>> -> memref<10240x64xf32, #tpu.memory_space<vmem_shared>>
      tpu.wait_indirect_dma semaphore(%arg17 : memref<!tpu.dma_semaphore, #tpu.memory_space<semaphore_mem>>) src(%dma_wait3A_394 : memref<128x64xf32, #tpu.memory_space<vmem>>) dst(%dma_wait3A_400 : memref<10240x64xf32, #tpu.memory_space<vmem_shared>>)
      %add3A_401 = arith.constant 3 : i32
      %add3A_402 = arith.addi %add3A_385, %add3A_401 : i32
      %dma_start3A_403 = arith.constant 2 : i32
      %dma_start3A_404 = arith.constant 0 : i32
      %dma_start3A_405 = arith.constant 0 : i32
      %dma_start3A_406 = tpu.memref_slice %arg8[%dma_start3A_403, %dma_start3A_404, %dma_start3A_405] : memref<5x128x64xf32, #tpu.memory_space<vmem>> -> memref<1x128x64xf32, #tpu.memory_space<vmem>>
      %dma_start3A_407 = tpu.memref_squeeze %dma_start3A_406 : memref<1x128x64xf32, #tpu.memory_space<vmem>> -> memref<128x64xf32, #tpu.memory_space<vmem>>
      %dma_start3A_408 = arith.constant 0 : i32
      %dma_start3A_409 = tpu.memref_slice %arg6[%add3A_402, %dma_start3A_408] : memref<160x128xi32, #tpu.memory_space<vmem>> -> memref<1x128xi32, #tpu.memory_space<vmem>>
      %dma_start3A_410 = tpu.memref_squeeze %dma_start3A_409 : memref<1x128xi32, #tpu.memory_space<vmem>> -> memref<128xi32, #tpu.memory_space<vmem>>
      %dma_start3A_411 = arith.constant 0 : i32
      %dma_start3A_412 = arith.constant 0 : i32
      %dma_start3A_413 = tpu.memref_slice %arg2[%dma_start3A_411, %dma_start3A_412] : memref<200000x64xf32, #tpu.memory_space<hbm>> -> memref<200000x64xf32, #tpu.memory_space<hbm>>
      tpu.enqueue_indirect_dma source(%dma_start3A_413 : memref<200000x64xf32, #tpu.memory_space<hbm>>) target(%dma_start3A_407 : memref<128x64xf32, #tpu.memory_space<vmem>>) offsets(%dma_start3A_410 : memref<128xi32, #tpu.memory_space<vmem>>) semaphore(%arg12 : memref<!tpu.dma_semaphore, #tpu.memory_space<semaphore_mem>>)
      %dma_wait3A_414 = arith.constant 4 : i32
      %dma_wait3A_415 = arith.constant 0 : i32
      %dma_wait3A_416 = arith.constant 0 : i32
      %dma_wait3A_417 = tpu.memref_slice %arg8[%dma_wait3A_414, %dma_wait3A_415, %dma_wait3A_416] : memref<5x128x64xf32, #tpu.memory_space<vmem>> -> memref<1x128x64xf32, #tpu.memory_space<vmem>>
      %dma_wait3A_418 = tpu.memref_squeeze %dma_wait3A_417 : memref<1x128x64xf32, #tpu.memory_space<vmem>> -> memref<128x64xf32, #tpu.memory_space<vmem>>
      %dma_wait3A_419 = arith.constant 0 : i32
      %dma_wait3A_420 = tpu.memref_slice %arg6[%add3A_385, %dma_wait3A_419] : memref<160x128xi32, #tpu.memory_space<vmem>> -> memref<1x128xi32, #tpu.memory_space<vmem>>
      %dma_wait3A_421 = tpu.memref_squeeze %dma_wait3A_420 : memref<1x128xi32, #tpu.memory_space<vmem>> -> memref<128xi32, #tpu.memory_space<vmem>>
      %dma_wait3A_422 = arith.constant 0 : i32
      %dma_wait3A_423 = arith.constant 0 : i32
      %dma_wait3A_424 = tpu.memref_slice %arg2[%dma_wait3A_422, %dma_wait3A_423] : memref<200000x64xf32, #tpu.memory_space<hbm>> -> memref<200000x64xf32, #tpu.memory_space<hbm>>
      tpu.wait_indirect_dma semaphore(%arg14 : memref<!tpu.dma_semaphore, #tpu.memory_space<semaphore_mem>>) src(%dma_wait3A_424 : memref<200000x64xf32, #tpu.memory_space<hbm>>) dst(%dma_wait3A_418 : memref<128x64xf32, #tpu.memory_space<vmem>>)
      %dma_start3A_425 = arith.constant 4 : i32
      %dma_start3A_426 = arith.constant 0 : i32
      %dma_start3A_427 = arith.constant 0 : i32
      %dma_start3A_428 = tpu.memref_slice %arg8[%dma_start3A_425, %dma_start3A_426, %dma_start3A_427] : memref<5x128x64xf32, #tpu.memory_space<vmem>> -> memref<1x128x64xf32, #tpu.memory_space<vmem>>
      %dma_start3A_429 = tpu.memref_squeeze %dma_start3A_428 : memref<1x128x64xf32, #tpu.memory_space<vmem>> -> memref<128x64xf32, #tpu.memory_space<vmem>>
      %dma_start3A_430 = arith.constant 0 : i32
      %dma_start3A_431 = tpu.memref_slice %arg7[%add3A_385, %dma_start3A_430] : memref<160x128xi32, #tpu.memory_space<vmem>> -> memref<1x128xi32, #tpu.memory_space<vmem>>
      %dma_start3A_432 = tpu.memref_squeeze %dma_start3A_431 : memref<1x128xi32, #tpu.memory_space<vmem>> -> memref<128xi32, #tpu.memory_space<vmem>>
      %dma_start3A_433 = arith.constant 0 : i32
      %dma_start3A_434 = arith.constant 0 : i32
      %dma_start3A_435 = tpu.memref_slice %arg9[%dma_start3A_433, %dma_start3A_434] : memref<10240x64xf32, #tpu.memory_space<vmem_shared>> -> memref<10240x64xf32, #tpu.memory_space<vmem_shared>>
      tpu.enqueue_indirect_dma source(%dma_start3A_429 : memref<128x64xf32, #tpu.memory_space<vmem>>) target(%dma_start3A_435 : memref<10240x64xf32, #tpu.memory_space<vmem_shared>>) offsets(%dma_start3A_432 : memref<128xi32, #tpu.memory_space<vmem>>) semaphore(%arg19 : memref<!tpu.dma_semaphore, #tpu.memory_space<semaphore_mem>>) {add = true}
      %add3A_436 = arith.constant 3 : i32
      %add3A_437 = arith.addi %add3A_280, %add3A_436 : i32
      %add3A_438 = arith.constant 3 : i32
      %add3A_439 = arith.addi %add3A_437, %add3A_438 : i32
      %sub3A_440 = arith.constant 5 : i32
      %sub3A_441 = arith.subi %add3A_439, %sub3A_440 : i32
      %dma_wait3A_442 = arith.constant 3 : i32
      %dma_wait3A_443 = arith.constant 0 : i32
      %dma_wait3A_444 = arith.constant 0 : i32
      %dma_wait3A_445 = tpu.memref_slice %arg8[%dma_wait3A_442, %dma_wait3A_443, %dma_wait3A_444] : memref<5x128x64xf32, #tpu.memory_space<vmem>> -> memref<1x128x64xf32, #tpu.memory_space<vmem>>
      %dma_wait3A_446 = tpu.memref_squeeze %dma_wait3A_445 : memref<1x128x64xf32, #tpu.memory_space<vmem>> -> memref<128x64xf32, #tpu.memory_space<vmem>>
      %dma_wait3A_447 = arith.constant 0 : i32
      %dma_wait3A_448 = tpu.memref_slice %arg7[%sub3A_441, %dma_wait3A_447] : memref<160x128xi32, #tpu.memory_space<vmem>> -> memref<1x128xi32, #tpu.memory_space<vmem>>
      %dma_wait3A_449 = tpu.memref_squeeze %dma_wait3A_448 : memref<1x128xi32, #tpu.memory_space<vmem>> -> memref<128xi32, #tpu.memory_space<vmem>>
      %dma_wait3A_450 = arith.constant 0 : i32
      %dma_wait3A_451 = arith.constant 0 : i32
      %dma_wait3A_452 = tpu.memref_slice %arg9[%dma_wait3A_450, %dma_wait3A_451] : memref<10240x64xf32, #tpu.memory_space<vmem_shared>> -> memref<10240x64xf32, #tpu.memory_space<vmem_shared>>
      tpu.wait_indirect_dma semaphore(%arg18 : memref<!tpu.dma_semaphore, #tpu.memory_space<semaphore_mem>>) src(%dma_wait3A_446 : memref<128x64xf32, #tpu.memory_space<vmem>>) dst(%dma_wait3A_452 : memref<10240x64xf32, #tpu.memory_space<vmem_shared>>)
      %add3A_453 = arith.constant 3 : i32
      %add3A_454 = arith.addi %add3A_437, %add3A_453 : i32
      %dma_start3A_455 = arith.constant 3 : i32
      %dma_start3A_456 = arith.constant 0 : i32
      %dma_start3A_457 = arith.constant 0 : i32
      %dma_start3A_458 = tpu.memref_slice %arg8[%dma_start3A_455, %dma_start3A_456, %dma_start3A_457] : memref<5x128x64xf32, #tpu.memory_space<vmem>> -> memref<1x128x64xf32, #tpu.memory_space<vmem>>
      %dma_start3A_459 = tpu.memref_squeeze %dma_start3A_458 : memref<1x128x64xf32, #tpu.memory_space<vmem>> -> memref<128x64xf32, #tpu.memory_space<vmem>>
      %dma_start3A_460 = arith.constant 0 : i32
      %dma_start3A_461 = tpu.memref_slice %arg6[%add3A_454, %dma_start3A_460] : memref<160x128xi32, #tpu.memory_space<vmem>> -> memref<1x128xi32, #tpu.memory_space<vmem>>
      %dma_start3A_462 = tpu.memref_squeeze %dma_start3A_461 : memref<1x128xi32, #tpu.memory_space<vmem>> -> memref<128xi32, #tpu.memory_space<vmem>>
      %dma_start3A_463 = arith.constant 0 : i32
      %dma_start3A_464 = arith.constant 0 : i32
      %dma_start3A_465 = tpu.memref_slice %arg2[%dma_start3A_463, %dma_start3A_464] : memref<200000x64xf32, #tpu.memory_space<hbm>> -> memref<200000x64xf32, #tpu.memory_space<hbm>>
      tpu.enqueue_indirect_dma source(%dma_start3A_465 : memref<200000x64xf32, #tpu.memory_space<hbm>>) target(%dma_start3A_459 : memref<128x64xf32, #tpu.memory_space<vmem>>) offsets(%dma_start3A_462 : memref<128xi32, #tpu.memory_space<vmem>>) semaphore(%arg13 : memref<!tpu.dma_semaphore, #tpu.memory_space<semaphore_mem>>)
      %dma_wait3A_466 = arith.constant 0 : i32
      %dma_wait3A_467 = arith.constant 0 : i32
      %dma_wait3A_468 = arith.constant 0 : i32
      %dma_wait3A_469 = tpu.memref_slice %arg8[%dma_wait3A_466, %dma_wait3A_467, %dma_wait3A_468] : memref<5x128x64xf32, #tpu.memory_space<vmem>> -> memref<1x128x64xf32, #tpu.memory_space<vmem>>
      %dma_wait3A_470 = tpu.memref_squeeze %dma_wait3A_469 : memref<1x128x64xf32, #tpu.memory_space<vmem>> -> memref<128x64xf32, #tpu.memory_space<vmem>>
      %dma_wait3A_471 = arith.constant 0 : i32
      %dma_wait3A_472 = tpu.memref_slice %arg6[%add3A_437, %dma_wait3A_471] : memref<160x128xi32, #tpu.memory_space<vmem>> -> memref<1x128xi32, #tpu.memory_space<vmem>>
      %dma_wait3A_473 = tpu.memref_squeeze %dma_wait3A_472 : memref<1x128xi32, #tpu.memory_space<vmem>> -> memref<128xi32, #tpu.memory_space<vmem>>
      %dma_wait3A_474 = arith.constant 0 : i32
      %dma_wait3A_475 = arith.constant 0 : i32
      %dma_wait3A_476 = tpu.memref_slice %arg2[%dma_wait3A_474, %dma_wait3A_475] : memref<200000x64xf32, #tpu.memory_space<hbm>> -> memref<200000x64xf32, #tpu.memory_space<hbm>>
      tpu.wait_indirect_dma semaphore(%arg10 : memref<!tpu.dma_semaphore, #tpu.memory_space<semaphore_mem>>) src(%dma_wait3A_476 : memref<200000x64xf32, #tpu.memory_space<hbm>>) dst(%dma_wait3A_470 : memref<128x64xf32, #tpu.memory_space<vmem>>)
      %dma_start3A_477 = arith.constant 0 : i32
      %dma_start3A_478 = arith.constant 0 : i32
      %dma_start3A_479 = arith.constant 0 : i32
      %dma_start3A_480 = tpu.memref_slice %arg8[%dma_start3A_477, %dma_start3A_478, %dma_start3A_479] : memref<5x128x64xf32, #tpu.memory_space<vmem>> -> memref<1x128x64xf32, #tpu.memory_space<vmem>>
      %dma_start3A_481 = tpu.memref_squeeze %dma_start3A_480 : memref<1x128x64xf32, #tpu.memory_space<vmem>> -> memref<128x64xf32, #tpu.memory_space<vmem>>
      %dma_start3A_482 = arith.constant 0 : i32
      %dma_start3A_483 = tpu.memref_slice %arg7[%add3A_437, %dma_start3A_482] : memref<160x128xi32, #tpu.memory_space<vmem>> -> memref<1x128xi32, #tpu.memory_space<vmem>>
      %dma_start3A_484 = tpu.memref_squeeze %dma_start3A_483 : memref<1x128xi32, #tpu.memory_space<vmem>> -> memref<128xi32, #tpu.memory_space<vmem>>
      %dma_start3A_485 = arith.constant 0 : i32
      %dma_start3A_486 = arith.constant 0 : i32
      %dma_start3A_487 = tpu.memref_slice %arg9[%dma_start3A_485, %dma_start3A_486] : memref<10240x64xf32, #tpu.memory_space<vmem_shared>> -> memref<10240x64xf32, #tpu.memory_space<vmem_shared>>
      tpu.enqueue_indirect_dma source(%dma_start3A_481 : memref<128x64xf32, #tpu.memory_space<vmem>>) target(%dma_start3A_487 : memref<10240x64xf32, #tpu.memory_space<vmem_shared>>) offsets(%dma_start3A_484 : memref<128xi32, #tpu.memory_space<vmem>>) semaphore(%arg15 : memref<!tpu.dma_semaphore, #tpu.memory_space<semaphore_mem>>) {add = true}
      %add3A_488 = arith.constant 4 : i32
      %add3A_489 = arith.addi %add3A_280, %add3A_488 : i32
      %add3A_490 = arith.constant 3 : i32
      %add3A_491 = arith.addi %add3A_489, %add3A_490 : i32
      %sub3A_492 = arith.constant 5 : i32
      %sub3A_493 = arith.subi %add3A_491, %sub3A_492 : i32
      %dma_wait3A_494 = arith.constant 4 : i32
      %dma_wait3A_495 = arith.constant 0 : i32
      %dma_wait3A_496 = arith.constant 0 : i32
      %dma_wait3A_497 = tpu.memref_slice %arg8[%dma_wait3A_494, %dma_wait3A_495, %dma_wait3A_496] : memref<5x128x64xf32, #tpu.memory_space<vmem>> -> memref<1x128x64xf32, #tpu.memory_space<vmem>>
      %dma_wait3A_498 = tpu.memref_squeeze %dma_wait3A_497 : memref<1x128x64xf32, #tpu.memory_space<vmem>> -> memref<128x64xf32, #tpu.memory_space<vmem>>
      %dma_wait3A_499 = arith.constant 0 : i32
      %dma_wait3A_500 = tpu.memref_slice %arg7[%sub3A_493, %dma_wait3A_499] : memref<160x128xi32, #tpu.memory_space<vmem>> -> memref<1x128xi32, #tpu.memory_space<vmem>>
      %dma_wait3A_501 = tpu.memref_squeeze %dma_wait3A_500 : memref<1x128xi32, #tpu.memory_space<vmem>> -> memref<128xi32, #tpu.memory_space<vmem>>
      %dma_wait3A_502 = arith.constant 0 : i32
      %dma_wait3A_503 = arith.constant 0 : i32
      %dma_wait3A_504 = tpu.memref_slice %arg9[%dma_wait3A_502, %dma_wait3A_503] : memref<10240x64xf32, #tpu.memory_space<vmem_shared>> -> memref<10240x64xf32, #tpu.memory_space<vmem_shared>>
      tpu.wait_indirect_dma semaphore(%arg19 : memref<!tpu.dma_semaphore, #tpu.memory_space<semaphore_mem>>) src(%dma_wait3A_498 : memref<128x64xf32, #tpu.memory_space<vmem>>) dst(%dma_wait3A_504 : memref<10240x64xf32, #tpu.memory_space<vmem_shared>>)
      %add3A_505 = arith.constant 3 : i32
      %add3A_506 = arith.addi %add3A_489, %add3A_505 : i32
      %dma_start3A_507 = arith.constant 4 : i32
      %dma_start3A_508 = arith.constant 0 : i32
      %dma_start3A_509 = arith.constant 0 : i32
      %dma_start3A_510 = tpu.memref_slice %arg8[%dma_start3A_507, %dma_start3A_508, %dma_start3A_509] : memref<5x128x64xf32, #tpu.memory_space<vmem>> -> memref<1x128x64xf32, #tpu.memory_space<vmem>>
      %dma_start3A_511 = tpu.memref_squeeze %dma_start3A_510 : memref<1x128x64xf32, #tpu.memory_space<vmem>> -> memref<128x64xf32, #tpu.memory_space<vmem>>
      %dma_start3A_512 = arith.constant 0 : i32
      %dma_start3A_513 = tpu.memref_slice %arg6[%add3A_506, %dma_start3A_512] : memref<160x128xi32, #tpu.memory_space<vmem>> -> memref<1x128xi32, #tpu.memory_space<vmem>>
      %dma_start3A_514 = tpu.memref_squeeze %dma_start3A_513 : memref<1x128xi32, #tpu.memory_space<vmem>> -> memref<128xi32, #tpu.memory_space<vmem>>
      %dma_start3A_515 = arith.constant 0 : i32
      %dma_start3A_516 = arith.constant 0 : i32
      %dma_start3A_517 = tpu.memref_slice %arg2[%dma_start3A_515, %dma_start3A_516] : memref<200000x64xf32, #tpu.memory_space<hbm>> -> memref<200000x64xf32, #tpu.memory_space<hbm>>
      tpu.enqueue_indirect_dma source(%dma_start3A_517 : memref<200000x64xf32, #tpu.memory_space<hbm>>) target(%dma_start3A_511 : memref<128x64xf32, #tpu.memory_space<vmem>>) offsets(%dma_start3A_514 : memref<128xi32, #tpu.memory_space<vmem>>) semaphore(%arg14 : memref<!tpu.dma_semaphore, #tpu.memory_space<semaphore_mem>>)
      %dma_wait3A_518 = arith.constant 1 : i32
      %dma_wait3A_519 = arith.constant 0 : i32
      %dma_wait3A_520 = arith.constant 0 : i32
      %dma_wait3A_521 = tpu.memref_slice %arg8[%dma_wait3A_518, %dma_wait3A_519, %dma_wait3A_520] : memref<5x128x64xf32, #tpu.memory_space<vmem>> -> memref<1x128x64xf32, #tpu.memory_space<vmem>>
      %dma_wait3A_522 = tpu.memref_squeeze %dma_wait3A_521 : memref<1x128x64xf32, #tpu.memory_space<vmem>> -> memref<128x64xf32, #tpu.memory_space<vmem>>
      %dma_wait3A_523 = arith.constant 0 : i32
      %dma_wait3A_524 = tpu.memref_slice %arg6[%add3A_489, %dma_wait3A_523] : memref<160x128xi32, #tpu.memory_space<vmem>> -> memref<1x128xi32, #tpu.memory_space<vmem>>
      %dma_wait3A_525 = tpu.memref_squeeze %dma_wait3A_524 : memref<1x128xi32, #tpu.memory_space<vmem>> -> memref<128xi32, #tpu.memory_space<vmem>>
      %dma_wait3A_526 = arith.constant 0 : i32
      %dma_wait3A_527 = arith.constant 0 : i32
      %dma_wait3A_528 = tpu.memref_slice %arg2[%dma_wait3A_526, %dma_wait3A_527] : memref<200000x64xf32, #tpu.memory_space<hbm>> -> memref<200000x64xf32, #tpu.memory_space<hbm>>
      tpu.wait_indirect_dma semaphore(%arg11 : memref<!tpu.dma_semaphore, #tpu.memory_space<semaphore_mem>>) src(%dma_wait3A_528 : memref<200000x64xf32, #tpu.memory_space<hbm>>) dst(%dma_wait3A_522 : memref<128x64xf32, #tpu.memory_space<vmem>>)
      %dma_start3A_529 = arith.constant 1 : i32
      %dma_start3A_530 = arith.constant 0 : i32
      %dma_start3A_531 = arith.constant 0 : i32
      %dma_start3A_532 = tpu.memref_slice %arg8[%dma_start3A_529, %dma_start3A_530, %dma_start3A_531] : memref<5x128x64xf32, #tpu.memory_space<vmem>> -> memref<1x128x64xf32, #tpu.memory_space<vmem>>
      %dma_start3A_533 = tpu.memref_squeeze %dma_start3A_532 : memref<1x128x64xf32, #tpu.memory_space<vmem>> -> memref<128x64xf32, #tpu.memory_space<vmem>>
      %dma_start3A_534 = arith.constant 0 : i32
      %dma_start3A_535 = tpu.memref_slice %arg7[%add3A_489, %dma_start3A_534] : memref<160x128xi32, #tpu.memory_space<vmem>> -> memref<1x128xi32, #tpu.memory_space<vmem>>
      %dma_start3A_536 = tpu.memref_squeeze %dma_start3A_535 : memref<1x128xi32, #tpu.memory_space<vmem>> -> memref<128xi32, #tpu.memory_space<vmem>>
      %dma_start3A_537 = arith.constant 0 : i32
      %dma_start3A_538 = arith.constant 0 : i32
      %dma_start3A_539 = tpu.memref_slice %arg9[%dma_start3A_537, %dma_start3A_538] : memref<10240x64xf32, #tpu.memory_space<vmem_shared>> -> memref<10240x64xf32, #tpu.memory_space<vmem_shared>>
      tpu.enqueue_indirect_dma source(%dma_start3A_533 : memref<128x64xf32, #tpu.memory_space<vmem>>) target(%dma_start3A_539 : memref<10240x64xf32, #tpu.memory_space<vmem_shared>>) offsets(%dma_start3A_536 : memref<128xi32, #tpu.memory_space<vmem>>) semaphore(%arg16 : memref<!tpu.dma_semaphore, #tpu.memory_space<semaphore_mem>>) {add = true}
    }
    %scan3A_138 = arith.constant 31 : i32
    %dma_wait3A_139 = arith.constant 157 : i32
    %dma_wait3A_140 = arith.constant 2 : i32
    %dma_wait3A_141 = arith.constant 0 : i32
    %dma_wait3A_142 = arith.constant 0 : i32
    %dma_wait3A_143 = tpu.memref_slice %arg8[%dma_wait3A_140, %dma_wait3A_141, %dma_wait3A_142] : memref<5x128x64xf32, #tpu.memory_space<vmem>> -> memref<1x128x64xf32, #tpu.memory_space<vmem>>
    %dma_wait3A_144 = tpu.memref_squeeze %dma_wait3A_143 : memref<1x128x64xf32, #tpu.memory_space<vmem>> -> memref<128x64xf32, #tpu.memory_space<vmem>>
    %dma_wait3A_145 = arith.constant 0 : i32
    %dma_wait3A_146 = tpu.memref_slice %arg6[%dma_wait3A_139, %dma_wait3A_145] : memref<160x128xi32, #tpu.memory_space<vmem>> -> memref<1x128xi32, #tpu.memory_space<vmem>>
    %dma_wait3A_147 = tpu.memref_squeeze %dma_wait3A_146 : memref<1x128xi32, #tpu.memory_space<vmem>> -> memref<128xi32, #tpu.memory_space<vmem>>
    %dma_wait3A_148 = arith.constant 0 : i32
    %dma_wait3A_149 = arith.constant 0 : i32
    %dma_wait3A_150 = tpu.memref_slice %arg2[%dma_wait3A_148, %dma_wait3A_149] : memref<200000x64xf32, #tpu.memory_space<hbm>> -> memref<200000x64xf32, #tpu.memory_space<hbm>>
    tpu.wait_indirect_dma semaphore(%arg12 : memref<!tpu.dma_semaphore, #tpu.memory_space<semaphore_mem>>) src(%dma_wait3A_150 : memref<200000x64xf32, #tpu.memory_space<hbm>>) dst(%dma_wait3A_144 : memref<128x64xf32, #tpu.memory_space<vmem>>)
    %dma_start3A_151 = arith.constant 2 : i32
    %dma_start3A_152 = arith.constant 157 : i32
    %dma_start3A_153 = arith.constant 0 : i32
    %dma_start3A_154 = arith.constant 0 : i32
    %dma_start3A_155 = tpu.memref_slice %arg8[%dma_start3A_151, %dma_start3A_153, %dma_start3A_154] : memref<5x128x64xf32, #tpu.memory_space<vmem>> -> memref<1x128x64xf32, #tpu.memory_space<vmem>>
    %dma_start3A_156 = tpu.memref_squeeze %dma_start3A_155 : memref<1x128x64xf32, #tpu.memory_space<vmem>> -> memref<128x64xf32, #tpu.memory_space<vmem>>
    %dma_start3A_157 = arith.constant 0 : i32
    %dma_start3A_158 = tpu.memref_slice %arg7[%dma_start3A_152, %dma_start3A_157] : memref<160x128xi32, #tpu.memory_space<vmem>> -> memref<1x128xi32, #tpu.memory_space<vmem>>
    %dma_start3A_159 = tpu.memref_squeeze %dma_start3A_158 : memref<1x128xi32, #tpu.memory_space<vmem>> -> memref<128xi32, #tpu.memory_space<vmem>>
    %dma_start3A_160 = arith.constant 0 : i32
    %dma_start3A_161 = arith.constant 0 : i32
    %dma_start3A_162 = tpu.memref_slice %arg9[%dma_start3A_160, %dma_start3A_161] : memref<10240x64xf32, #tpu.memory_space<vmem_shared>> -> memref<10240x64xf32, #tpu.memory_space<vmem_shared>>
    tpu.enqueue_indirect_dma source(%dma_start3A_156 : memref<128x64xf32, #tpu.memory_space<vmem>>) target(%dma_start3A_162 : memref<10240x64xf32, #tpu.memory_space<vmem_shared>>) offsets(%dma_start3A_159 : memref<128xi32, #tpu.memory_space<vmem>>) semaphore(%arg17 : memref<!tpu.dma_semaphore, #tpu.memory_space<semaphore_mem>>) {add = true}
    %dma_wait3A_163 = arith.constant 158 : i32
    %dma_wait3A_164 = arith.constant 3 : i32
    %dma_wait3A_165 = arith.constant 0 : i32
    %dma_wait3A_166 = arith.constant 0 : i32
    %dma_wait3A_167 = tpu.memref_slice %arg8[%dma_wait3A_164, %dma_wait3A_165, %dma_wait3A_166] : memref<5x128x64xf32, #tpu.memory_space<vmem>> -> memref<1x128x64xf32, #tpu.memory_space<vmem>>
    %dma_wait3A_168 = tpu.memref_squeeze %dma_wait3A_167 : memref<1x128x64xf32, #tpu.memory_space<vmem>> -> memref<128x64xf32, #tpu.memory_space<vmem>>
    %dma_wait3A_169 = arith.constant 0 : i32
    %dma_wait3A_170 = tpu.memref_slice %arg6[%dma_wait3A_163, %dma_wait3A_169] : memref<160x128xi32, #tpu.memory_space<vmem>> -> memref<1x128xi32, #tpu.memory_space<vmem>>
    %dma_wait3A_171 = tpu.memref_squeeze %dma_wait3A_170 : memref<1x128xi32, #tpu.memory_space<vmem>> -> memref<128xi32, #tpu.memory_space<vmem>>
    %dma_wait3A_172 = arith.constant 0 : i32
    %dma_wait3A_173 = arith.constant 0 : i32
    %dma_wait3A_174 = tpu.memref_slice %arg2[%dma_wait3A_172, %dma_wait3A_173] : memref<200000x64xf32, #tpu.memory_space<hbm>> -> memref<200000x64xf32, #tpu.memory_space<hbm>>
    tpu.wait_indirect_dma semaphore(%arg13 : memref<!tpu.dma_semaphore, #tpu.memory_space<semaphore_mem>>) src(%dma_wait3A_174 : memref<200000x64xf32, #tpu.memory_space<hbm>>) dst(%dma_wait3A_168 : memref<128x64xf32, #tpu.memory_space<vmem>>)
    %dma_start3A_175 = arith.constant 3 : i32
    %dma_start3A_176 = arith.constant 158 : i32
    %dma_start3A_177 = arith.constant 0 : i32
    %dma_start3A_178 = arith.constant 0 : i32
    %dma_start3A_179 = tpu.memref_slice %arg8[%dma_start3A_175, %dma_start3A_177, %dma_start3A_178] : memref<5x128x64xf32, #tpu.memory_space<vmem>> -> memref<1x128x64xf32, #tpu.memory_space<vmem>>
    %dma_start3A_180 = tpu.memref_squeeze %dma_start3A_179 : memref<1x128x64xf32, #tpu.memory_space<vmem>> -> memref<128x64xf32, #tpu.memory_space<vmem>>
    %dma_start3A_181 = arith.constant 0 : i32
    %dma_start3A_182 = tpu.memref_slice %arg7[%dma_start3A_176, %dma_start3A_181] : memref<160x128xi32, #tpu.memory_space<vmem>> -> memref<1x128xi32, #tpu.memory_space<vmem>>
    %dma_start3A_183 = tpu.memref_squeeze %dma_start3A_182 : memref<1x128xi32, #tpu.memory_space<vmem>> -> memref<128xi32, #tpu.memory_space<vmem>>
    %dma_start3A_184 = arith.constant 0 : i32
    %dma_start3A_185 = arith.constant 0 : i32
    %dma_start3A_186 = tpu.memref_slice %arg9[%dma_start3A_184, %dma_start3A_185] : memref<10240x64xf32, #tpu.memory_space<vmem_shared>> -> memref<10240x64xf32, #tpu.memory_space<vmem_shared>>
    tpu.enqueue_indirect_dma source(%dma_start3A_180 : memref<128x64xf32, #tpu.memory_space<vmem>>) target(%dma_start3A_186 : memref<10240x64xf32, #tpu.memory_space<vmem_shared>>) offsets(%dma_start3A_183 : memref<128xi32, #tpu.memory_space<vmem>>) semaphore(%arg18 : memref<!tpu.dma_semaphore, #tpu.memory_space<semaphore_mem>>) {add = true}
    %dma_wait3A_187 = arith.constant 159 : i32
    %dma_wait3A_188 = arith.constant 4 : i32
    %dma_wait3A_189 = arith.constant 0 : i32
    %dma_wait3A_190 = arith.constant 0 : i32
    %dma_wait3A_191 = tpu.memref_slice %arg8[%dma_wait3A_188, %dma_wait3A_189, %dma_wait3A_190] : memref<5x128x64xf32, #tpu.memory_space<vmem>> -> memref<1x128x64xf32, #tpu.memory_space<vmem>>
    %dma_wait3A_192 = tpu.memref_squeeze %dma_wait3A_191 : memref<1x128x64xf32, #tpu.memory_space<vmem>> -> memref<128x64xf32, #tpu.memory_space<vmem>>
    %dma_wait3A_193 = arith.constant 0 : i32
    %dma_wait3A_194 = tpu.memref_slice %arg6[%dma_wait3A_187, %dma_wait3A_193] : memref<160x128xi32, #tpu.memory_space<vmem>> -> memref<1x128xi32, #tpu.memory_space<vmem>>
    %dma_wait3A_195 = tpu.memref_squeeze %dma_wait3A_194 : memref<1x128xi32, #tpu.memory_space<vmem>> -> memref<128xi32, #tpu.memory_space<vmem>>
    %dma_wait3A_196 = arith.constant 0 : i32
    %dma_wait3A_197 = arith.constant 0 : i32
    %dma_wait3A_198 = tpu.memref_slice %arg2[%dma_wait3A_196, %dma_wait3A_197] : memref<200000x64xf32, #tpu.memory_space<hbm>> -> memref<200000x64xf32, #tpu.memory_space<hbm>>
    tpu.wait_indirect_dma semaphore(%arg14 : memref<!tpu.dma_semaphore, #tpu.memory_space<semaphore_mem>>) src(%dma_wait3A_198 : memref<200000x64xf32, #tpu.memory_space<hbm>>) dst(%dma_wait3A_192 : memref<128x64xf32, #tpu.memory_space<vmem>>)
    %dma_start3A_199 = arith.constant 4 : i32
    %dma_start3A_200 = arith.constant 159 : i32
    %dma_start3A_201 = arith.constant 0 : i32
    %dma_start3A_202 = arith.constant 0 : i32
    %dma_start3A_203 = tpu.memref_slice %arg8[%dma_start3A_199, %dma_start3A_201, %dma_start3A_202] : memref<5x128x64xf32, #tpu.memory_space<vmem>> -> memref<1x128x64xf32, #tpu.memory_space<vmem>>
    %dma_start3A_204 = tpu.memref_squeeze %dma_start3A_203 : memref<1x128x64xf32, #tpu.memory_space<vmem>> -> memref<128x64xf32, #tpu.memory_space<vmem>>
    %dma_start3A_205 = arith.constant 0 : i32
    %dma_start3A_206 = tpu.memref_slice %arg7[%dma_start3A_200, %dma_start3A_205] : memref<160x128xi32, #tpu.memory_space<vmem>> -> memref<1x128xi32, #tpu.memory_space<vmem>>
    %dma_start3A_207 = tpu.memref_squeeze %dma_start3A_206 : memref<1x128xi32, #tpu.memory_space<vmem>> -> memref<128xi32, #tpu.memory_space<vmem>>
    %dma_start3A_208 = arith.constant 0 : i32
    %dma_start3A_209 = arith.constant 0 : i32
    %dma_start3A_210 = tpu.memref_slice %arg9[%dma_start3A_208, %dma_start3A_209] : memref<10240x64xf32, #tpu.memory_space<vmem_shared>> -> memref<10240x64xf32, #tpu.memory_space<vmem_shared>>
    tpu.enqueue_indirect_dma source(%dma_start3A_204 : memref<128x64xf32, #tpu.memory_space<vmem>>) target(%dma_start3A_210 : memref<10240x64xf32, #tpu.memory_space<vmem_shared>>) offsets(%dma_start3A_207 : memref<128xi32, #tpu.memory_space<vmem>>) semaphore(%arg19 : memref<!tpu.dma_semaphore, #tpu.memory_space<semaphore_mem>>) {add = true}
    %dma_wait3A_211 = arith.constant 0 : i32
    %dma_wait3A_212 = arith.constant 155 : i32
    %dma_wait3A_213 = arith.constant 0 : i32
    %dma_wait3A_214 = arith.constant 0 : i32
    %dma_wait3A_215 = tpu.memref_slice %arg8[%dma_wait3A_211, %dma_wait3A_213, %dma_wait3A_214] : memref<5x128x64xf32, #tpu.memory_space<vmem>> -> memref<1x128x64xf32, #tpu.memory_space<vmem>>
    %dma_wait3A_216 = tpu.memref_squeeze %dma_wait3A_215 : memref<1x128x64xf32, #tpu.memory_space<vmem>> -> memref<128x64xf32, #tpu.memory_space<vmem>>
    %dma_wait3A_217 = arith.constant 0 : i32
    %dma_wait3A_218 = tpu.memref_slice %arg7[%dma_wait3A_212, %dma_wait3A_217] : memref<160x128xi32, #tpu.memory_space<vmem>> -> memref<1x128xi32, #tpu.memory_space<vmem>>
    %dma_wait3A_219 = tpu.memref_squeeze %dma_wait3A_218 : memref<1x128xi32, #tpu.memory_space<vmem>> -> memref<128xi32, #tpu.memory_space<vmem>>
    %dma_wait3A_220 = arith.constant 0 : i32
    %dma_wait3A_221 = arith.constant 0 : i32
    %dma_wait3A_222 = tpu.memref_slice %arg9[%dma_wait3A_220, %dma_wait3A_221] : memref<10240x64xf32, #tpu.memory_space<vmem_shared>> -> memref<10240x64xf32, #tpu.memory_space<vmem_shared>>
    tpu.wait_indirect_dma semaphore(%arg15 : memref<!tpu.dma_semaphore, #tpu.memory_space<semaphore_mem>>) src(%dma_wait3A_216 : memref<128x64xf32, #tpu.memory_space<vmem>>) dst(%dma_wait3A_222 : memref<10240x64xf32, #tpu.memory_space<vmem_shared>>)
    %dma_wait3A_223 = arith.constant 1 : i32
    %dma_wait3A_224 = arith.constant 156 : i32
    %dma_wait3A_225 = arith.constant 0 : i32
    %dma_wait3A_226 = arith.constant 0 : i32
    %dma_wait3A_227 = tpu.memref_slice %arg8[%dma_wait3A_223, %dma_wait3A_225, %dma_wait3A_226] : memref<5x128x64xf32, #tpu.memory_space<vmem>> -> memref<1x128x64xf32, #tpu.memory_space<vmem>>
    %dma_wait3A_228 = tpu.memref_squeeze %dma_wait3A_227 : memref<1x128x64xf32, #tpu.memory_space<vmem>> -> memref<128x64xf32, #tpu.memory_space<vmem>>
    %dma_wait3A_229 = arith.constant 0 : i32
    %dma_wait3A_230 = tpu.memref_slice %arg7[%dma_wait3A_224, %dma_wait3A_229] : memref<160x128xi32, #tpu.memory_space<vmem>> -> memref<1x128xi32, #tpu.memory_space<vmem>>
    %dma_wait3A_231 = tpu.memref_squeeze %dma_wait3A_230 : memref<1x128xi32, #tpu.memory_space<vmem>> -> memref<128xi32, #tpu.memory_space<vmem>>
    %dma_wait3A_232 = arith.constant 0 : i32
    %dma_wait3A_233 = arith.constant 0 : i32
    %dma_wait3A_234 = tpu.memref_slice %arg9[%dma_wait3A_232, %dma_wait3A_233] : memref<10240x64xf32, #tpu.memory_space<vmem_shared>> -> memref<10240x64xf32, #tpu.memory_space<vmem_shared>>
    tpu.wait_indirect_dma semaphore(%arg16 : memref<!tpu.dma_semaphore, #tpu.memory_space<semaphore_mem>>) src(%dma_wait3A_228 : memref<128x64xf32, #tpu.memory_space<vmem>>) dst(%dma_wait3A_234 : memref<10240x64xf32, #tpu.memory_space<vmem_shared>>)
    %dma_wait3A_235 = arith.constant 2 : i32
    %dma_wait3A_236 = arith.constant 157 : i32
    %dma_wait3A_237 = arith.constant 0 : i32
    %dma_wait3A_238 = arith.constant 0 : i32
    %dma_wait3A_239 = tpu.memref_slice %arg8[%dma_wait3A_235, %dma_wait3A_237, %dma_wait3A_238] : memref<5x128x64xf32, #tpu.memory_space<vmem>> -> memref<1x128x64xf32, #tpu.memory_space<vmem>>
    %dma_wait3A_240 = tpu.memref_squeeze %dma_wait3A_239 : memref<1x128x64xf32, #tpu.memory_space<vmem>> -> memref<128x64xf32, #tpu.memory_space<vmem>>
    %dma_wait3A_241 = arith.constant 0 : i32
    %dma_wait3A_242 = tpu.memref_slice %arg7[%dma_wait3A_236, %dma_wait3A_241] : memref<160x128xi32, #tpu.memory_space<vmem>> -> memref<1x128xi32, #tpu.memory_space<vmem>>
    %dma_wait3A_243 = tpu.memref_squeeze %dma_wait3A_242 : memref<1x128xi32, #tpu.memory_space<vmem>> -> memref<128xi32, #tpu.memory_space<vmem>>
    %dma_wait3A_244 = arith.constant 0 : i32
    %dma_wait3A_245 = arith.constant 0 : i32
    %dma_wait3A_246 = tpu.memref_slice %arg9[%dma_wait3A_244, %dma_wait3A_245] : memref<10240x64xf32, #tpu.memory_space<vmem_shared>> -> memref<10240x64xf32, #tpu.memory_space<vmem_shared>>
    tpu.wait_indirect_dma semaphore(%arg17 : memref<!tpu.dma_semaphore, #tpu.memory_space<semaphore_mem>>) src(%dma_wait3A_240 : memref<128x64xf32, #tpu.memory_space<vmem>>) dst(%dma_wait3A_246 : memref<10240x64xf32, #tpu.memory_space<vmem_shared>>)
    %dma_wait3A_247 = arith.constant 3 : i32
    %dma_wait3A_248 = arith.constant 158 : i32
    %dma_wait3A_249 = arith.constant 0 : i32
    %dma_wait3A_250 = arith.constant 0 : i32
    %dma_wait3A_251 = tpu.memref_slice %arg8[%dma_wait3A_247, %dma_wait3A_249, %dma_wait3A_250] : memref<5x128x64xf32, #tpu.memory_space<vmem>> -> memref<1x128x64xf32, #tpu.memory_space<vmem>>
    %dma_wait3A_252 = tpu.memref_squeeze %dma_wait3A_251 : memref<1x128x64xf32, #tpu.memory_space<vmem>> -> memref<128x64xf32, #tpu.memory_space<vmem>>
    %dma_wait3A_253 = arith.constant 0 : i32
    %dma_wait3A_254 = tpu.memref_slice %arg7[%dma_wait3A_248, %dma_wait3A_253] : memref<160x128xi32, #tpu.memory_space<vmem>> -> memref<1x128xi32, #tpu.memory_space<vmem>>
    %dma_wait3A_255 = tpu.memref_squeeze %dma_wait3A_254 : memref<1x128xi32, #tpu.memory_space<vmem>> -> memref<128xi32, #tpu.memory_space<vmem>>
    %dma_wait3A_256 = arith.constant 0 : i32
    %dma_wait3A_257 = arith.constant 0 : i32
    %dma_wait3A_258 = tpu.memref_slice %arg9[%dma_wait3A_256, %dma_wait3A_257] : memref<10240x64xf32, #tpu.memory_space<vmem_shared>> -> memref<10240x64xf32, #tpu.memory_space<vmem_shared>>
    tpu.wait_indirect_dma semaphore(%arg18 : memref<!tpu.dma_semaphore, #tpu.memory_space<semaphore_mem>>) src(%dma_wait3A_252 : memref<128x64xf32, #tpu.memory_space<vmem>>) dst(%dma_wait3A_258 : memref<10240x64xf32, #tpu.memory_space<vmem_shared>>)
    %dma_wait3A_259 = arith.constant 4 : i32
    %dma_wait3A_260 = arith.constant 159 : i32
    %dma_wait3A_261 = arith.constant 0 : i32
    %dma_wait3A_262 = arith.constant 0 : i32
    %dma_wait3A_263 = tpu.memref_slice %arg8[%dma_wait3A_259, %dma_wait3A_261, %dma_wait3A_262] : memref<5x128x64xf32, #tpu.memory_space<vmem>> -> memref<1x128x64xf32, #tpu.memory_space<vmem>>
    %dma_wait3A_264 = tpu.memref_squeeze %dma_wait3A_263 : memref<1x128x64xf32, #tpu.memory_space<vmem>> -> memref<128x64xf32, #tpu.memory_space<vmem>>
    %dma_wait3A_265 = arith.constant 0 : i32
    %dma_wait3A_266 = tpu.memref_slice %arg7[%dma_wait3A_260, %dma_wait3A_265] : memref<160x128xi32, #tpu.memory_space<vmem>> -> memref<1x128xi32, #tpu.memory_space<vmem>>
    %dma_wait3A_267 = tpu.memref_squeeze %dma_wait3A_266 : memref<1x128xi32, #tpu.memory_space<vmem>> -> memref<128xi32, #tpu.memory_space<vmem>>
    %dma_wait3A_268 = arith.constant 0 : i32
    %dma_wait3A_269 = arith.constant 0 : i32
    %dma_wait3A_270 = tpu.memref_slice %arg9[%dma_wait3A_268, %dma_wait3A_269] : memref<10240x64xf32, #tpu.memory_space<vmem_shared>> -> memref<10240x64xf32, #tpu.memory_space<vmem_shared>>
    tpu.wait_indirect_dma semaphore(%arg19 : memref<!tpu.dma_semaphore, #tpu.memory_space<semaphore_mem>>) src(%dma_wait3A_264 : memref<128x64xf32, #tpu.memory_space<vmem>>) dst(%dma_wait3A_270 : memref<10240x64xf32, #tpu.memory_space<vmem_shared>>)
    %barrier3A_271 = arith.constant 0 : index
    tpu.barrier barrier_id(%barrier3A_271)
    %mul3A_272 = arith.constant 640 : i32
    %mul3A_273 = arith.muli %arg1, %mul3A_272 : i32
    %mul3A_274 = arith.constant 640 : i32
    %mul3A_275 = arith.muli %arg1, %mul3A_274 : i32
    "tpu.region"() ({
      %run_scoped3A_276 = tpu.sem_alloc : memref<!tpu.dma_semaphore, #tpu.memory_space<semaphore_mem>>
      %dma_start3A_277 = arith.constant 0 : i32
      %dma_start3A_278 = tpu.memref_slice %arg5[%arg0, %mul3A_275, %dma_start3A_277] : memref<2x10240x64xf32, #tpu.memory_space<hbm>> -> memref<1x640x64xf32, #tpu.memory_space<hbm>>
      %dma_start3A_279 = tpu.memref_squeeze %dma_start3A_278 : memref<1x640x64xf32, #tpu.memory_space<hbm>> -> memref<640x64xf32, #tpu.memory_space<hbm>>
      %dma_start3A_280 = arith.constant 0 : i32
      %dma_start3A_281 = tpu.memref_slice %arg9[%mul3A_273, %dma_start3A_280] : memref<10240x64xf32, #tpu.memory_space<vmem_shared>> -> memref<640x64xf32, #tpu.memory_space<vmem_shared>>
      tpu.enqueue_dma source(%dma_start3A_281 : memref<640x64xf32, #tpu.memory_space<vmem_shared>>) target(%dma_start3A_279 : memref<640x64xf32, #tpu.memory_space<hbm>>) target_semaphore(%run_scoped3A_276 : memref<!tpu.dma_semaphore, #tpu.memory_space<semaphore_mem>>)
      %dma_wait3A_282 = arith.constant 0 : i32
      %dma_wait3A_283 = tpu.memref_slice %arg5[%arg0, %mul3A_275, %dma_wait3A_282] : memref<2x10240x64xf32, #tpu.memory_space<hbm>> -> memref<1x640x64xf32, #tpu.memory_space<hbm>>
      %dma_wait3A_284 = tpu.memref_squeeze %dma_wait3A_283 : memref<1x640x64xf32, #tpu.memory_space<hbm>> -> memref<640x64xf32, #tpu.memory_space<hbm>>
      %dma_wait3A_285 = arith.constant 0 : i32
      %dma_wait3A_286 = tpu.memref_slice %arg9[%mul3A_273, %dma_wait3A_285] : memref<10240x64xf32, #tpu.memory_space<vmem_shared>> -> memref<640x64xf32, #tpu.memory_space<vmem_shared>>
      tpu.wait_dma2 semaphore(%run_scoped3A_276 : memref<!tpu.dma_semaphore, #tpu.memory_space<semaphore_mem>>) src(%dma_wait3A_286 : memref<640x64xf32, #tpu.memory_space<vmem_shared>>) dst(%dma_wait3A_284 : memref<640x64xf32, #tpu.memory_space<hbm>>)
      tpu.yield
    }) : () -> ()
    return
  }
}

module attributes {stable_mosaic.version = 14 : i64} {
  func.func @_edges_body(%arg0: memref<2x2500x128xi32, #tpu.memory_space<vmem>>, %arg1: memref<2500x128xi32, #tpu.memory_space<vmem>>, %arg2: memref<2x2560x128xi32, #tpu.memory_space<vmem>>, %arg3: memref<2560x128xi32, #tpu.memory_space<vmem>>) attributes {dimension_semantics = [], scalar_prefetch = 0 : i64, scratch_operands = 0 : i64, tpu.core_type = #tpu.core_type<tc>} {
    %get3A = arith.constant 0 : index
    %get3A_0 = arith.constant 0 : index
    %get3A_1 = arith.constant 0 : index
    %get3A_2 = vector.load %arg0[%get3A, %get3A_0, %get3A_1] : memref<2x2500x128xi32, #tpu.memory_space<vmem>>, vector<1x2500x128xi32>
    %get3A_3 = vector.shape_cast %get3A_2 : vector<1x2500x128xi32> to vector<2500x128xi32>
    %get3A_4 = arith.constant 1 : index
    %get3A_5 = arith.constant 0 : index
    %get3A_6 = arith.constant 0 : index
    %get3A_7 = vector.load %arg0[%get3A_4, %get3A_5, %get3A_6] : memref<2x2500x128xi32, #tpu.memory_space<vmem>>, vector<1x2500x128xi32>
    %get3A_8 = vector.shape_cast %get3A_7 : vector<1x2500x128xi32> to vector<2500x128xi32>
    %get3A_9 = arith.constant 0 : index
    %get3A_10 = arith.constant 0 : index
    %get3A_11 = vector.load %arg1[%get3A_9, %get3A_10] : memref<2500x128xi32, #tpu.memory_space<vmem>>, vector<2500x128xi32>
    %sub3A = arith.constant 2 : i32
    %sub3A_12 = vector.broadcast %sub3A : i32 to vector<2500x128xi32>
    %sub3A_13 = arith.subi %get3A_11, %sub3A_12 : vector<2500x128xi32>
    %jit3A = arith.constant 10 : i32
    %eq3A = arith.constant 0 : i32
    %eq3A_14 = arith.cmpi eq, %jit3A, %eq3A : i32
    %jit3A_15 = arith.constant 1 : i32
    %select_n3A = arith.select %eq3A_14, %jit3A_15, %jit3A : i32
    %rem3A = vector.broadcast %select_n3A : i32 to vector<2500x128xi32>
    %rem3A_16 = arith.remsi %sub3A_13, %rem3A : vector<2500x128xi32>
    %ne3A = arith.constant 0 : i32
    %ne3A_17 = vector.broadcast %ne3A : i32 to vector<2500x128xi32>
    %ne3A_18 = arith.cmpi ne, %rem3A_16, %ne3A_17 : vector<2500x128xi32>
    %lt3A = arith.constant 0 : i32
    %lt3A_19 = vector.broadcast %lt3A : i32 to vector<2500x128xi32>
    %lt3A_20 = arith.cmpi slt, %rem3A_16, %lt3A_19 : vector<2500x128xi32>
    %lt3A_21 = arith.constant 0 : i32
    %lt3A_22 = arith.cmpi slt, %select_n3A, %lt3A_21 : i32
    %ne3A_23 = vector.broadcast %lt3A_22 : i1 to vector<2500x128xi1>
    %ne3A_24 = vector.broadcast %ne3A_23 : vector<2500x128xi1> to vector<2500x128xi1>
    %ne3A_25 = arith.xori %lt3A_20, %ne3A_24 : vector<2500x128xi1>
    %and3A = arith.andi %ne3A_25, %ne3A_18 : vector<2500x128xi1>
    %add3A = vector.broadcast %select_n3A : i32 to vector<2500x128xi32>
    %add3A_26 = arith.addi %rem3A_16, %add3A : vector<2500x128xi32>
    %select_n3A_27 = arith.select %and3A, %add3A_26, %rem3A_16 : vector<2500x128xi1>, vector<2500x128xi32>
    %mul3A = arith.constant 10000 : i32
    %mul3A_28 = vector.broadcast %mul3A : i32 to vector<2500x128xi32>
    %mul3A_29 = arith.muli %select_n3A_27, %mul3A_28 : vector<2500x128xi32>
    %add3A_30 = arith.addi %mul3A_29, %get3A_8 : vector<2500x128xi32>
    %iota3A = tpu.iota {dimensions = array<i32: 0>} : vector<60x128xi32>
    %mul3A_31 = arith.constant 128 : i32
    %mul3A_32 = vector.broadcast %mul3A_31 : i32 to vector<60x128xi32>
    %mul3A_33 = arith.muli %iota3A, %mul3A_32 : vector<60x128xi32>
    %iota3A_34 = tpu.iota {dimensions = array<i32: 1>} : vector<60x128xi32>
    %add3A_35 = arith.addi %mul3A_33, %iota3A_34 : vector<60x128xi32>
    %jit3A_36 = arith.constant 10000 : i32
    %eq3A_37 = arith.constant 0 : i32
    %eq3A_38 = arith.cmpi eq, %jit3A_36, %eq3A_37 : i32
    %jit3A_39 = arith.constant 1 : i32
    %select_n3A_40 = arith.select %eq3A_38, %jit3A_39, %jit3A_36 : i32
    %rem3A_41 = vector.broadcast %select_n3A_40 : i32 to vector<60x128xi32>
    %rem3A_42 = arith.remsi %add3A_35, %rem3A_41 : vector<60x128xi32>
    %ne3A_43 = arith.constant 0 : i32
    %ne3A_44 = vector.broadcast %ne3A_43 : i32 to vector<60x128xi32>
    %ne3A_45 = arith.cmpi ne, %rem3A_42, %ne3A_44 : vector<60x128xi32>
    %lt3A_46 = arith.constant 0 : i32
    %lt3A_47 = vector.broadcast %lt3A_46 : i32 to vector<60x128xi32>
    %lt3A_48 = arith.cmpi slt, %rem3A_42, %lt3A_47 : vector<60x128xi32>
    %lt3A_49 = arith.constant 0 : i32
    %lt3A_50 = arith.cmpi slt, %select_n3A_40, %lt3A_49 : i32
    %ne3A_51 = vector.broadcast %lt3A_50 : i1 to vector<60x128xi1>
    %ne3A_52 = vector.broadcast %ne3A_51 : vector<60x128xi1> to vector<60x128xi1>
    %ne3A_53 = arith.xori %lt3A_48, %ne3A_52 : vector<60x128xi1>
    %and3A_54 = arith.andi %ne3A_53, %ne3A_45 : vector<60x128xi1>
    %add3A_55 = vector.broadcast %select_n3A_40 : i32 to vector<60x128xi32>
    %add3A_56 = arith.addi %rem3A_42, %add3A_55 : vector<60x128xi32>
    %select_n3A_57 = arith.select %and3A_54, %add3A_56, %rem3A_42 : vector<60x128xi1>, vector<60x128xi32>
    %concatenate3A = tpu.concatenate %add3A_30, %select_n3A_57 in 0 : vector<2500x128xi32>, vector<60x128xi32> -> vector<2560x128xi32>
    %swap3A = arith.constant 0 : index
    %swap3A_58 = arith.constant 0 : index
    %swap3A_59 = arith.constant 0 : index
    %swap3A_60 = vector.load %arg2[%swap3A, %swap3A_58, %swap3A_59] : memref<2x2560x128xi32, #tpu.memory_space<vmem>>, vector<1x2560x128xi32>
    %swap3A_61 = vector.shape_cast %swap3A_60 : vector<1x2560x128xi32> to vector<2560x128xi32>
    %swap3A_62 = vector.shape_cast %concatenate3A : vector<2560x128xi32> to vector<1x2560x128xi32>
    tpu.vector_store %arg2[%swap3A, %swap3A_58, %swap3A_59], %swap3A_62 {strides = array<i32>} : memref<2x2560x128xi32, #tpu.memory_space<vmem>>, vector<1x2560x128xi32>,
    %add3A_63 = arith.constant 100000 : i32
    %add3A_64 = vector.broadcast %add3A_63 : i32 to vector<2560x128xi32>
    %add3A_65 = arith.addi %concatenate3A, %add3A_64 : vector<2560x128xi32>
    %swap3A_66 = arith.constant 1 : index
    %swap3A_67 = arith.constant 0 : index
    %swap3A_68 = arith.constant 0 : index
    %swap3A_69 = vector.load %arg2[%swap3A_66, %swap3A_67, %swap3A_68] : memref<2x2560x128xi32, #tpu.memory_space<vmem>>, vector<1x2560x128xi32>
    %swap3A_70 = vector.shape_cast %swap3A_69 : vector<1x2560x128xi32> to vector<2560x128xi32>
    %swap3A_71 = vector.shape_cast %add3A_65 : vector<2560x128xi32> to vector<1x2560x128xi32>
    tpu.vector_store %arg2[%swap3A_66, %swap3A_67, %swap3A_68], %swap3A_71 {strides = array<i32>} : memref<2x2560x128xi32, #tpu.memory_space<vmem>>, vector<1x2560x128xi32>,
    %jit3A_72 = arith.constant 240 : i32
    %eq3A_73 = arith.constant 0 : i32
    %eq3A_74 = arith.cmpi eq, %jit3A_72, %eq3A_73 : i32
    %jit3A_75 = arith.constant 1 : i32
    %select_n3A_76 = arith.select %eq3A_74, %jit3A_75, %jit3A_72 : i32
    %rem3A_77 = vector.broadcast %select_n3A_76 : i32 to vector<60x128xi32>
    %rem3A_78 = arith.remsi %add3A_35, %rem3A_77 : vector<60x128xi32>
    %ne3A_79 = arith.constant 0 : i32
    %ne3A_80 = vector.broadcast %ne3A_79 : i32 to vector<60x128xi32>
    %ne3A_81 = arith.cmpi ne, %rem3A_78, %ne3A_80 : vector<60x128xi32>
    %lt3A_82 = arith.constant 0 : i32
    %lt3A_83 = vector.broadcast %lt3A_82 : i32 to vector<60x128xi32>
    %lt3A_84 = arith.cmpi slt, %rem3A_78, %lt3A_83 : vector<60x128xi32>
    %lt3A_85 = arith.constant 0 : i32
    %lt3A_86 = arith.cmpi slt, %select_n3A_76, %lt3A_85 : i32
    %ne3A_87 = vector.broadcast %lt3A_86 : i1 to vector<60x128xi1>
    %ne3A_88 = vector.broadcast %ne3A_87 : vector<60x128xi1> to vector<60x128xi1>
    %ne3A_89 = arith.xori %lt3A_84, %ne3A_88 : vector<60x128xi1>
    %and3A_90 = arith.andi %ne3A_89, %ne3A_81 : vector<60x128xi1>
    %add3A_91 = vector.broadcast %select_n3A_76 : i32 to vector<60x128xi32>
    %add3A_92 = arith.addi %rem3A_78, %add3A_91 : vector<60x128xi32>
    %select_n3A_93 = arith.select %and3A_90, %add3A_92, %rem3A_78 : vector<60x128xi1>, vector<60x128xi32>
    %add3A_94 = arith.constant 10000 : i32
    %add3A_95 = vector.broadcast %add3A_94 : i32 to vector<60x128xi32>
    %add3A_96 = arith.addi %add3A_95, %select_n3A_93 : vector<60x128xi32>
    %concatenate3A_97 = tpu.concatenate %get3A_3, %add3A_96 in 0 : vector<2500x128xi32>, vector<60x128xi32> -> vector<2560x128xi32>
    %swap3A_98 = arith.constant 0 : index
    %swap3A_99 = arith.constant 0 : index
    %swap3A_100 = vector.load %arg3[%swap3A_98, %swap3A_99] : memref<2560x128xi32, #tpu.memory_space<vmem>>, vector<2560x128xi32>
    tpu.vector_store %arg3[%swap3A_98, %swap3A_99], %concatenate3A_97 {strides = array<i32>} : memref<2560x128xi32, #tpu.memory_space<vmem>>, vector<2560x128xi32>,
    return
  }
}

module attributes {stable_mosaic.version = 14 : i64} {
  func.func @_scale_body(%arg0: i32, %arg1: i32, %arg2: i32, %arg3: memref<1000x128xf32, #tpu.memory_space<vmem>>, %arg4: memref<10x128xf32, #tpu.memory_space<vmem>>, %arg5: memref<1000x64xf32, #tpu.memory_space<vmem>>) attributes {dimension_semantics = [#tpu.dimension_semantics<arbitrary>, #tpu.dimension_semantics<arbitrary>, #tpu.dimension_semantics<arbitrary>], iteration_bounds = array<i64: 10, 2, 10>, scalar_prefetch = 0 : i64, scratch_operands = 0 : i64, tpu.core_type = #tpu.core_type<tc>, window_params = [{transform_indices = @transform_0, window_bounds = array<i64: 1000, 128>}, {pipeline_mode = #tpu.pipeline_mode<synchronous>, transform_indices = @transform_1, window_bounds = array<i64: 10, 128>}, {transform_indices = @transform_2, window_bounds = array<i64: 1000, 64>}]} {
    %get3A = arith.index_cast %arg2 : i32 to index
    %get3A_0 = arith.constant 0 : index
    %get3A_1 = vector.load %arg4[%get3A, %get3A_0] : memref<10x128xf32, #tpu.memory_space<vmem>>, vector<1x128xf32>
    %get3A_2 = arith.constant 0 : index
    %get3A_3 = arith.constant 0 : index
    %get3A_4 = vector.load %arg3[%get3A_2, %get3A_3] : memref<1000x128xf32, #tpu.memory_space<vmem>>, vector<1000x128xf32>
    %mul3A = vector.broadcast %get3A_1 : vector<1x128xf32> to vector<1000x128xf32>
    %mul3A_5 = arith.mulf %get3A_4, %mul3A : vector<1000x128xf32>
    %eq3A = arith.constant 0 : i32
    %eq3A_6 = arith.cmpi eq, %arg1, %eq3A : i32
    %slice3A = vector.extract_strided_slice %mul3A_5 {offsets = [0, 0], sizes = [1000, 64], strides = [1, 1]} : vector<1000x128xf32> to vector<1000x64xf32>
    %slice3A_7 = vector.extract_strided_slice %mul3A_5 {offsets = [0, 64], sizes = [1000, 64], strides = [1, 1]} : vector<1000x128xf32> to vector<1000x64xf32>
    %select_n3A = arith.select %eq3A_6, %slice3A, %slice3A_7 : vector<1000x64xf32>
    %swap3A = arith.constant 0 : index
    %swap3A_8 = arith.constant 0 : index
    %swap3A_9 = vector.load %arg5[%swap3A, %swap3A_8] : memref<1000x64xf32, #tpu.memory_space<vmem>>, vector<1000x64xf32>
    tpu.vector_store %arg5[%swap3A, %swap3A_8], %select_n3A {strides = array<i32>} : memref<1000x64xf32, #tpu.memory_space<vmem>>, vector<1000x64xf32>,
    return
  }
  func.func @transform_0(%arg0: i32, %arg1: i32, %arg2: i32) -> (i32, i32) {
    %c0_i32 = arith.constant 0 : i32
    %c0_i32_0 = arith.constant 0 : i32
    return %arg0, %c0_i32 : i32, i32
  }
  func.func @transform_1(%arg0: i32, %arg1: i32, %arg2: i32) -> (i32, i32) {
    %c0_i32 = arith.constant 0 : i32
    %c0_i32_0 = arith.constant 0 : i32
    %c0_i32_1 = arith.constant 0 : i32
    return %c0_i32, %c0_i32_0 : i32, i32
  }
  func.func @transform_2(%arg0: i32, %arg1: i32, %arg2: i32) -> (i32, i32) {
    %mul3A = arith.constant 100 : i32
    %mul3A_0 = arith.muli %arg1, %mul3A : i32
    %mul3A_1 = arith.constant 10 : i32
    %mul3A_2 = arith.muli %arg2, %mul3A_1 : i32
    %add3A = arith.addi %mul3A_0, %mul3A_2 : i32
    %add3A_3 = arith.addi %add3A, %arg0 : i32
    %c0_i32 = arith.constant 0 : i32
    %c0_i32_4 = arith.constant 0 : i32
    return %add3A_3, %c0_i32 : i32, i32
  }
}

module attributes {stable_mosaic.version = 14 : i64} {
  func.func @_norm_body(%arg0: i32, %arg1: memref<1000x64xf32, #tpu.memory_space<vmem>>, %arg2: memref<1000x64xf32, #tpu.memory_space<vmem>>, %arg3: memref<1000x128xf32, #tpu.memory_space<vmem>>) attributes {dimension_semantics = [#tpu.dimension_semantics<arbitrary>], iteration_bounds = array<i64: 10>, scalar_prefetch = 0 : i64, scratch_operands = 0 : i64, tpu.core_type = #tpu.core_type<tc>, window_params = [{transform_indices = @transform_0, window_bounds = array<i64: 1000, 64>}, {transform_indices = @transform_1, window_bounds = array<i64: 1000, 64>}, {transform_indices = @transform_2, window_bounds = array<i64: 1000, 128>}]} {
    %get3A = arith.constant 0 : index
    %get3A_0 = arith.constant 0 : index
    %get3A_1 = vector.load %arg1[%get3A, %get3A_0] : memref<1000x64xf32, #tpu.memory_space<vmem>>, vector<1000x64xf32>
    %get3A_2 = arith.constant 0 : index
    %get3A_3 = arith.constant 0 : index
    %get3A_4 = vector.load %arg2[%get3A_2, %get3A_3] : memref<1000x64xf32, #tpu.memory_space<vmem>>, vector<1000x64xf32>
    %concatenate3A = tpu.concatenate %get3A_1, %get3A_4 in 1 : vector<1000x64xf32>, vector<1000x64xf32> -> vector<1000x128xf32>
    %mul3A = arith.mulf %concatenate3A, %concatenate3A : vector<1000x128xf32>
    %reduce_sum3A = arith.constant dense<0.000000e+00> : vector<1000xf32>
    %reduce_sum3A_5 = vector.multi_reduction <add>, %mul3A, %reduce_sum3A [1] : vector<1000x128xf32> to vector<1000xf32>
    %broadcast_in_dim3A = vector.shape_cast %reduce_sum3A_5 : vector<1000xf32> to vector<1000x1xf32>
    %sqrt3A = math.sqrt %broadcast_in_dim3A : vector<1000x1xf32>
    %max3A = arith.constant 9.99999996E-13 : f32
    %max3A_6 = vector.broadcast %max3A : f32 to vector<1000x1xf32>
    %max3A_7 = arith.maximumf %sqrt3A, %max3A_6 : vector<1000x1xf32>
    %div3A = vector.broadcast %max3A_7 : vector<1000x1xf32> to vector<1000x128xf32>
    %div3A_8 = arith.divf %concatenate3A, %div3A : vector<1000x128xf32>
    %swap3A = arith.constant 0 : index
    %swap3A_9 = arith.constant 0 : index
    %swap3A_10 = vector.load %arg3[%swap3A, %swap3A_9] : memref<1000x128xf32, #tpu.memory_space<vmem>>, vector<1000x128xf32>
    tpu.vector_store %arg3[%swap3A, %swap3A_9], %div3A_8 {strides = array<i32>} : memref<1000x128xf32, #tpu.memory_space<vmem>>, vector<1000x128xf32>,
    return
  }
  func.func @transform_0(%arg0: i32) -> (i32, i32) {
    %c0_i32 = arith.constant 0 : i32
    %c0_i32_0 = arith.constant 0 : i32
    return %arg0, %c0_i32 : i32, i32
  }
  func.func @transform_1(%arg0: i32) -> (i32, i32) {
    %c0_i32 = arith.constant 0 : i32
    %c0_i32_0 = arith.constant 0 : i32
    return %arg0, %c0_i32 : i32, i32
  }
  func.func @transform_2(%arg0: i32) -> (i32, i32) {
    %c0_i32 = arith.constant 0 : i32
    %c0_i32_0 = arith.constant 0 : i32
    return %arg0, %c0_i32 : i32, i32
  }
}

module attributes {stable_mosaic.version = 14 : i64} {
  func.func @_user_body(%arg0: i32, %arg1: memref<2000x128xf32, #tpu.memory_space<vmem>>, %arg2: memref<2000x64xf32, #tpu.memory_space<vmem>>, %arg3: memref<64x128xf32, #tpu.memory_space<vmem>>, %arg4: memref<2000x128xf32, #tpu.memory_space<vmem>>) attributes {dimension_semantics = [#tpu.dimension_semantics<arbitrary>], iteration_bounds = array<i64: 50>, scalar_prefetch = 0 : i64, scratch_operands = 0 : i64, tpu.core_type = #tpu.core_type<tc>, window_params = [{transform_indices = @transform_0, window_bounds = array<i64: 2000, 128>}, {transform_indices = @transform_1, window_bounds = array<i64: 2000, 64>}, {pipeline_mode = #tpu.pipeline_mode<synchronous>, transform_indices = @transform_2, window_bounds = array<i64: 64, 128>}, {transform_indices = @transform_3, window_bounds = array<i64: 2000, 128>}]} {
    %get3A = arith.constant 0 : index
    %get3A_0 = arith.constant 0 : index
    %get3A_1 = vector.load %arg2[%get3A, %get3A_0] : memref<2000x64xf32, #tpu.memory_space<vmem>>, vector<2000x64xf32>
    %get3A_2 = arith.constant 0 : index
    %get3A_3 = arith.constant 0 : index
    %get3A_4 = vector.load %arg3[%get3A_2, %get3A_3] : memref<64x128xf32, #tpu.memory_space<vmem>>, vector<64x128xf32>
    %dot_general3A = arith.constant dense<0.000000e+00> : vector<2000x128xf32>
    %dot_general3A_5 = tpu.matmul %get3A_1, %get3A_4, %dot_general3A {dimension_numbers = #tpu.dot_dimension_numbers<[1], [0], [0], [1], [0, 0, 1, 1], [], []>, transpose_lhs_hint = false} : vector<2000x64xf32>, vector<64x128xf32>, vector<2000x128xf32> -> vector<2000x128xf32>
    %mul3A = arith.mulf %dot_general3A_5, %dot_general3A_5 : vector<2000x128xf32>
    %reduce_sum3A = arith.constant dense<0.000000e+00> : vector<2000xf32>
    %reduce_sum3A_6 = vector.multi_reduction <add>, %mul3A, %reduce_sum3A [1] : vector<2000x128xf32> to vector<2000xf32>
    %broadcast_in_dim3A = vector.shape_cast %reduce_sum3A_6 : vector<2000xf32> to vector<2000x1xf32>
    %sqrt3A = math.sqrt %broadcast_in_dim3A : vector<2000x1xf32>
    %get3A_7 = arith.constant 0 : index
    %get3A_8 = arith.constant 0 : index
    %get3A_9 = vector.load %arg1[%get3A_7, %get3A_8] : memref<2000x128xf32, #tpu.memory_space<vmem>>, vector<2000x128xf32>
    %max3A = arith.constant 9.99999996E-13 : f32
    %max3A_10 = vector.broadcast %max3A : f32 to vector<2000x1xf32>
    %max3A_11 = arith.maximumf %sqrt3A, %max3A_10 : vector<2000x1xf32>
    %div3A = vector.broadcast %max3A_11 : vector<2000x1xf32> to vector<2000x128xf32>
    %div3A_12 = arith.divf %dot_general3A_5, %div3A : vector<2000x128xf32>
    %mul3A_13 = arith.constant 2.000000e+00 : f32
    %mul3A_14 = vector.broadcast %mul3A_13 : f32 to vector<2000x128xf32>
    %mul3A_15 = arith.mulf %mul3A_14, %div3A_12 : vector<2000x128xf32>
    %add3A = arith.addf %get3A_9, %mul3A_15 : vector<2000x128xf32>
    %swap3A = arith.constant 0 : index
    %swap3A_16 = arith.constant 0 : index
    %swap3A_17 = vector.load %arg4[%swap3A, %swap3A_16] : memref<2000x128xf32, #tpu.memory_space<vmem>>, vector<2000x128xf32>
    tpu.vector_store %arg4[%swap3A, %swap3A_16], %add3A {strides = array<i32>} : memref<2000x128xf32, #tpu.memory_space<vmem>>, vector<2000x128xf32>,
    return
  }
  func.func @transform_0(%arg0: i32) -> (i32, i32) {
    %c0_i32 = arith.constant 0 : i32
    %c0_i32_0 = arith.constant 0 : i32
    return %arg0, %c0_i32 : i32, i32
  }
  func.func @transform_1(%arg0: i32) -> (i32, i32) {
    %c0_i32 = arith.constant 0 : i32
    %c0_i32_0 = arith.constant 0 : i32
    return %arg0, %c0_i32 : i32, i32
  }
  func.func @transform_2(%arg0: i32) -> (i32, i32) {
    %c0_i32 = arith.constant 0 : i32
    %c0_i32_0 = arith.constant 0 : i32
    %c0_i32_1 = arith.constant 0 : i32
    return %c0_i32, %c0_i32_0 : i32, i32
  }
  func.func @transform_3(%arg0: i32) -> (i32, i32) {
    %c0_i32 = arith.constant 0 : i32
    %c0_i32_0 = arith.constant 0 : i32
    return %arg0, %c0_i32 : i32, i32
  }
}

module attributes {stable_mosaic.version = 14 : i64} {
  func.func @_final_body(%arg0: i32, %arg1: memref<1000x128xf32, #tpu.memory_space<vmem>>, %arg2: memref<1000x64xf32, #tpu.memory_space<vmem>>, %arg3: memref<1000x64xf32, #tpu.memory_space<vmem>>, %arg4: memref<1000x64xf32, #tpu.memory_space<vmem>>, %arg5: memref<1000x64xf32, #tpu.memory_space<vmem>>, %arg6: memref<1000x128xf32, #tpu.memory_space<vmem>>, %arg7: memref<1000x64xf32, #tpu.memory_space<vmem>>, %arg8: memref<64x128xf32, #tpu.memory_space<vmem>>, %arg9: memref<1x1xf32, #tpu.memory_space<vmem>>, %arg10: memref<1x1xf32, #tpu.memory_space<vmem>>, %arg11: memref<1000x128xf32, #tpu.memory_space<vmem>>) attributes {dimension_semantics = [#tpu.dimension_semantics<arbitrary>], iteration_bounds = array<i64: 8>, scalar_prefetch = 0 : i64, scratch_operands = 0 : i64, tpu.core_type = #tpu.core_type<tc>, window_params = [{transform_indices = @transform_0, window_bounds = array<i64: 1000, 128>}, {transform_indices = @transform_1, window_bounds = array<i64: 1000, 64>}, {transform_indices = @transform_2, window_bounds = array<i64: 1000, 64>}, {transform_indices = @transform_3, window_bounds = array<i64: 1000, 64>}, {transform_indices = @transform_4, window_bounds = array<i64: 1000, 64>}, {transform_indices = @transform_5, window_bounds = array<i64: 1000, 128>}, {transform_indices = @transform_6, window_bounds = array<i64: 1000, 64>}, {pipeline_mode = #tpu.pipeline_mode<synchronous>, transform_indices = @transform_7, window_bounds = array<i64: 64, 128>}, {pipeline_mode = #tpu.pipeline_mode<synchronous>, transform_indices = @transform_8, window_bounds = array<i64: 1, 1>}, {pipeline_mode = #tpu.pipeline_mode<synchronous>, transform_indices = @transform_9, window_bounds = array<i64: 1, 1>}, {transform_indices = @transform_10, window_bounds = array<i64: 1000, 128>}]} {
    %get3A = arith.constant 0 : index
    %get3A_0 = arith.constant 0 : index
    %get3A_1 = vector.load %arg2[%get3A, %get3A_0] : memref<1000x64xf32, #tpu.memory_space<vmem>>, vector<1000x64xf32>
    %get3A_2 = arith.constant 0 : index
    %get3A_3 = arith.constant 0 : index
    %get3A_4 = vector.load %arg3[%get3A_2, %get3A_3] : memref<1000x64xf32, #tpu.memory_space<vmem>>, vector<1000x64xf32>
    %concatenate3A = tpu.concatenate %get3A_1, %get3A_4 in 1 : vector<1000x64xf32>, vector<1000x64xf32> -> vector<1000x128xf32>
    %mul3A = arith.mulf %concatenate3A, %concatenate3A : vector<1000x128xf32>
    %reduce_sum3A = arith.constant dense<0.000000e+00> : vector<1000xf32>
    %reduce_sum3A_5 = vector.multi_reduction <add>, %mul3A, %reduce_sum3A [1] : vector<1000x128xf32> to vector<1000xf32>
    %broadcast_in_dim3A = vector.shape_cast %reduce_sum3A_5 : vector<1000xf32> to vector<1000x1xf32>
    %sqrt3A = math.sqrt %broadcast_in_dim3A : vector<1000x1xf32>
    %max3A = arith.constant 9.99999996E-13 : f32
    %max3A_6 = vector.broadcast %max3A : f32 to vector<1000x1xf32>
    %max3A_7 = arith.maximumf %sqrt3A, %max3A_6 : vector<1000x1xf32>
    %div3A = vector.broadcast %max3A_7 : vector<1000x1xf32> to vector<1000x128xf32>
    %div3A_8 = arith.divf %concatenate3A, %div3A : vector<1000x128xf32>
    %get3A_9 = arith.constant 0 : index
    %get3A_10 = arith.constant 0 : index
    %get3A_11 = vector.load %arg4[%get3A_9, %get3A_10] : memref<1000x64xf32, #tpu.memory_space<vmem>>, vector<1000x64xf32>
    %get3A_12 = arith.constant 0 : index
    %get3A_13 = arith.constant 0 : index
    %get3A_14 = vector.load %arg5[%get3A_12, %get3A_13] : memref<1000x64xf32, #tpu.memory_space<vmem>>, vector<1000x64xf32>
    %concatenate3A_15 = tpu.concatenate %get3A_11, %get3A_14 in 1 : vector<1000x64xf32>, vector<1000x64xf32> -> vector<1000x128xf32>
    %mul3A_16 = arith.mulf %concatenate3A_15, %concatenate3A_15 : vector<1000x128xf32>
    %reduce_sum3A_17 = arith.constant dense<0.000000e+00> : vector<1000xf32>
    %reduce_sum3A_18 = vector.multi_reduction <add>, %mul3A_16, %reduce_sum3A_17 [1] : vector<1000x128xf32> to vector<1000xf32>
    %broadcast_in_dim3A_19 = vector.shape_cast %reduce_sum3A_18 : vector<1000xf32> to vector<1000x1xf32>
    %sqrt3A_20 = math.sqrt %broadcast_in_dim3A_19 : vector<1000x1xf32>
    %max3A_21 = arith.constant 9.99999996E-13 : f32
    %max3A_22 = vector.broadcast %max3A_21 : f32 to vector<1000x1xf32>
    %max3A_23 = arith.maximumf %sqrt3A_20, %max3A_22 : vector<1000x1xf32>
    %div3A_24 = vector.broadcast %max3A_23 : vector<1000x1xf32> to vector<1000x128xf32>
    %div3A_25 = arith.divf %concatenate3A_15, %div3A_24 : vector<1000x128xf32>
    %get3A_26 = arith.constant 0 : index
    %get3A_27 = arith.constant 0 : index
    %get3A_28 = vector.load %arg1[%get3A_26, %get3A_27] : memref<1000x128xf32, #tpu.memory_space<vmem>>, vector<1000x128xf32>
    %add3A = arith.addf %get3A_28, %div3A_8 : vector<1000x128xf32>
    %add3A_29 = arith.addf %add3A, %div3A_25 : vector<1000x128xf32>
    %get3A_30 = arith.constant 0 : index
    %get3A_31 = arith.constant 0 : index
    %get3A_32 = vector.load %arg7[%get3A_30, %get3A_31] : memref<1000x64xf32, #tpu.memory_space<vmem>>, vector<1000x64xf32>
    %get3A_33 = arith.constant 0 : index
    %get3A_34 = arith.constant 0 : index
    %get3A_35 = vector.load %arg8[%get3A_33, %get3A_34] : memref<64x128xf32, #tpu.memory_space<vmem>>, vector<64x128xf32>
    %dot_general3A = arith.constant dense<0.000000e+00> : vector<1000x128xf32>
    %dot_general3A_36 = tpu.matmul %get3A_32, %get3A_35, %dot_general3A {dimension_numbers = #tpu.dot_dimension_numbers<[1], [0], [0], [1], [0, 0, 1, 1], [], []>, transpose_lhs_hint = false} : vector<1000x64xf32>, vector<64x128xf32>, vector<1000x128xf32> -> vector<1000x128xf32>
    %mul3A_37 = arith.mulf %dot_general3A_36, %dot_general3A_36 : vector<1000x128xf32>
    %reduce_sum3A_38 = arith.constant dense<0.000000e+00> : vector<1000xf32>
    %reduce_sum3A_39 = vector.multi_reduction <add>, %mul3A_37, %reduce_sum3A_38 [1] : vector<1000x128xf32> to vector<1000xf32>
    %broadcast_in_dim3A_40 = vector.shape_cast %reduce_sum3A_39 : vector<1000xf32> to vector<1000x1xf32>
    %sqrt3A_41 = math.sqrt %broadcast_in_dim3A_40 : vector<1000x1xf32>
    %get3A_42 = arith.constant 0 : index
    %get3A_43 = arith.constant 0 : index
    %get3A_44 = vector.load %arg6[%get3A_42, %get3A_43] : memref<1000x128xf32, #tpu.memory_space<vmem>>, vector<1000x128xf32>
    %max3A_45 = arith.constant 9.99999996E-13 : f32
    %max3A_46 = vector.broadcast %max3A_45 : f32 to vector<1000x1xf32>
    %max3A_47 = arith.maximumf %sqrt3A_41, %max3A_46 : vector<1000x1xf32>
    %div3A_48 = vector.broadcast %max3A_47 : vector<1000x1xf32> to vector<1000x128xf32>
    %div3A_49 = arith.divf %dot_general3A_36, %div3A_48 : vector<1000x128xf32>
    %mul3A_50 = arith.constant 2.000000e+00 : f32
    %mul3A_51 = vector.broadcast %mul3A_50 : f32 to vector<1000x128xf32>
    %mul3A_52 = arith.mulf %mul3A_51, %div3A_49 : vector<1000x128xf32>
    %add3A_53 = arith.addf %get3A_44, %mul3A_52 : vector<1000x128xf32>
    %get3A_54 = arith.constant 0 : index
    %get3A_55 = arith.constant 0 : index
    %get3A_56 = vector.load %arg9[%get3A_54, %get3A_55] : memref<1x1xf32, #tpu.memory_space<vmem>>, vector<1x1xf32>
    %get3A_57 = vector.extract %get3A_56[0, 0] : f32 from vector<1x1xf32>
    %mul3A_58 = vector.broadcast %get3A_57 : f32 to vector<1000x128xf32>
    %mul3A_59 = arith.mulf %mul3A_58, %add3A_29 : vector<1000x128xf32>
    %get3A_60 = arith.constant 0 : index
    %get3A_61 = arith.constant 0 : index
    %get3A_62 = vector.load %arg10[%get3A_60, %get3A_61] : memref<1x1xf32, #tpu.memory_space<vmem>>, vector<1x1xf32>
    %get3A_63 = vector.extract %get3A_62[0, 0] : f32 from vector<1x1xf32>
    %mul3A_64 = vector.broadcast %get3A_63 : f32 to vector<1000x128xf32>
    %mul3A_65 = arith.mulf %mul3A_64, %add3A_53 : vector<1000x128xf32>
    %add3A_66 = arith.addf %mul3A_59, %mul3A_65 : vector<1000x128xf32>
    %swap3A = arith.constant 0 : index
    %swap3A_67 = arith.constant 0 : index
    %swap3A_68 = vector.load %arg11[%swap3A, %swap3A_67] : memref<1000x128xf32, #tpu.memory_space<vmem>>, vector<1000x128xf32>
    tpu.vector_store %arg11[%swap3A, %swap3A_67], %add3A_66 {strides = array<i32>} : memref<1000x128xf32, #tpu.memory_space<vmem>>, vector<1000x128xf32>,
    return
  }
  func.func @transform_0(%arg0: i32) -> (i32, i32) {
    %c0_i32 = arith.constant 0 : i32
    %c0_i32_0 = arith.constant 0 : i32
    return %arg0, %c0_i32 : i32, i32
  }
  func.func @transform_1(%arg0: i32) -> (i32, i32) {
    %c0_i32 = arith.constant 0 : i32
    %c0_i32_0 = arith.constant 0 : i32
    return %arg0, %c0_i32 : i32, i32
  }
  func.func @transform_2(%arg0: i32) -> (i32, i32) {
    %c0_i32 = arith.constant 0 : i32
    %c0_i32_0 = arith.constant 0 : i32
    return %arg0, %c0_i32 : i32, i32
  }
  func.func @transform_3(%arg0: i32) -> (i32, i32) {
    %c0_i32 = arith.constant 0 : i32
    %c0_i32_0 = arith.constant 0 : i32
    return %arg0, %c0_i32 : i32, i32
  }
  func.func @transform_4(%arg0: i32) -> (i32, i32) {
    %c0_i32 = arith.constant 0 : i32
    %c0_i32_0 = arith.constant 0 : i32
    return %arg0, %c0_i32 : i32, i32
  }
  func.func @transform_5(%arg0: i32) -> (i32, i32) {
    %c0_i32 = arith.constant 0 : i32
    %c0_i32_0 = arith.constant 0 : i32
    return %arg0, %c0_i32 : i32, i32
  }
  func.func @transform_6(%arg0: i32) -> (i32, i32) {
    %c0_i32 = arith.constant 0 : i32
    %c0_i32_0 = arith.constant 0 : i32
    return %arg0, %c0_i32 : i32, i32
  }
  func.func @transform_7(%arg0: i32) -> (i32, i32) {
    %c0_i32 = arith.constant 0 : i32
    %c0_i32_0 = arith.constant 0 : i32
    %c0_i32_1 = arith.constant 0 : i32
    return %c0_i32, %c0_i32_0 : i32, i32
  }
  func.func @transform_8(%arg0: i32) -> (i32, i32) {
    %c0_i32 = arith.constant 0 : i32
    %c0_i32_0 = arith.constant 0 : i32
    %c0_i32_1 = arith.constant 0 : i32
    return %c0_i32, %c0_i32_0 : i32, i32
  }
  func.func @transform_9(%arg0: i32) -> (i32, i32) {
    %c0_i32 = arith.constant 0 : i32
    %c0_i32_0 = arith.constant 0 : i32
    %c0_i32_1 = arith.constant 0 : i32
    return %c0_i32, %c0_i32_0 : i32, i32
  }
  func.func @transform_10(%arg0: i32) -> (i32, i32) {
    %c0_i32 = arith.constant 0 : i32
    %c0_i32_0 = arith.constant 0 : i32
    return %arg0, %c0_i32 : i32, i32
  }
}

</mosaic_0001>

<sc_bundles>
// kernel: kernel.10.cloned.1.call-start
scs
__scs_entry_jumppad:
0x0: {  	(pc) =	sbr.rel $0x88, $3  }
0x1: {  	(tag) =	ssettag $0x0;
	lr =	simm.s32 $0x1  }
0x2: {  	[smem:$0x3F96] =	sst lr;
	_ =	strace $0xD0000000  }
0x3: {  	_ = 	snop  }
0x4: {  	_ = 	snop  }
0x5: {  	_ = 	snop  }
0x6: {  	_ = 	snop  }
0x7: {  	_ = 	snop  }
__scs_overlays_trampoline_lowered:
0x8: {  	[smem:$0x3FA5] =	sst s0  }
0x9: {  	[smem:$0x3FA6] =	sst s1  }
0xa: {  	[smem:$0x3FA7] =	sst s2  }
0xb: {  	[smem:$0x3FA8] =	sst s3  }
0xc: {  	[smem:$0x3FA9] =	sst s4  }
0xd: {  	[smem:$0x3FAA] =	sst s5  }
0xe: {  	[smem:$0x3FAB] =	sst s6  }
0xf: {  	[smem:$0x3FAC] =	sst s7  }
0x10: {  	[smem:$0x3FAD] =	sst s8  }
0x11: {  	[smem:$0x3FAE] =	sst s9;
	s0 =	simm.s32 @!p0 $0x0  }
0x12: {  	s1 =	sld [smem:$0x3F94];
	s0 =	simm.s32 @p0 $0x1  }
0x13: {  	[smem:$0x3FAF] =	sst s0;
	s0 =	simm.s32 @!p1 $0x0  }
0x14: {  	s2 =	sld [smem:$0x3F93];
	s0 =	simm.s32 @p1 $0x1  }
0x15: {  	[smem:$0x3FB0] =	sst s0;
	s0 =	simm.s32 @!p2 $0x0  }
0x16: {  	s3 =	sld [smem:$0x3FDB];
	s0 =	simm.s32 @p2 $0x1  }
0x17: {  	s4 =	simm.s32 $0x1BF5;
	[smem:$0x3FB2] =	sst s0  }
0x18: {  	s0 =	sld [smem:$0x3F95];
	_ =	swait.ge [sflag:s4], $0x0  }
0x19: {  	s7 =	sld [smem:$0x3F96]  }
0x1a: {  	s8 =	sadd.s32 $0xFFFFE003, lr  }
0x1b: {  	s9 =	sadd.s32 $0xFFFFFEF7, lr;
	s5 =	simm.s32 $0xFFFFFFFF;
	p2 =	slt.u32 s8, $0xFFFFF086  }
0x1c: {  	p1 =	slt.u32 s9, $0xF7A;
	s5 =	simm.s32 @!p2 $0x0  }
0x1d: {  	s5 =	simm.s32 @p1 $0x1;
	p0 =	seq.s32 s7, s2  }
0x1e: {  	s7 =	smul.u32 @!p0 $0xF7A, s2;
	p2 =	seq.s32 @!p0 s5, $0x0  }
0x1f: {  	s9 =	smul.u32 $0xF7A, s1;
	s8 =	simm.s32 @!p0 $0x1BF5;
	p2 =	por !p2, p0  }
0x20: {  	[sflag:s8] =	ssyncset.s32 @!p0 $0xFFFFF086;
	s6 =	sadd.s32 @!p0 s3, s7;
	s7 =	simm.s32 @!p0 $0x108  }
0x21: {  	s3 =	sadd.s32 s3, s9;
	s6 =	sadd.s32 @!p0 $0x88, s6;
	s7 =	simm.s32 @p2 $0x1082  }
0x22: {  	[simem:s7], [sflag:s8] =	dma.local @!p0 [hbm:s6], $0xF7A  }
0x23: {  	s9 =	sor.u32 $0xD0000000, s2;
	s6 =	simm.s32 $0x108;
	_ =	swait.ge @!p0 [sflag:s8], $0x0  }
0x24: {  	s3 =	sadd.s32 $0x88, s3;
	s6 =	simm.s32 @!p1 $0x1082;
	[sflag:s4] =	ssyncset.s32 $0xFFFFF086  }
0x25: {  	[simem:s6], [sflag:s4] =	dma.local [hbm:s3], $0xF7A  }
0x26: {  	[smem:$0x3F96] =	sst s1;
	(tag) =	ssettag s2;
	_ =	strace s9  }
0x27: {  	s1 =	sld [smem:$0x3FA6]  }
0x28: {  	s2 =	sld [smem:$0x3FA7]  }
0x29: {  	s4 =	sld [smem:$0x3FA9]  }
0x2a: {  	p0 =	seq.s32 s5, $0x0;
	s5 =	sld [smem:$0x3FAA]  }
0x2b: {  	s6 =	sld [smem:$0x3FAB]  }
0x2c: {  	s7 =	sld [smem:$0x3FAC]  }
0x2d: {  	s3 =	simm.s32 $0x108;
	s8 =	sld [smem:$0x3FAD]  }
0x2e: {  	s3 =	simm.s32 @!p0 $0x1082;
	s9 =	sld [smem:$0x3FAE]  }
0x2f: {  	lr =	sadd.s32 s0, s3;
	s0 =	sld [smem:$0x3FA5]  }
0x30: {  	s3 =	sld [smem:$0x3FA8]  }
0x31: {  	[smem:$0x3FB1] =	sst s10  }
0x32: {  	s10 =	sld [smem:$0x3FAF];
	_ =	sdelay $0x3  }
0x33: {  	p0 =	seq.s32 s10, $0x1;
	s10 =	sld [smem:$0x3FB1];
	_ =	sdelay $0x3  }
0x34: {  	[smem:$0x3FB1] =	sst s10  }
0x35: {  	s10 =	sld [smem:$0x3FB0];
	_ =	sdelay $0x3  }
0x36: {  	p1 =	seq.s32 s10, $0x1;
	s10 =	sld [smem:$0x3FB1];
	_ =	sdelay $0x3  }
0x37: {  	[smem:$0x3FB1] =	sst s10  }
0x38: {  	s10 =	sld [smem:$0x3FB2]  }
0x39: {  	_ = 	snop;
	(pc) =	sbr.ind lr, $3  }
0x3a: {  	_ = 	snop  }
0x3b: {  	_ = 	snop  }
0x3c: {  	p2 =	seq.s32 s10, $0x1;
	s10 =	sld [smem:$0x3FB1]  }
0x3d: {  	_ =	shalt  }
0x3e: {  	_ =	shalt  }
0x3f: {  	_ =	shalt  }
0x40: {  	_ =	shalt  }
0x41: {  	_ =	shalt  }
0x42: {  	_ =	shalt  }
0x43: {  	_ =	shalt  }
0x44: {  	_ =	shalt  }
0x45: {  	_ =	shalt  }
0x46: {  	_ =	shalt  }
0x47: {  	_ =	shalt  }
0x48: {  	_ =	shalt  }
0x49: {  	_ =	shalt  }
0x4a: {  	_ =	shalt  }
0x4b: {  	_ =	shalt  }
0x4c: {  	_ =	shalt  }
0x4d: {  	_ =	shalt  }
0x4e: {  	_ =	shalt  }
0x4f: {  	_ =	shalt  }
0x50: {  	_ =	shalt  }
0x51: {  	_ =	shalt  }
0x52: {  	_ =	shalt  }
0x53: {  	_ =	shalt  }
0x54: {  	_ =	shalt  }
0x55: {  	_ =	shalt  }
0x56: {  	_ =	shalt  }
0x57: {  	_ =	shalt  }
0x58: {  	_ =	shalt  }
0x59: {  	_ =	shalt  }
0x5a: {  	_ =	shalt  }
0x5b: {  	_ =	shalt  }
0x5c: {  	_ =	shalt  }
0x5d: {  	_ =	shalt  }
0x5e: {  	_ =	shalt  }
0x5f: {  	_ =	shalt  }
0x60: {  	_ =	shalt  }
0x61: {  	_ =	shalt  }
0x62: {  	_ =	shalt  }
0x63: {  	_ =	shalt  }
0x64: {  	_ =	shalt  }
0x65: {  	_ =	shalt  }
0x66: {  	_ =	shalt  }
0x67: {  	_ =	shalt  }
0x68: {  	_ =	shalt  }
0x69: {  	_ =	shalt  }
0x6a: {  	_ =	shalt  }
0x6b: {  	_ =	shalt  }
0x6c: {  	_ =	shalt  }
0x6d: {  	_ =	shalt  }
0x6e: {  	_ =	shalt  }
0x6f: {  	_ =	shalt  }
0x70: {  	_ =	shalt  }
0x71: {  	_ =	shalt  }
0x72: {  	_ =	shalt  }
0x73: {  	_ =	shalt  }
0x74: {  	_ =	shalt  }
0x75: {  	_ =	shalt  }
0x76: {  	_ =	shalt  }
0x77: {  	_ =	shalt  }
0x78: {  	_ =	shalt  }
0x79: {  	_ =	shalt  }
0x7a: {  	_ =	shalt  }
0x7b: {  	_ =	shalt  }
0x7c: {  	_ =	shalt  }
0x7d: {  	_ =	shalt  }
0x7e: {  	_ =	shalt  }
0x7f: {  	_ =	shalt  }
0x80: {  	_ =	shalt  }
0x81: {  	_ =	shalt  }
0x82: {  	_ =	shalt  }
0x83: {  	_ =	shalt  }
0x84: {  	_ =	shalt  }
0x85: {  	_ =	shalt  }
0x86: {  	_ =	shalt  }
0x87: {  	_ =	shalt  }
.Lfunc_end0:
.L_simem_size_0:
called_computation_lowered:
.L_overlay_start_0:
0x88: {  	s2 =	sld [smem:$0x3FD9]  }
0x89: {  	s3 =	sld [smem:$0x3FFE];
	_ =	sdelay $0x1  }
0x8a: {  	s1 =	srdreg.scid  }
0x8b: {  	s0 =	sand.u32 $0x1, s1  }
0x8c: {  	s14 =	sshll.u32 s0, $0xA;
	s2 =	sadd.s32 s3, s2  }
0x8d: {  	s2 =	sadd.s32 s2, s14  }
0x8e: {  	[smem:$0x3FBD] =	sst s2  }
0x8f: {  	_ = 	snop  }
0x90: {  	s2 =	sld [smem:$0x3FD0];
	_ =	sdelay $0x2  }
0x91: {  	s15 =	simm.s32 $0xA;
	s4 =	simm.s32 $0x10  }
0x92: {  	[smem:s4], [sflag:s15] =	dma.local [hbm:s2], $0x1  }
0x93: {  	_ =	swait.eq [sflag:s15], $0x1  }
0x94: {  	[sflag:s15] =	ssyncset.done $0x0  }
0x95: {  	s16 =	sld [smem:$0x10];
	[sflag:s15] =	ssyncadd.s32 $0xFFFFFFFF  }
0x96: {  	s17 =	sld [smem:$0x11];
	(tm) =	ssettm $0x1  }
0x97: {  	s18 =	sld [smem:$0x3FFB];
	_ =	sdelay $0x3  }
0x98: {  	_ =	strace s18  }
0x99: {  	s4 =	sld [smem:$0x3FFC];
	_ =	sdelay $0x3  }
0x9a: {  	_ =	strace s4  }
0x9b: {  	s4 =	sld [smem:$0x3FFD];
	_ =	sdelay $0x3  }
0x9c: {  	_ =	strace s4  }
0x9d: {  	_ =	strace $0x8FFFFFFF  }
0x9e: {  	s19 =	sld [smem:$0x3FDB];
	_ =	sdelay $0x1  }
0x9f: {  	s5 =	simm.s32 $_scs_section_size  }
0xa0: {  	s6 =	simm.s32 $_size__tile_overlayer_lowered;
	s7 =	simm.s32 $_tile_overlayer_lowered  }
0xa1: {  	s22 =	simm.s32 $0x1BFF;
	s21 =	sshll.u32 s7, $0x1;
	s4 =	sadd.s32 s5, s19  }
0xa2: {  	s8 =	simm.s32 $0x0;
	s20 =	sshll.u32 s6, $0x1;
	s6 =	sadd.s32 s21, s4  }
0xa3: {  	[timem:s8], [sflag:s22] =	dma.local [hbm:s6], s20  }
0xa4: {  	_ =	swait.ge [sflag:s22], s20  }
0xa5: {  	s5 =	ssub.s32 $0x0, s20;
	[sflag:s22] =	ssyncset.done $0x0  }
0xa6: {  	[sflag:s22] =	ssyncadd.s32 s5;
	_ =	sdelay $0x1  }
0xa7: {  	s23 =	simm.s32 $0x1B8B  }
0xa8: {  	_ =	swait.ge [sflag:s23], $0x1  }
0xa9: {  	[sflag:s23] =	ssyncset.done $0x0  }
0xaa: {  	s25 =	simm.s32 $0x1B8E;
	s24 =	sld [smem:$0x3FFE];
	[sflag:s23] =	ssyncadd.s32 $0xFFFFFFFF  }
0xab: {  	s26 =	simm.s32 $execute0_lowered;
	[smem:$0x3FD2] =	sst s25  }
0xac: {  	s6 =	sshll.u32 s26, $0x1;
	_ =	strace $0x80000046;
	[dreg:$0x1] =	wrdreg $0xFFFFFFFF  }
0xad: {  	s28 =	simm.s32 $_size_execute0_lowered;
	s4 =	sadd.s32 s4, s6;
	[dreg:$0x0] =	wrdreg $0x0  }
0xae: {  	s6 =	sshll.u32 s28, $0x1;
	[dreg:$0x2] =	wrdreg s4  }
0xaf: {  	[dreg:$0x3] =	wrdreg s6  }
0xb0: {  	[dreg:$0x4] =	wrdreg $0xC0  }
0xb1: {  	_ =	task [dreg:s8], $0x5FFFF  }
0xb2: {  	[dreg:$0x1] =	wrdreg $0xFFFFFFFF  }
0xb3: {  	[dreg:$0x0] =	wrdreg $0x60  }
0xb4: {  	[dreg:$0x2] =	wrdreg s17  }
0xb5: {  	[dreg:$0x3] =	wrdreg s16  }
0xb6: {  	[dreg:$0x4] =	wrdreg s24  }
0xb7: {  	[dreg:$0x5] =	wrdreg $0x140000  }
0xb8: {  	[dreg:$0x6] =	wrdreg $0x9  }
0xb9: {  	_ =	task.clear_ibuf [dreg:s8], $0x7FFFF;
	_ =	strace $0x90000046  }
0xba: {  	s29 =	simm.s32 $0x9;
	_ =	strace $0x80000048  }
0xbb: {  	_ =	swait.ge [sflag:s29], $0x1  }
0xbc: {  	[sflag:s29] =	ssyncadd.s32 $0xFFFFFFFF  }
0xbd: {  	_ =	strace $0x90000048  }
0xbe: {  	_ =	sfence  }
0xbf: {  	s30 =	sld [smem:$0x0];
	_ =	sdelay $0x2  }
0xc0: {  	s31 =	sshll.u32 s1, $0xD;
	s1 =	sshrl.u32 s1, $0x2  }
0xc1: {  	s3 =	sand.u32 $0x4000, s31;
	s1 =	sadd.s32 s1, s30  }
0xc2: {  	s0 =	sor.u32 s3, s0;
	s1 =	sshll.u32 s1, $0x11  }
0xc3: {  	s0 =	sor.u32 s1, s0  }
0xc4: {  	s0 =	sadd.s32 $0x8F2B, s0  }
0xc5: {  	[sflag:s0] =	ssyncadd.remote.s32 $0x1  }
0xc6: {  	_ =	sfence.sel $0xFFFF  }
0xc7: {  	[dreg:$0x0] =	wrdreg $0xFFFFFFFF;
	(pc) =	sbr.abs _section_cstart, $3  }
0xc8: {  	[dreg:$0x1] =	wrdreg $0xFFFFFFFF  }
0xc9: {  	_ =	task.clear_ibuf [dreg:s8], $0x2FFFF;
	_ =	strace $0x9FFFFFFF  }
0xca: {  	(tm) =	ssettm $0x7FFFFFFF  }
0xcb: {  	_ =	shalt  }
tec
execute0_lowered:
.L_overlay_start_1:
0x0: {  	(tag) =	ssettag $0x1  }
0x1: {  	s1 =	rddreg [dreg:$0x0]  }
0x2: {  	s0 =	rddreg [dreg:$0x1]  }
0x3: {  	s2 =	rddreg [dreg:$0x2]  }
0x4: {  	s3 =	rddreg [dreg:$0x3]  }
0x5: {  	s10 =	stileid.u32;
	s5 =	srdreg.scid  }
0x6: {  	s6 =	simm.s32 $0x0;
	s14 =	simm.s32 $0xB;
	s15 =	simm.s32 $0x5000  }
0x7: {  	s16 =	simm.s32 $0xA000;
	s17 =	simm.s32 $0x80;
	s18 =	simm.s32 $0xC000  }
0x8: {  	s20 =	simm.s32 $0xE000;
	s29 =	simm.s32 $0x6;
	s4 =	smul.u32 $0x5000, s10  }
0x9: {  	s30 =	simm.s32 $0x3;
	s31 =	simm.s32 $0x7;
	s7 =	smul.u32 $0xA000, s10  }
0xa: {  	s19 =	simm.s32 $0x5;
	s5 =	sand.u32 $0x1, s5;
	s10 =	smul.u32 $0x28000, s10  }
0xb: {  	s21 =	simm.s32 $0x9;
	s28 =	simm.s32 $0x0;
	s22 =	smul.u32 $0xA0000, s5  }
0xc: {  	[smem:$0x7FF] =	sst s6;
	s9 =	smul.u32 $0x50000, s5;
	s5 =	ssub.s32 $0x2, s5  }
0xd: {  	_ =	strace $0x80000047;
	s8 =	sshrl.u32 s4, $0x3;
	s23 =	sshrl.u32 s5, $0x1  }
0xe: {  	s24 =	sshrl.u32 s10, $0x2;
	s8 =	sadd.s32 s8, s2;
	s6 =	sadd.s32 s7, s22  }
0xf: {  	s4 =	sadd.s32 s4, s9;
	s5 =	ssub.s32 s5, s23;
	s26 =	sadd.s32 s24, s3  }
0x10: {  	s7 =	sadd.s32 s7, s3;
	s22 =	simm.s32 $0x10000;
	s23 =	simm.s32 $0x1  }
0x11: {  	s24 =	simm.s32 $0xA;
	s6 =	sshrl.u32 s6, $0x3;
	s4 =	sshrl.u32 s4, $0x3  }
0x12: {  	s25 =	sadd.s32 $0x5000, s8;
	s8 =	sadd.s32 $0x2000, s26;
	s9 =	sadd.s32 $0x4000, s26  }
0x13: {  	s10 =	sadd.s32 $0x6000, s26;
	s11 =	sadd.s32 $0x8000, s26;
	s13 =	smax.u32 s5, $0x1  }
0x14: {  	s26 =	simm.s32 $0x2;
	s0 =	sadd.s32 s0, s4;
	[dreg:$0x6] =	wrdreg s25  }
0x15: {  	s2 =	sadd.s32 s6, s2;
	s25 =	simm.s32 $0x12000;
	[dreg:$0x5] =	wrdreg s0  }
0x16: {  	v0 =	vimm.f32 $0.0e+00;
	s12 =	sadd.s32 $0xF000, s2;
	s0 =	simm.s32 $0x4;
	s2 =	simm.s32 $0x8  }
.LBB2_1:
0x17: {  	s4 =	simm.s32 $0x0;
	s5 =	rddreg [dreg:$0x5]  }
0x18: {  	[tilespmem:s4], [sflag:$0xB] =	stream.linear.gather [hbm4b:s5+s4], $0x5000, $0x38;
	[tilespmem:$0x1E000] =	vst v63  }
0x19: {  	_ =	swait.ge [sflag:s14], $0x5000  }
0x1a: {  	[sflag:s14] =	ssyncset.done $0x0  }
0x1b: {  	s6 =	rddreg [dreg:$0x6];
	[sflag:s14] =	ssyncadd.s32 $0xFFFFB000  }
0x1c: {  	[tilespmem:s15], [sflag:$0xB] =	stream.linear.gather [hbm4b:s6+s4], $0x5000, $0x38;
	[tilespmem:$0x1E000] =	vst v63  }
0x1d: {  	_ =	swait.ge [sflag:s14], $0x5000  }
0x1e: {  	[sflag:s14] =	ssyncset.done $0x0  }
0x1f: {  	s5 =	simm.s32 $0x100;
	s4 =	simm.s32 $0x0;
	[sflag:s14] =	ssyncadd.s32 $0xFFFFB000  }
.LBB2_2:
0x20: {  	p0 =	sne.s32 s5, $0x7F00;
	[tilespmem:s4+$0xA030] =	vst v0;
	s6 =	smov.u32 s5;
	s5 =	sadd.s32 $0x100, s5  }
.Ltmp0:
0x21: {  	[tilespmem:s4+$0xA020] =	vst v0;
	(pc) =	sbr.rel @p0 .LBB2_2-.Ltmp0, $3  }
0x22: {  	[tilespmem:s4+$0xA000] =	vst v0  }
0x23: {  	[tilespmem:s4+$0xA010] =	vst v0;
	_ =	sdelay $0x1  }
0x24: {  	s4 =	sshra.s32 s6, $0x2  }
0x25: {  	[tilespmem:s4+$0xA030] =	vst v0  }
0x26: {  	[tilespmem:s4+$0xA020] =	vst v0  }
0x27: {  	[tilespmem:s4+$0xA000] =	vst v0  }
0x28: {  	[tilespmem:s4+$0xA010] =	vst v0  }
0x29: {  	[spmem:s7] =	stream.linear.scatter [tilespmem:s16], [sflag:$0xB], $0x2000, $0x38;
	[tilespmem:$0x1E000] =	vst v63  }
0x2a: {  	_ =	swait.ge [sflag:s14], $0x2000  }
0x2b: {  	[sflag:s14] =	ssyncset.done $0x0  }
0x2c: {  	[sflag:s14] =	ssyncadd.s32 $0xFFFFE000  }
0x2d: {  	[spmem:s8] =	stream.linear.scatter [tilespmem:s16], [sflag:$0xB], $0x2000, $0x38;
	[tilespmem:$0x1E000] =	vst v63  }
0x2e: {  	_ =	swait.ge [sflag:s14], $0x2000  }
0x2f: {  	[sflag:s14] =	ssyncset.done $0x0  }
0x30: {  	[sflag:s14] =	ssyncadd.s32 $0xFFFFE000  }
0x31: {  	[spmem:s9] =	stream.linear.scatter [tilespmem:s16], [sflag:$0xB], $0x2000, $0x38;
	[tilespmem:$0x1E000] =	vst v63  }
0x32: {  	_ =	swait.ge [sflag:s14], $0x2000  }
0x33: {  	[sflag:s14] =	ssyncset.done $0x0  }
0x34: {  	[sflag:s14] =	ssyncadd.s32 $0xFFFFE000  }
0x35: {  	[spmem:s10] =	stream.linear.scatter [tilespmem:s16], [sflag:$0xB], $0x2000, $0x38;
	[tilespmem:$0x1E000] =	vst v63  }
0x36: {  	_ =	swait.ge [sflag:s14], $0x2000  }
0x37: {  	[sflag:s14] =	ssyncset.done $0x0  }
0x38: {  	[sflag:s14] =	ssyncadd.s32 $0xFFFFE000  }
0x39: {  	[spmem:s11] =	stream.linear.scatter [tilespmem:s16], [sflag:$0xB], $0x2000, $0x38;
	[tilespmem:$0x1E000] =	vst v63  }
0x3a: {  	_ =	swait.ge [sflag:s14], $0x2000  }
0x3b: {  	[sflag:s14] =	ssyncset.done $0x0  }
0x3c: {  	[sflag:s14] =	ssyncadd.s32 $0xFFFFE000  }
0x3d: {  	s5 =	simm.s32 $0x0;
	[bflag:$0x0] =	sbarrier.arrive $0xFFFF  }
0x3e: {  	[tilespmem:s16], [sflag:$0x1] =	stream.indirect.gather [hbm4b:s1+s17], $0x40, s5, s17, $0xb8;
	[tilespmem:$0x1E000] =	vst v63  }
0x3f: {  	_ = 	snop  }
0x40: {  	[tilespmem:s18], [sflag:$0x2] =	stream.indirect.gather [hbm4b:s1+s17], $0x40, s17, s17, $0xb8;
	[tilespmem:$0x1E000] =	vst v63  }
0x41: {  	s6 =	simm.s32 $0x100  }
0x42: {  	[tilespmem:s20], [sflag:$0x3] =	stream.indirect.gather [hbm4b:s1+s17], $0x40, s6, s17, $0xb8;
	[tilespmem:$0x1E000] =	vst v63  }
0x43: {  	s5 =	simm.s32 $0x180  }
0x44: {  	[tilespmem:s22], [sflag:$0x4] =	stream.indirect.gather [hbm4b:s1+s17], $0x40, s5, s17, $0xb8;
	[tilespmem:$0x1E000] =	vst v63  }
0x45: {  	_ =	swait.ge [sflag:s23], $0x2000  }
0x46: {  	[sflag:s23] =	ssyncset.done $0x0  }
0x47: {  	[sflag:s23] =	ssyncadd.s32 $0xFFFFE000  }
0x48: {  	[spmem:s3] =	stream.indirect.scatter.add.f32 [tilespmem:s16], [sflag:$0x6], $0x40, s15, s17, $0xb8;
	[tilespmem:$0x1E000] =	vst v63  }
0x49: {  	s6 =	simm.s32 $0x200  }
0x4a: {  	[tilespmem:s25], [sflag:$0x5] =	stream.indirect.gather [hbm4b:s1+s17], $0x40, s6, s17, $0xb8;
	[tilespmem:$0x1E000] =	vst v63  }
0x4b: {  	_ =	swait.ge [sflag:s26], $0x2000  }
0x4c: {  	[sflag:s26] =	ssyncset.done $0x0  }
0x4d: {  	s5 =	simm.s32 $0x5080;
	[sflag:s26] =	ssyncadd.s32 $0xFFFFE000  }
0x4e: {  	[spmem:s3] =	stream.indirect.scatter.add.f32 [tilespmem:s18], [sflag:$0x7], $0x40, s5, s17, $0xb8;
	[tilespmem:$0x1E000] =	vst v63  }
0x4f: {  	_ =	swait.ge [sflag:s29], $0x2000  }
0x50: {  	[sflag:s29] =	ssyncset.done $0x0  }
0x51: {  	s6 =	simm.s32 $0x280;
	[sflag:s29] =	ssyncadd.s32 $0xFFFFE000  }
0x52: {  	[tilespmem:s16], [sflag:$0x1] =	stream.indirect.gather [hbm4b:s1+s17], $0x40, s6, s17, $0xb8;
	[tilespmem:$0x1E000] =	vst v63  }
0x53: {  	_ =	swait.ge [sflag:s30], $0x2000  }
0x54: {  	[sflag:s30] =	ssyncset.done $0x0  }
0x55: {  	s5 =	simm.s32 $0x5100;
	[sflag:s30] =	ssyncadd.s32 $0xFFFFE000  }
0x56: {  	[spmem:s3] =	stream.indirect.scatter.add.f32 [tilespmem:s20], [sflag:$0x8], $0x40, s5, s17, $0xb8;
	[tilespmem:$0x1E000] =	vst v63  }
0x57: {  	_ =	swait.ge [sflag:s31], $0x2000  }
0x58: {  	[sflag:s31] =	ssyncset.done $0x0  }
0x59: {  	s6 =	simm.s32 $0x300;
	[sflag:s31] =	ssyncadd.s32 $0xFFFFE000  }
0x5a: {  	[tilespmem:s18], [sflag:$0x2] =	stream.indirect.gather [hbm4b:s1+s17], $0x40, s6, s17, $0xb8;
	[tilespmem:$0x1E000] =	vst v63  }
0x5b: {  	_ =	swait.ge [sflag:s0], $0x2000  }
0x5c: {  	[sflag:s0] =	ssyncset.done $0x0  }
0x5d: {  	s5 =	simm.s32 $0x5180;
	[sflag:s0] =	ssyncadd.s32 $0xFFFFE000  }
0x5e: {  	[spmem:s3] =	stream.indirect.scatter.add.f32 [tilespmem:s22], [sflag:$0x9], $0x40, s5, s17, $0xb8;
	[tilespmem:$0x1E000] =	vst v63  }
0x5f: {  	_ =	swait.ge [sflag:s2], $0x2000  }
0x60: {  	[sflag:s2] =	ssyncset.done $0x0  }
0x61: {  	s6 =	simm.s32 $0x380;
	[sflag:s2] =	ssyncadd.s32 $0xFFFFE000  }
0x62: {  	[tilespmem:s20], [sflag:$0x3] =	stream.indirect.gather [hbm4b:s1+s17], $0x40, s6, s17, $0xb8;
	[tilespmem:$0x1E000] =	vst v63  }
0x63: {  	_ =	swait.ge [sflag:s19], $0x2000  }
0x64: {  	[sflag:s19] =	ssyncset.done $0x0  }
0x65: {  	s5 =	simm.s32 $0x5200;
	[sflag:s19] =	ssyncadd.s32 $0xFFFFE000  }
0x66: {  	[spmem:s3] =	stream.indirect.scatter.add.f32 [tilespmem:s25], [sflag:$0xA], $0x40, s5, s17, $0xb8;
	[tilespmem:$0x1E000] =	vst v63  }
0x67: {  	_ =	swait.ge [sflag:s21], $0x2000  }
0x68: {  	[sflag:s21] =	ssyncset.done $0x0  }
0x69: {  	s6 =	simm.s32 $0x400;
	[sflag:s21] =	ssyncadd.s32 $0xFFFFE000  }
0x6a: {  	[tilespmem:s22], [sflag:$0x4] =	stream.indirect.gather [hbm4b:s1+s17], $0x40, s6, s17, $0xb8;
	[tilespmem:$0x1E000] =	vst v63  }
0x6b: {  	_ =	swait.ge [sflag:s23], $0x2000  }
0x6c: {  	[sflag:s23] =	ssyncset.done $0x0  }
0x6d: {  	s5 =	simm.s32 $0x5280;
	[sflag:s23] =	ssyncadd.s32 $0xFFFFE000  }
0x6e: {  	[spmem:s3] =	stream.indirect.scatter.add.f32 [tilespmem:s16], [sflag:$0x6], $0x40, s5, s17, $0xb8;
	[tilespmem:$0x1E000] =	vst v63  }
0x6f: {  	_ =	swait.ge [sflag:s24], $0x2000  }
0x70: {  	[sflag:s24] =	ssyncset.done $0x0  }
0x71: {  	s6 =	simm.s32 $0x480;
	[sflag:s24] =	ssyncadd.s32 $0xFFFFE000  }
0x72: {  	[tilespmem:s25], [sflag:$0x5] =	stream.indirect.gather [hbm4b:s1+s17], $0x40, s6, s17, $0xb8;
	[tilespmem:$0x1E000] =	vst v63  }
0x73: {  	_ =	swait.ge [sflag:s26], $0x2000  }
0x74: {  	[sflag:s26] =	ssyncset.done $0x0  }
0x75: {  	s4 =	simm.s32 $0xA00;
	s5 =	simm.s32 $0x5300;
	[sflag:s26] =	ssyncadd.s32 $0xFFFFE000  }
.LBB2_4:
0x76: {  	[spmem:s3] =	stream.indirect.scatter.add.f32 [tilespmem:s18], [sflag:$0x7], $0x40, s5, s17, $0xb8;
	[tilespmem:$0x1E000] =	vst v63  }
0x77: {  	s5 =	smov.u32 s4  }
0x78: {  	p0 =	sne.s32 s4, $0x12C00;
	s4 =	sadd.s32 $0xA00, s4;
	_ =	swait.ge [sflag:s29], $0x2000  }
0x79: {  	s5 =	sshra.s32 s5, $0x2;
	[sflag:s29] =	ssyncset.done $0x0  }
0x7a: {  	s6 =	sadd.s32 $0x280, s5;
	[sflag:s29] =	ssyncadd.s32 $0xFFFFE000  }
0x7b: {  	[tilespmem:s16], [sflag:$0x1] =	stream.indirect.gather [hbm4b:s1+s17], $0x40, s6, s17, $0xb8;
	[tilespmem:$0x1E000] =	vst v63  }
0x7c: {  	_ =	swait.ge [sflag:s30], $0x2000  }
0x7d: {  	[sflag:s30] =	ssyncset.done $0x0  }
0x7e: {  	s6 =	sadd.s32 $0x5100, s5;
	[sflag:s30] =	ssyncadd.s32 $0xFFFFE000  }
0x7f: {  	[spmem:s3] =	stream.indirect.scatter.add.f32 [tilespmem:s20], [sflag:$0x8], $0x40, s6, s17, $0xb8;
	[tilespmem:$0x1E000] =	vst v63  }
0x80: {  	_ =	swait.ge [sflag:s31], $0x2000  }
0x81: {  	[sflag:s31] =	ssyncset.done $0x0  }
0x82: {  	s6 =	sadd.s32 $0x300, s5;
	[sflag:s31] =	ssyncadd.s32 $0xFFFFE000  }
0x83: {  	[tilespmem:s18], [sflag:$0x2] =	stream.indirect.gather [hbm4b:s1+s17], $0x40, s6, s17, $0xb8;
	[tilespmem:$0x1E000] =	vst v63  }
0x84: {  	_ =	swait.ge [sflag:s0], $0x2000  }
0x85: {  	[sflag:s0] =	ssyncset.done $0x0  }
0x86: {  	s6 =	sadd.s32 $0x5180, s5;
	[sflag:s0] =	ssyncadd.s32 $0xFFFFE000  }
0x87: {  	[spmem:s3] =	stream.indirect.scatter.add.f32 [tilespmem:s22], [sflag:$0x9], $0x40, s6, s17, $0xb8;
	[tilespmem:$0x1E000] =	vst v63  }
0x88: {  	_ =	swait.ge [sflag:s2], $0x2000  }
0x89: {  	[sflag:s2] =	ssyncset.done $0x0  }
0x8a: {  	s6 =	sadd.s32 $0x380, s5;
	[sflag:s2] =	ssyncadd.s32 $0xFFFFE000  }
0x8b: {  	[tilespmem:s20], [sflag:$0x3] =	stream.indirect.gather [hbm4b:s1+s17], $0x40, s6, s17, $0xb8;
	[tilespmem:$0x1E000] =	vst v63  }
0x8c: {  	_ =	swait.ge [sflag:s19], $0x2000  }
0x8d: {  	[sflag:s19] =	ssyncset.done $0x0  }
0x8e: {  	s6 =	sadd.s32 $0x5200, s5;
	[sflag:s19] =	ssyncadd.s32 $0xFFFFE000  }
0x8f: {  	[spmem:s3] =	stream.indirect.scatter.add.f32 [tilespmem:s25], [sflag:$0xA], $0x40, s6, s17, $0xb8;
	[tilespmem:$0x1E000] =	vst v63  }
0x90: {  	_ =	swait.ge [sflag:s21], $0x2000  }
0x91: {  	[sflag:s21] =	ssyncset.done $0x0  }
0x92: {  	s6 =	sadd.s32 $0x400, s5;
	[sflag:s21] =	ssyncadd.s32 $0xFFFFE000  }
0x93: {  	[tilespmem:s22], [sflag:$0x4] =	stream.indirect.gather [hbm4b:s1+s17], $0x40, s6, s17, $0xb8;
	[tilespmem:$0x1E000] =	vst v63  }
0x94: {  	_ =	swait.ge [sflag:s23], $0x2000  }
0x95: {  	[sflag:s23] =	ssyncset.done $0x0  }
0x96: {  	s6 =	sadd.s32 $0x5280, s5;
	[sflag:s23] =	ssyncadd.s32 $0xFFFFE000  }
0x97: {  	[spmem:s3] =	stream.indirect.scatter.add.f32 [tilespmem:s16], [sflag:$0x6], $0x40, s6, s17, $0xb8;
	[tilespmem:$0x1E000] =	vst v63  }
0x98: {  	_ =	swait.ge [sflag:s24], $0x2000  }
0x99: {  	[sflag:s24] =	ssyncset.done $0x0  }
.Ltmp1:
0x9a: {  	s6 =	sadd.s32 $0x480, s5;
	[sflag:s24] =	ssyncadd.s32 $0xFFFFE000;
	(pc) =	sbr.rel @p0 .LBB2_4-.Ltmp1, $4  }
0x9b: {  	[tilespmem:s25], [sflag:$0x5] =	stream.indirect.gather [hbm4b:s1+s17], $0x40, s6, s17, $0xb8;
	[tilespmem:$0x1E000] =	vst v63  }
0x9c: {  	_ =	swait.ge [sflag:s26], $0x2000  }
0x9d: {  	[sflag:s26] =	ssyncset.done $0x0  }
0x9e: {  	s5 =	sadd.s32 $0x5300, s5;
	[sflag:s26] =	ssyncadd.s32 $0xFFFFE000  }
0x9f: {  	[spmem:s3] =	stream.indirect.scatter.add.f32 [tilespmem:s18], [sflag:$0x7], $0x40, s5, s17, $0xb8;
	[tilespmem:$0x1E000] =	vst v63  }
0xa0: {  	_ =	swait.ge [sflag:s30], $0x2000  }
0xa1: {  	[sflag:s30] =	ssyncset.done $0x0  }
0xa2: {  	s4 =	simm.s32 $0x9E80;
	[sflag:s30] =	ssyncadd.s32 $0xFFFFE000  }
0xa3: {  	[spmem:s3] =	stream.indirect.scatter.add.f32 [tilespmem:s20], [sflag:$0x8], $0x40, s4, s17, $0xb8;
	[tilespmem:$0x1E000] =	vst v63  }
0xa4: {  	_ =	swait.ge [sflag:s0], $0x2000  }
0xa5: {  	[sflag:s0] =	ssyncset.done $0x0  }
0xa6: {  	s5 =	simm.s32 $0x9F00;
	[sflag:s0] =	ssyncadd.s32 $0xFFFFE000  }
0xa7: {  	[spmem:s3] =	stream.indirect.scatter.add.f32 [tilespmem:s22], [sflag:$0x9], $0x40, s5, s17, $0xb8;
	[tilespmem:$0x1E000] =	vst v63  }
0xa8: {  	_ =	swait.ge [sflag:s19], $0x2000  }
0xa9: {  	[sflag:s19] =	ssyncset.done $0x0  }
0xaa: {  	s6 =	simm.s32 $0x9F80;
	[sflag:s19] =	ssyncadd.s32 $0xFFFFE000  }
0xab: {  	[spmem:s3] =	stream.indirect.scatter.add.f32 [tilespmem:s25], [sflag:$0xA], $0x40, s6, s17, $0xb8;
	[tilespmem:$0x1E000] =	vst v63  }
0xac: {  	_ =	swait.ge [sflag:s29], $0x2000  }
0xad: {  	[sflag:s29] =	ssyncset.done $0x0  }
0xae: {  	[sflag:s29] =	ssyncadd.s32 $0xFFFFE000  }
0xaf: {  	_ =	swait.ge [sflag:s31], $0x2000  }
0xb0: {  	[sflag:s31] =	ssyncset.done $0x0  }
0xb1: {  	[sflag:s31] =	ssyncadd.s32 $0xFFFFE000  }
0xb2: {  	_ =	swait.ge [sflag:s2], $0x2000  }
0xb3: {  	[sflag:s2] =	ssyncset.done $0x0  }
0xb4: {  	[sflag:s2] =	ssyncadd.s32 $0xFFFFE000  }
0xb5: {  	_ =	swait.ge [sflag:s21], $0x2000  }
0xb6: {  	[sflag:s21] =	ssyncset.done $0x0  }
0xb7: {  	[sflag:s21] =	ssyncadd.s32 $0xFFFFE000  }
0xb8: {  	s5 =	stileid.u32;
	_ =	swait.ge [sflag:s24], $0x2000  }
0xb9: {  	s28 =	sadd.s32 $0x1, s28;
	s4 =	sshll.u32 s5, $0x6;
	[sflag:s24] =	ssyncset.done $0x0  }
0xba: {  	p0 =	sne.s32 s28, s13;
	s4 =	sor.u32 $0x1C0B, s4;
	[sflag:s24] =	ssyncadd.s32 $0xFFFFE000  }
.Ltmp2:
0xbb: {  	s6 =	sshrl.u32 s7, $0x3;
	[bflag:$0x0] =	sbarrier.arrive $0xFFFF;
	(pc) =	sbr.rel @p0 .LBB2_1-.Ltmp2, $4  }
0xbc: {  	[hbm:s12], [sflag:s4] =	dma.local [spmem:s6], $0x1400  }
0xbd: {  	_ =	swait.ge [sflag:s14], $0x1400  }
0xbe: {  	[sflag:s14] =	ssyncset.done $0x0  }
0xbf: {  	[sflag:s14] =	ssyncadd.s32 $0xFFFFEC00  }
0xc0: {  	_ =	sfence.sel $0x180000  }
0xc1: {  	[bflag:$0x0] =	sbarrier.arrive $0xFFFF  }
0xc2: {  	_ =	strace $0x90000047  }
0xc3: {  	s0 =	stileid.u32;
	[bflag:$0x2] =	sbarrier.arrive $0xFFFF  }
0xc4: {  	p0 =	sne.s32 s0, $0x0;
	s0 =	rddreg [dreg:$0x4]  }
0xc5: {  	s0 =	sadd.s32 @!p0 $0x100000, s0  }
0xc6: {  	[sflag:s0] =	ssyncadd.tile.s32 @!p0 $0x1;
	_ =	shalt  }
.Lfunc_end2:
_tile_overlayer_lowered:
.L_overlay_start_2:
0xc7: {  	(tag) =	ssettag $0x2  }
0xc8: {  	s0 =	rddreg [dreg:$0x0];
	s2 =	stileid.u32  }
0xc9: {  	s1 =	rddreg [dreg:$0x1];
	p0 =	sne.s32 s2, $0x0  }
0xca: {  	s3 =	rddreg [dreg:$0x2];
	[bflag:$0x3] =	sbarrier.arrive $0xFFFF;
	s2 =	simm.s32 @!p0 $0x1C0B  }
0xcb: {  	[timem:s3], [sflag:s2] =	dma.local @!p0 [hbm:s0], s1  }
0xcc: {  	s0 =	simm.s32 @!p0 $0xB  }
0xcd: {  	_ =	swait.ge @!p0 [sflag:s0], s1  }
0xce: {  	s1 =	ssub.s32 @!p0 $0x0, s1;
	[sflag:s0] =	ssyncset.done @!p0 $0x0  }
0xcf: {  	[sflag:s0] =	ssyncadd.s32 @!p0 s1  }
0xd0: {  	[bflag:$0x3] =	sbarrier.arrive $0xFFFF  }
0xd1: {  	_ =	shalt  }

// kernel: kernel.13.cloned.1.call-start
scs
__scs_entry_jumppad:
0x0: {  	(pc) =	sbr.rel $0x88, $3  }
0x1: {  	(tag) =	ssettag $0x0;
	lr =	simm.s32 $0x1  }
0x2: {  	[smem:$0x3F96] =	sst lr;
	_ =	strace $0xD0000000  }
0x3: {  	_ = 	snop  }
0x4: {  	_ = 	snop  }
0x5: {  	_ = 	snop  }
0x6: {  	_ = 	snop  }
0x7: {  	_ = 	snop  }
__scs_overlays_trampoline_lowered:
0x8: {  	[smem:$0x3FA5] =	sst s0  }
0x9: {  	[smem:$0x3FA6] =	sst s1  }
0xa: {  	[smem:$0x3FA7] =	sst s2  }
0xb: {  	[smem:$0x3FA8] =	sst s3  }
0xc: {  	[smem:$0x3FA9] =	sst s4  }
0xd: {  	[smem:$0x3FAA] =	sst s5  }
0xe: {  	[smem:$0x3FAB] =	sst s6  }
0xf: {  	[smem:$0x3FAC] =	sst s7  }
0x10: {  	[smem:$0x3FAD] =	sst s8  }
0x11: {  	[smem:$0x3FAE] =	sst s9;
	s0 =	simm.s32 @!p0 $0x0  }
0x12: {  	s1 =	sld [smem:$0x3F94];
	s0 =	simm.s32 @p0 $0x1  }
0x13: {  	[smem:$0x3FAF] =	sst s0;
	s0 =	simm.s32 @!p1 $0x0  }
0x14: {  	s2 =	sld [smem:$0x3F93];
	s0 =	simm.s32 @p1 $0x1  }
0x15: {  	[smem:$0x3FB0] =	sst s0;
	s0 =	simm.s32 @!p2 $0x0  }
0x16: {  	s3 =	sld [smem:$0x3FDB];
	s0 =	simm.s32 @p2 $0x1  }
0x17: {  	s4 =	simm.s32 $0x1BF5;
	[smem:$0x3FB2] =	sst s0  }
0x18: {  	s0 =	sld [smem:$0x3F95];
	_ =	swait.ge [sflag:s4], $0x0  }
0x19: {  	s7 =	sld [smem:$0x3F96]  }
0x1a: {  	s8 =	sadd.s32 $0xFFFFE003, lr  }
0x1b: {  	s9 =	sadd.s32 $0xFFFFFEF7, lr;
	s5 =	simm.s32 $0xFFFFFFFF;
	p2 =	slt.u32 s8, $0xFFFFF086  }
0x1c: {  	p1 =	slt.u32 s9, $0xF7A;
	s5 =	simm.s32 @!p2 $0x0  }
0x1d: {  	s5 =	simm.s32 @p1 $0x1;
	p0 =	seq.s32 s7, s2  }
0x1e: {  	s7 =	smul.u32 @!p0 $0xF7A, s2;
	p2 =	seq.s32 @!p0 s5, $0x0  }
0x1f: {  	s9 =	smul.u32 $0xF7A, s1;
	s8 =	simm.s32 @!p0 $0x1BF5;
	p2 =	por !p2, p0  }
0x20: {  	[sflag:s8] =	ssyncset.s32 @!p0 $0xFFFFF086;
	s6 =	sadd.s32 @!p0 s3, s7;
	s7 =	simm.s32 @!p0 $0x108  }
0x21: {  	s3 =	sadd.s32 s3, s9;
	s6 =	sadd.s32 @!p0 $0x88, s6;
	s7 =	simm.s32 @p2 $0x1082  }
0x22: {  	[simem:s7], [sflag:s8] =	dma.local @!p0 [hbm:s6], $0xF7A  }
0x23: {  	s9 =	sor.u32 $0xD0000000, s2;
	s6 =	simm.s32 $0x108;
	_ =	swait.ge @!p0 [sflag:s8], $0x0  }
0x24: {  	s3 =	sadd.s32 $0x88, s3;
	s6 =	simm.s32 @!p1 $0x1082;
	[sflag:s4] =	ssyncset.s32 $0xFFFFF086  }
0x25: {  	[simem:s6], [sflag:s4] =	dma.local [hbm:s3], $0xF7A  }
0x26: {  	[smem:$0x3F96] =	sst s1;
	(tag) =	ssettag s2;
	_ =	strace s9  }
0x27: {  	s1 =	sld [smem:$0x3FA6]  }
0x28: {  	s2 =	sld [smem:$0x3FA7]  }
0x29: {  	s4 =	sld [smem:$0x3FA9]  }
0x2a: {  	p0 =	seq.s32 s5, $0x0;
	s5 =	sld [smem:$0x3FAA]  }
0x2b: {  	s6 =	sld [smem:$0x3FAB]  }
0x2c: {  	s7 =	sld [smem:$0x3FAC]  }
0x2d: {  	s3 =	simm.s32 $0x108;
	s8 =	sld [smem:$0x3FAD]  }
0x2e: {  	s3 =	simm.s32 @!p0 $0x1082;
	s9 =	sld [smem:$0x3FAE]  }
0x2f: {  	lr =	sadd.s32 s0, s3;
	s0 =	sld [smem:$0x3FA5]  }
0x30: {  	s3 =	sld [smem:$0x3FA8]  }
0x31: {  	[smem:$0x3FB1] =	sst s10  }
0x32: {  	s10 =	sld [smem:$0x3FAF];
	_ =	sdelay $0x3  }
0x33: {  	p0 =	seq.s32 s10, $0x1;
	s10 =	sld [smem:$0x3FB1];
	_ =	sdelay $0x3  }
0x34: {  	[smem:$0x3FB1] =	sst s10  }
0x35: {  	s10 =	sld [smem:$0x3FB0];
	_ =	sdelay $0x3  }
0x36: {  	p1 =	seq.s32 s10, $0x1;
	s10 =	sld [smem:$0x3FB1];
	_ =	sdelay $0x3  }
0x37: {  	[smem:$0x3FB1] =	sst s10  }
0x38: {  	s10 =	sld [smem:$0x3FB2]  }
0x39: {  	_ = 	snop;
	(pc) =	sbr.ind lr, $3  }
0x3a: {  	_ = 	snop  }
0x3b: {  	_ = 	snop  }
0x3c: {  	p2 =	seq.s32 s10, $0x1;
	s10 =	sld [smem:$0x3FB1]  }
0x3d: {  	_ =	shalt  }
0x3e: {  	_ =	shalt  }
0x3f: {  	_ =	shalt  }
0x40: {  	_ =	shalt  }
0x41: {  	_ =	shalt  }
0x42: {  	_ =	shalt  }
0x43: {  	_ =	shalt  }
0x44: {  	_ =	shalt  }
0x45: {  	_ =	shalt  }
0x46: {  	_ =	shalt  }
0x47: {  	_ =	shalt  }
0x48: {  	_ =	shalt  }
0x49: {  	_ =	shalt  }
0x4a: {  	_ =	shalt  }
0x4b: {  	_ =	shalt  }
0x4c: {  	_ =	shalt  }
0x4d: {  	_ =	shalt  }
0x4e: {  	_ =	shalt  }
0x4f: {  	_ =	shalt  }
0x50: {  	_ =	shalt  }
0x51: {  	_ =	shalt  }
0x52: {  	_ =	shalt  }
0x53: {  	_ =	shalt  }
0x54: {  	_ =	shalt  }
0x55: {  	_ =	shalt  }
0x56: {  	_ =	shalt  }
0x57: {  	_ =	shalt  }
0x58: {  	_ =	shalt  }
0x59: {  	_ =	shalt  }
0x5a: {  	_ =	shalt  }
0x5b: {  	_ =	shalt  }
0x5c: {  	_ =	shalt  }
0x5d: {  	_ =	shalt  }
0x5e: {  	_ =	shalt  }
0x5f: {  	_ =	shalt  }
0x60: {  	_ =	shalt  }
0x61: {  	_ =	shalt  }
0x62: {  	_ =	shalt  }
0x63: {  	_ =	shalt  }
0x64: {  	_ =	shalt  }
0x65: {  	_ =	shalt  }
0x66: {  	_ =	shalt  }
0x67: {  	_ =	shalt  }
0x68: {  	_ =	shalt  }
0x69: {  	_ =	shalt  }
0x6a: {  	_ =	shalt  }
0x6b: {  	_ =	shalt  }
0x6c: {  	_ =	shalt  }
0x6d: {  	_ =	shalt  }
0x6e: {  	_ =	shalt  }
0x6f: {  	_ =	shalt  }
0x70: {  	_ =	shalt  }
0x71: {  	_ =	shalt  }
0x72: {  	_ =	shalt  }
0x73: {  	_ =	shalt  }
0x74: {  	_ =	shalt  }
0x75: {  	_ =	shalt  }
0x76: {  	_ =	shalt  }
0x77: {  	_ =	shalt  }
0x78: {  	_ =	shalt  }
0x79: {  	_ =	shalt  }
0x7a: {  	_ =	shalt  }
0x7b: {  	_ =	shalt  }
0x7c: {  	_ =	shalt  }
0x7d: {  	_ =	shalt  }
0x7e: {  	_ =	shalt  }
0x7f: {  	_ =	shalt  }
0x80: {  	_ =	shalt  }
0x81: {  	_ =	shalt  }
0x82: {  	_ =	shalt  }
0x83: {  	_ =	shalt  }
0x84: {  	_ =	shalt  }
0x85: {  	_ =	shalt  }
0x86: {  	_ =	shalt  }
0x87: {  	_ =	shalt  }
.Lfunc_end0:
.L_simem_size_0:
called_computation.1_lowered:
.L_overlay_start_0:
0x88: {  	s2 =	sld [smem:$0x3FD9]  }
0x89: {  	s3 =	sld [smem:$0x3FFE];
	_ =	sdelay $0x1  }
0x8a: {  	s1 =	srdreg.scid  }
0x8b: {  	s0 =	sand.u32 $0x1, s1  }
0x8c: {  	s14 =	sshll.u32 s0, $0xA;
	s2 =	sadd.s32 s3, s2  }
0x8d: {  	s2 =	sadd.s32 s2, s14  }
0x8e: {  	[smem:$0x3FBD] =	sst s2  }
0x8f: {  	_ = 	snop  }
0x90: {  	s2 =	sld [smem:$0x3FD0];
	_ =	sdelay $0x2  }
0x91: {  	s15 =	simm.s32 $0xA;
	s4 =	simm.s32 $0x10  }
0x92: {  	[smem:s4], [sflag:s15] =	dma.local [hbm:s2], $0x1  }
0x93: {  	_ =	swait.eq [sflag:s15], $0x1  }
0x94: {  	[sflag:s15] =	ssyncset.done $0x0  }
0x95: {  	[sflag:s15] =	ssyncadd.s32 $0xFFFFFFFF  }
0x96: {  	s16 =	sld [smem:$0x10];
	(tm) =	ssettm $0x1  }
0x97: {  	s17 =	sld [smem:$0x3FFB];
	_ =	sdelay $0x3  }
0x98: {  	_ =	strace s17  }
0x99: {  	s3 =	sld [smem:$0x3FFC];
	_ =	sdelay $0x3  }
0x9a: {  	_ =	strace s3  }
0x9b: {  	s3 =	sld [smem:$0x3FFD];
	_ =	sdelay $0x3  }
0x9c: {  	_ =	strace s3  }
0x9d: {  	_ =	strace $0x8FFFFFFF  }
0x9e: {  	s18 =	sld [smem:$0x3FDB];
	_ =	sdelay $0x1  }
0x9f: {  	s19 =	simm.s32 $_scs_section_size  }
0xa0: {  	s5 =	simm.s32 $_size__tile_overlayer_lowered;
	s6 =	simm.s32 $_tile_overlayer_lowered  }
0xa1: {  	s22 =	simm.s32 $0x1BFF;
	s21 =	sshll.u32 s6, $0x1;
	s3 =	sadd.s32 s19, s18  }
0xa2: {  	s7 =	simm.s32 $0x0;
	s20 =	sshll.u32 s5, $0x1;
	s5 =	sadd.s32 s21, s3  }
0xa3: {  	[timem:s7], [sflag:s22] =	dma.local [hbm:s5], s20  }
0xa4: {  	_ =	swait.ge [sflag:s22], s20  }
0xa5: {  	s4 =	ssub.s32 $0x0, s20;
	[sflag:s22] =	ssyncset.done $0x0  }
0xa6: {  	[sflag:s22] =	ssyncadd.s32 s4;
	_ =	sdelay $0x1  }
0xa7: {  	s23 =	simm.s32 $0x1B8B  }
0xa8: {  	_ =	swait.ge [sflag:s23], $0x1  }
0xa9: {  	[sflag:s23] =	ssyncset.done $0x0  }
0xaa: {  	s25 =	simm.s32 $0x1B8E;
	s24 =	sld [smem:$0x3FFE];
	[sflag:s23] =	ssyncadd.s32 $0xFFFFFFFF  }
0xab: {  	s26 =	simm.s32 $execute0_lowered;
	[smem:$0x3FD2] =	sst s25  }
0xac: {  	s5 =	sshll.u32 s26, $0x1;
	_ =	strace $0x80000049;
	[dreg:$0x1] =	wrdreg $0xFFFFFFFF  }
0xad: {  	s28 =	simm.s32 $_size_execute0_lowered;
	s3 =	sadd.s32 s3, s5;
	[dreg:$0x0] =	wrdreg $0x0  }
0xae: {  	s5 =	sshll.u32 s28, $0x1;
	[dreg:$0x2] =	wrdreg s3  }
0xaf: {  	[dreg:$0x3] =	wrdreg s5  }
0xb0: {  	[dreg:$0x4] =	wrdreg $0xC0  }
0xb1: {  	_ =	task [dreg:s7], $0x5FFFF  }
0xb2: {  	[dreg:$0x1] =	wrdreg $0xFFFFFFFF  }
0xb3: {  	[dreg:$0x0] =	wrdreg $0x60  }
0xb4: {  	[dreg:$0x2] =	wrdreg s24  }
0xb5: {  	[dreg:$0x3] =	wrdreg s16  }
0xb6: {  	[dreg:$0x4] =	wrdreg $0x140000  }
0xb7: {  	[dreg:$0x5] =	wrdreg $0x9  }
0xb8: {  	_ =	task.clear_ibuf [dreg:s7], $0x6FFFF;
	_ =	strace $0x90000049  }
0xb9: {  	s29 =	simm.s32 $0x9;
	_ =	strace $0x8000004B  }
0xba: {  	_ =	swait.ge [sflag:s29], $0x1  }
0xbb: {  	[sflag:s29] =	ssyncadd.s32 $0xFFFFFFFF  }
0xbc: {  	_ =	strace $0x9000004B  }
0xbd: {  	_ =	sfence  }
0xbe: {  	s30 =	sld [smem:$0x0];
	_ =	sdelay $0x2  }
0xbf: {  	s31 =	sshll.u32 s1, $0xD;
	s1 =	sshrl.u32 s1, $0x2  }
0xc0: {  	s3 =	sand.u32 $0x4000, s31;
	s1 =	sadd.s32 s1, s30  }
0xc1: {  	s0 =	sor.u32 s3, s0;
	s1 =	sshll.u32 s1, $0x11  }
0xc2: {  	s0 =	sor.u32 s1, s0  }
0xc3: {  	s0 =	sadd.s32 $0x8F2B, s0  }
0xc4: {  	[sflag:s0] =	ssyncadd.remote.s32 $0x1  }
0xc5: {  	_ =	sfence.sel $0xFFFF  }
0xc6: {  	[dreg:$0x0] =	wrdreg $0xFFFFFFFF;
	(pc) =	sbr.abs _section_cstart, $3  }
0xc7: {  	[dreg:$0x1] =	wrdreg $0xFFFFFFFF  }
0xc8: {  	_ =	task.clear_ibuf [dreg:s7], $0x2FFFF;
	_ =	strace $0x9FFFFFFF  }
0xc9: {  	(tm) =	ssettm $0x7FFFFFFF  }
tec
execute0_lowered:
.L_overlay_start_1:
0x0: {  	(tag) =	ssettag $0x1  }
0x1: {  	s0 =	rddreg [dreg:$0x0]  }
0x2: {  	s1 =	rddreg [dreg:$0x1]  }
0x3: {  	s2 =	rddreg [dreg:$0x2]  }
0x4: {  	s10 =	stileid.u32;
	s4 =	srdreg.scid;
	s6 =	simm.s32 $0x0  }
0x5: {  	s14 =	simm.s32 $0xB;
	s15 =	simm.s32 $0x5000;
	s16 =	simm.s32 $0xA000  }
0x6: {  	s17 =	simm.s32 $0x80;
	s18 =	simm.s32 $0xC000;
	s20 =	simm.s32 $0xE000  }
0x7: {  	s29 =	simm.s32 $0x6;
	s30 =	simm.s32 $0x3;
	s3 =	smul.u32 $0x5000, s10  }
0x8: {  	s31 =	simm.s32 $0x7;
	s19 =	simm.s32 $0x5;
	s7 =	smul.u32 $0xA000, s10  }
0x9: {  	s21 =	simm.s32 $0x9;
	s5 =	sand.u32 $0x1, s4;
	s10 =	smul.u32 $0x28000, s10  }
0xa: {  	s28 =	simm.s32 $0x0;
	[smem:$0x7FF] =	sst s6;
	s22 =	smul.u32 $0xA0000, s5  }
0xb: {  	s4 =	sadd.s32 $0x36C400, s0;
	s9 =	smul.u32 $0x50000, s5;
	s5 =	ssub.s32 $0x2, s5  }
0xc: {  	_ =	strace $0x8000004A;
	s8 =	sshrl.u32 s3, $0x3;
	s23 =	sshrl.u32 s5, $0x1  }
0xd: {  	s24 =	sshrl.u32 s10, $0x2;
	s8 =	sadd.s32 s8, s0;
	s6 =	sadd.s32 s7, s22  }
0xe: {  	s3 =	sadd.s32 s3, s9;
	s5 =	ssub.s32 s5, s23;
	s26 =	sadd.s32 s24, s2  }
0xf: {  	s7 =	sadd.s32 s7, s2;
	s22 =	simm.s32 $0x10000;
	s23 =	simm.s32 $0x1  }
0x10: {  	s24 =	simm.s32 $0xA;
	s6 =	sshrl.u32 s6, $0x3;
	s3 =	sshrl.u32 s3, $0x3  }
0x11: {  	s25 =	sadd.s32 $0x5000, s8;
	s8 =	sadd.s32 $0x2000, s26;
	s9 =	sadd.s32 $0x4000, s26  }
0x12: {  	s10 =	sadd.s32 $0x6000, s26;
	s11 =	sadd.s32 $0x8000, s26;
	s13 =	smax.u32 s5, $0x1  }
0x13: {  	s26 =	simm.s32 $0x2;
	s1 =	sadd.s32 s1, s3;
	[dreg:$0x5] =	wrdreg s25  }
0x14: {  	s0 =	sadd.s32 s6, s0;
	s25 =	simm.s32 $0x12000;
	[dreg:$0x4] =	wrdreg s1  }
0x15: {  	v0 =	vimm.f32 $0.0e+00;
	s12 =	sadd.s32 $0x5F000, s0;
	s0 =	simm.s32 $0x4;
	s1 =	simm.s32 $0x8  }
.LBB2_1:
0x16: {  	s3 =	simm.s32 $0x0;
	s5 =	rddreg [dreg:$0x4]  }
0x17: {  	[tilespmem:s3], [sflag:$0xB] =	stream.linear.gather [hbm4b:s5+s3], $0x5000, $0x38;
	[tilespmem:$0x1E000] =	vst v63  }
0x18: {  	_ =	swait.ge [sflag:s14], $0x5000  }
0x19: {  	[sflag:s14] =	ssyncset.done $0x0  }
0x1a: {  	s6 =	rddreg [dreg:$0x5];
	[sflag:s14] =	ssyncadd.s32 $0xFFFFB000  }
0x1b: {  	[tilespmem:s15], [sflag:$0xB] =	stream.linear.gather [hbm4b:s6+s3], $0x5000, $0x38;
	[tilespmem:$0x1E000] =	vst v63  }
0x1c: {  	_ =	swait.ge [sflag:s14], $0x5000  }
0x1d: {  	[sflag:s14] =	ssyncset.done $0x0  }
0x1e: {  	s5 =	simm.s32 $0x100;
	s3 =	simm.s32 $0x0;
	[sflag:s14] =	ssyncadd.s32 $0xFFFFB000  }
.LBB2_2:
0x1f: {  	p0 =	sne.s32 s5, $0x7F00;
	[tilespmem:s3+$0xA030] =	vst v0;
	s6 =	smov.u32 s5;
	s5 =	sadd.s32 $0x100, s5  }
.Ltmp0:
0x20: {  	[tilespmem:s3+$0xA020] =	vst v0;
	(pc) =	sbr.rel @p0 .LBB2_2-.Ltmp0, $3  }
0x21: {  	[tilespmem:s3+$0xA000] =	vst v0  }
0x22: {  	[tilespmem:s3+$0xA010] =	vst v0;
	_ =	sdelay $0x1  }
0x23: {  	s3 =	sshra.s32 s6, $0x2  }
0x24: {  	[tilespmem:s3+$0xA030] =	vst v0  }
0x25: {  	[tilespmem:s3+$0xA020] =	vst v0  }
0x26: {  	[tilespmem:s3+$0xA000] =	vst v0  }
0x27: {  	[tilespmem:s3+$0xA010] =	vst v0  }
0x28: {  	[spmem:s7] =	stream.linear.scatter [tilespmem:s16], [sflag:$0xB], $0x2000, $0x38;
	[tilespmem:$0x1E000] =	vst v63  }
0x29: {  	_ =	swait.ge [sflag:s14], $0x2000  }
0x2a: {  	[sflag:s14] =	ssyncset.done $0x0  }
0x2b: {  	[sflag:s14] =	ssyncadd.s32 $0xFFFFE000  }
0x2c: {  	[spmem:s8] =	stream.linear.scatter [tilespmem:s16], [sflag:$0xB], $0x2000, $0x38;
	[tilespmem:$0x1E000] =	vst v63  }
0x2d: {  	_ =	swait.ge [sflag:s14], $0x2000  }
0x2e: {  	[sflag:s14] =	ssyncset.done $0x0  }
0x2f: {  	[sflag:s14] =	ssyncadd.s32 $0xFFFFE000  }
0x30: {  	[spmem:s9] =	stream.linear.scatter [tilespmem:s16], [sflag:$0xB], $0x2000, $0x38;
	[tilespmem:$0x1E000] =	vst v63  }
0x31: {  	_ =	swait.ge [sflag:s14], $0x2000  }
0x32: {  	[sflag:s14] =	ssyncset.done $0x0  }
0x33: {  	[sflag:s14] =	ssyncadd.s32 $0xFFFFE000  }
0x34: {  	[spmem:s10] =	stream.linear.scatter [tilespmem:s16], [sflag:$0xB], $0x2000, $0x38;
	[tilespmem:$0x1E000] =	vst v63  }
0x35: {  	_ =	swait.ge [sflag:s14], $0x2000  }
0x36: {  	[sflag:s14] =	ssyncset.done $0x0  }
0x37: {  	[sflag:s14] =	ssyncadd.s32 $0xFFFFE000  }
0x38: {  	[spmem:s11] =	stream.linear.scatter [tilespmem:s16], [sflag:$0xB], $0x2000, $0x38;
	[tilespmem:$0x1E000] =	vst v63  }
0x39: {  	_ =	swait.ge [sflag:s14], $0x2000  }
0x3a: {  	[sflag:s14] =	ssyncset.done $0x0  }
0x3b: {  	[sflag:s14] =	ssyncadd.s32 $0xFFFFE000  }
0x3c: {  	s5 =	simm.s32 $0x0;
	[bflag:$0x0] =	sbarrier.arrive $0xFFFF  }
0x3d: {  	[tilespmem:s16], [sflag:$0x1] =	stream.indirect.gather [hbm4b:s4+s17], $0x40, s5, s17, $0xb8;
	[tilespmem:$0x1E000] =	vst v63  }
0x3e: {  	_ = 	snop  }
0x3f: {  	[tilespmem:s18], [sflag:$0x2] =	stream.indirect.gather [hbm4b:s4+s17], $0x40, s17, s17, $0xb8;
	[tilespmem:$0x1E000] =	vst v63  }
0x40: {  	s6 =	simm.s32 $0x100  }
0x41: {  	[tilespmem:s20], [sflag:$0x3] =	stream.indirect.gather [hbm4b:s4+s17], $0x40, s6, s17, $0xb8;
	[tilespmem:$0x1E000] =	vst v63  }
0x42: {  	s5 =	simm.s32 $0x180  }
0x43: {  	[tilespmem:s22], [sflag:$0x4] =	stream.indirect.gather [hbm4b:s4+s17], $0x40, s5, s17, $0xb8;
	[tilespmem:$0x1E000] =	vst v63  }
0x44: {  	_ =	swait.ge [sflag:s23], $0x2000  }
0x45: {  	[sflag:s23] =	ssyncset.done $0x0  }
0x46: {  	[sflag:s23] =	ssyncadd.s32 $0xFFFFE000  }
0x47: {  	[spmem:s2] =	stream.indirect.scatter.add.f32 [tilespmem:s16], [sflag:$0x6], $0x40, s15, s17, $0xb8;
	[tilespmem:$0x1E000] =	vst v63  }
0x48: {  	s6 =	simm.s32 $0x200  }
0x49: {  	[tilespmem:s25], [sflag:$0x5] =	stream.indirect.gather [hbm4b:s4+s17], $0x40, s6, s17, $0xb8;
	[tilespmem:$0x1E000] =	vst v63  }
0x4a: {  	_ =	swait.ge [sflag:s26], $0x2000  }
0x4b: {  	[sflag:s26] =	ssyncset.done $0x0  }
0x4c: {  	s5 =	simm.s32 $0x5080;
	[sflag:s26] =	ssyncadd.s32 $0xFFFFE000  }
0x4d: {  	[spmem:s2] =	stream.indirect.scatter.add.f32 [tilespmem:s18], [sflag:$0x7], $0x40, s5, s17, $0xb8;
	[tilespmem:$0x1E000] =	vst v63  }
0x4e: {  	_ =	swait.ge [sflag:s29], $0x2000  }
0x4f: {  	[sflag:s29] =	ssyncset.done $0x0  }
0x50: {  	s6 =	simm.s32 $0x280;
	[sflag:s29] =	ssyncadd.s32 $0xFFFFE000  }
0x51: {  	[tilespmem:s16], [sflag:$0x1] =	stream.indirect.gather [hbm4b:s4+s17], $0x40, s6, s17, $0xb8;
	[tilespmem:$0x1E000] =	vst v63  }
0x52: {  	_ =	swait.ge [sflag:s30], $0x2000  }
0x53: {  	[sflag:s30] =	ssyncset.done $0x0  }
0x54: {  	s5 =	simm.s32 $0x5100;
	[sflag:s30] =	ssyncadd.s32 $0xFFFFE000  }
0x55: {  	[spmem:s2] =	stream.indirect.scatter.add.f32 [tilespmem:s20], [sflag:$0x8], $0x40, s5, s17, $0xb8;
	[tilespmem:$0x1E000] =	vst v63  }
0x56: {  	_ =	swait.ge [sflag:s31], $0x2000  }
0x57: {  	[sflag:s31] =	ssyncset.done $0x0  }
0x58: {  	s6 =	simm.s32 $0x300;
	[sflag:s31] =	ssyncadd.s32 $0xFFFFE000  }
0x59: {  	[tilespmem:s18], [sflag:$0x2] =	stream.indirect.gather [hbm4b:s4+s17], $0x40, s6, s17, $0xb8;
	[tilespmem:$0x1E000] =	vst v63  }
0x5a: {  	_ =	swait.ge [sflag:s0], $0x2000  }
0x5b: {  	[sflag:s0] =	ssyncset.done $0x0  }
0x5c: {  	s5 =	simm.s32 $0x5180;
	[sflag:s0] =	ssyncadd.s32 $0xFFFFE000  }
0x5d: {  	[spmem:s2] =	stream.indirect.scatter.add.f32 [tilespmem:s22], [sflag:$0x9], $0x40, s5, s17, $0xb8;
	[tilespmem:$0x1E000] =	vst v63  }
0x5e: {  	_ =	swait.ge [sflag:s1], $0x2000  }
0x5f: {  	[sflag:s1] =	ssyncset.done $0x0  }
0x60: {  	s6 =	simm.s32 $0x380;
	[sflag:s1] =	ssyncadd.s32 $0xFFFFE000  }
0x61: {  	[tilespmem:s20], [sflag:$0x3] =	stream.indirect.gather [hbm4b:s4+s17], $0x40, s6, s17, $0xb8;
	[tilespmem:$0x1E000] =	vst v63  }
0x62: {  	_ =	swait.ge [sflag:s19], $0x2000  }
0x63: {  	[sflag:s19] =	ssyncset.done $0x0  }
0x64: {  	s5 =	simm.s32 $0x5200;
	[sflag:s19] =	ssyncadd.s32 $0xFFFFE000  }
0x65: {  	[spmem:s2] =	stream.indirect.scatter.add.f32 [tilespmem:s25], [sflag:$0xA], $0x40, s5, s17, $0xb8;
	[tilespmem:$0x1E000] =	vst v63  }
0x66: {  	_ =	swait.ge [sflag:s21], $0x2000  }
0x67: {  	[sflag:s21] =	ssyncset.done $0x0  }
0x68: {  	s6 =	simm.s32 $0x400;
	[sflag:s21] =	ssyncadd.s32 $0xFFFFE000  }
0x69: {  	[tilespmem:s22], [sflag:$0x4] =	stream.indirect.gather [hbm4b:s4+s17], $0x40, s6, s17, $0xb8;
	[tilespmem:$0x1E000] =	vst v63  }
0x6a: {  	_ =	swait.ge [sflag:s23], $0x2000  }
0x6b: {  	[sflag:s23] =	ssyncset.done $0x0  }
0x6c: {  	s5 =	simm.s32 $0x5280;
	[sflag:s23] =	ssyncadd.s32 $0xFFFFE000  }
0x6d: {  	[spmem:s2] =	stream.indirect.scatter.add.f32 [tilespmem:s16], [sflag:$0x6], $0x40, s5, s17, $0xb8;
	[tilespmem:$0x1E000] =	vst v63  }
0x6e: {  	_ =	swait.ge [sflag:s24], $0x2000  }
0x6f: {  	[sflag:s24] =	ssyncset.done $0x0  }
0x70: {  	s6 =	simm.s32 $0x480;
	[sflag:s24] =	ssyncadd.s32 $0xFFFFE000  }
0x71: {  	[tilespmem:s25], [sflag:$0x5] =	stream.indirect.gather [hbm4b:s4+s17], $0x40, s6, s17, $0xb8;
	[tilespmem:$0x1E000] =	vst v63  }
0x72: {  	_ =	swait.ge [sflag:s26], $0x2000  }
0x73: {  	[sflag:s26] =	ssyncset.done $0x0  }
0x74: {  	s3 =	simm.s32 $0xA00;
	s5 =	simm.s32 $0x5300;
	[sflag:s26] =	ssyncadd.s32 $0xFFFFE000  }
.LBB2_4:
0x75: {  	[spmem:s2] =	stream.indirect.scatter.add.f32 [tilespmem:s18], [sflag:$0x7], $0x40, s5, s17, $0xb8;
	[tilespmem:$0x1E000] =	vst v63  }
0x76: {  	s5 =	smov.u32 s3  }
0x77: {  	p0 =	sne.s32 s3, $0x12C00;
	s3 =	sadd.s32 $0xA00, s3;
	_ =	swait.ge [sflag:s29], $0x2000  }
0x78: {  	s5 =	sshra.s32 s5, $0x2;
	[sflag:s29] =	ssyncset.done $0x0  }
0x79: {  	s6 =	sadd.s32 $0x280, s5;
	[sflag:s29] =	ssyncadd.s32 $0xFFFFE000  }
0x7a: {  	[tilespmem:s16], [sflag:$0x1] =	stream.indirect.gather [hbm4b:s4+s17], $0x40, s6, s17, $0xb8;
	[tilespmem:$0x1E000] =	vst v63  }
0x7b: {  	_ =	swait.ge [sflag:s30], $0x2000  }
0x7c: {  	[sflag:s30] =	ssyncset.done $0x0  }
0x7d: {  	s6 =	sadd.s32 $0x5100, s5;
	[sflag:s30] =	ssyncadd.s32 $0xFFFFE000  }
0x7e: {  	[spmem:s2] =	stream.indirect.scatter.add.f32 [tilespmem:s20], [sflag:$0x8], $0x40, s6, s17, $0xb8;
	[tilespmem:$0x1E000] =	vst v63  }
0x7f: {  	_ =	swait.ge [sflag:s31], $0x2000  }
0x80: {  	[sflag:s31] =	ssyncset.done $0x0  }
0x81: {  	s6 =	sadd.s32 $0x300, s5;
	[sflag:s31] =	ssyncadd.s32 $0xFFFFE000  }
0x82: {  	[tilespmem:s18], [sflag:$0x2] =	stream.indirect.gather [hbm4b:s4+s17], $0x40, s6, s17, $0xb8;
	[tilespmem:$0x1E000] =	vst v63  }
0x83: {  	_ =	swait.ge [sflag:s0], $0x2000  }
0x84: {  	[sflag:s0] =	ssyncset.done $0x0  }
0x85: {  	s6 =	sadd.s32 $0x5180, s5;
	[sflag:s0] =	ssyncadd.s32 $0xFFFFE000  }
0x86: {  	[spmem:s2] =	stream.indirect.scatter.add.f32 [tilespmem:s22], [sflag:$0x9], $0x40, s6, s17, $0xb8;
	[tilespmem:$0x1E000] =	vst v63  }
0x87: {  	_ =	swait.ge [sflag:s1], $0x2000  }
0x88: {  	[sflag:s1] =	ssyncset.done $0x0  }
0x89: {  	s6 =	sadd.s32 $0x380, s5;
	[sflag:s1] =	ssyncadd.s32 $0xFFFFE000  }
0x8a: {  	[tilespmem:s20], [sflag:$0x3] =	stream.indirect.gather [hbm4b:s4+s17], $0x40, s6, s17, $0xb8;
	[tilespmem:$0x1E000] =	vst v63  }
0x8b: {  	_ =	swait.ge [sflag:s19], $0x2000  }
0x8c: {  	[sflag:s19] =	ssyncset.done $0x0  }
0x8d: {  	s6 =	sadd.s32 $0x5200, s5;
	[sflag:s19] =	ssyncadd.s32 $0xFFFFE000  }
0x8e: {  	[spmem:s2] =	stream.indirect.scatter.add.f32 [tilespmem:s25], [sflag:$0xA], $0x40, s6, s17, $0xb8;
	[tilespmem:$0x1E000] =	vst v63  }
0x8f: {  	_ =	swait.ge [sflag:s21], $0x2000  }
0x90: {  	[sflag:s21] =	ssyncset.done $0x0  }
0x91: {  	s6 =	sadd.s32 $0x400, s5;
	[sflag:s21] =	ssyncadd.s32 $0xFFFFE000  }
0x92: {  	[tilespmem:s22], [sflag:$0x4] =	stream.indirect.gather [hbm4b:s4+s17], $0x40, s6, s17, $0xb8;
	[tilespmem:$0x1E000] =	vst v63  }
0x93: {  	_ =	swait.ge [sflag:s23], $0x2000  }
0x94: {  	[sflag:s23] =	ssyncset.done $0x0  }
0x95: {  	s6 =	sadd.s32 $0x5280, s5;
	[sflag:s23] =	ssyncadd.s32 $0xFFFFE000  }
0x96: {  	[spmem:s2] =	stream.indirect.scatter.add.f32 [tilespmem:s16], [sflag:$0x6], $0x40, s6, s17, $0xb8;
	[tilespmem:$0x1E000] =	vst v63  }
0x97: {  	_ =	swait.ge [sflag:s24], $0x2000  }
0x98: {  	[sflag:s24] =	ssyncset.done $0x0  }
.Ltmp1:
0x99: {  	s6 =	sadd.s32 $0x480, s5;
	[sflag:s24] =	ssyncadd.s32 $0xFFFFE000;
	(pc) =	sbr.rel @p0 .LBB2_4-.Ltmp1, $4  }
0x9a: {  	[tilespmem:s25], [sflag:$0x5] =	stream.indirect.gather [hbm4b:s4+s17], $0x40, s6, s17, $0xb8;
	[tilespmem:$0x1E000] =	vst v63  }
0x9b: {  	_ =	swait.ge [sflag:s26], $0x2000  }
0x9c: {  	[sflag:s26] =	ssyncset.done $0x0  }
0x9d: {  	s5 =	sadd.s32 $0x5300, s5;
	[sflag:s26] =	ssyncadd.s32 $0xFFFFE000  }
0x9e: {  	[spmem:s2] =	stream.indirect.scatter.add.f32 [tilespmem:s18], [sflag:$0x7], $0x40, s5, s17, $0xb8;
	[tilespmem:$0x1E000] =	vst v63  }
0x9f: {  	_ =	swait.ge [sflag:s30], $0x2000  }
0xa0: {  	[sflag:s30] =	ssyncset.done $0x0  }
0xa1: {  	s3 =	simm.s32 $0x9E80;
	[sflag:s30] =	ssyncadd.s32 $0xFFFFE000  }
0xa2: {  	[spmem:s2] =	stream.indirect.scatter.add.f32 [tilespmem:s20], [sflag:$0x8], $0x40, s3, s17, $0xb8;
	[tilespmem:$0x1E000] =	vst v63  }
0xa3: {  	_ =	swait.ge [sflag:s0], $0x2000  }
0xa4: {  	[sflag:s0] =	ssyncset.done $0x0  }
0xa5: {  	s5 =	simm.s32 $0x9F00;
	[sflag:s0] =	ssyncadd.s32 $0xFFFFE000  }
0xa6: {  	[spmem:s2] =	stream.indirect.scatter.add.f32 [tilespmem:s22], [sflag:$0x9], $0x40, s5, s17, $0xb8;
	[tilespmem:$0x1E000] =	vst v63  }
0xa7: {  	_ =	swait.ge [sflag:s19], $0x2000  }
0xa8: {  	[sflag:s19] =	ssyncset.done $0x0  }
0xa9: {  	s6 =	simm.s32 $0x9F80;
	[sflag:s19] =	ssyncadd.s32 $0xFFFFE000  }
0xaa: {  	[spmem:s2] =	stream.indirect.scatter.add.f32 [tilespmem:s25], [sflag:$0xA], $0x40, s6, s17, $0xb8;
	[tilespmem:$0x1E000] =	vst v63  }
0xab: {  	_ =	swait.ge [sflag:s29], $0x2000  }
0xac: {  	[sflag:s29] =	ssyncset.done $0x0  }
0xad: {  	[sflag:s29] =	ssyncadd.s32 $0xFFFFE000  }
0xae: {  	_ =	swait.ge [sflag:s31], $0x2000  }
0xaf: {  	[sflag:s31] =	ssyncset.done $0x0  }
0xb0: {  	[sflag:s31] =	ssyncadd.s32 $0xFFFFE000  }
0xb1: {  	_ =	swait.ge [sflag:s1], $0x2000  }
0xb2: {  	[sflag:s1] =	ssyncset.done $0x0  }
0xb3: {  	[sflag:s1] =	ssyncadd.s32 $0xFFFFE000  }
0xb4: {  	_ =	swait.ge [sflag:s21], $0x2000  }
0xb5: {  	[sflag:s21] =	ssyncset.done $0x0  }
0xb6: {  	[sflag:s21] =	ssyncadd.s32 $0xFFFFE000  }
0xb7: {  	s5 =	stileid.u32;
	_ =	swait.ge [sflag:s24], $0x2000  }
0xb8: {  	s28 =	sadd.s32 $0x1, s28;
	s3 =	sshll.u32 s5, $0x6;
	[sflag:s24] =	ssyncset.done $0x0  }
0xb9: {  	p0 =	sne.s32 s28, s13;
	s3 =	sor.u32 $0x1C0B, s3;
	[sflag:s24] =	ssyncadd.s32 $0xFFFFE000  }
.Ltmp2:
0xba: {  	s6 =	sshrl.u32 s7, $0x3;
	[bflag:$0x0] =	sbarrier.arrive $0xFFFF;
	(pc) =	sbr.rel @p0 .LBB2_1-.Ltmp2, $4  }
0xbb: {  	[hbm:s12], [sflag:s3] =	dma.local [spmem:s6], $0x1400  }
0xbc: {  	_ =	swait.ge [sflag:s14], $0x1400  }
0xbd: {  	[sflag:s14] =	ssyncset.done $0x0  }
0xbe: {  	[sflag:s14] =	ssyncadd.s32 $0xFFFFEC00  }
0xbf: {  	_ =	sfence.sel $0x180000  }
0xc0: {  	[bflag:$0x0] =	sbarrier.arrive $0xFFFF  }
0xc1: {  	_ =	strace $0x9000004A  }
0xc2: {  	s0 =	stileid.u32;
	[bflag:$0x2] =	sbarrier.arrive $0xFFFF  }
0xc3: {  	p0 =	sne.s32 s0, $0x0;
	s0 =	rddreg [dreg:$0x3]  }
0xc4: {  	s0 =	sadd.s32 @!p0 $0x100000, s0  }
0xc5: {  	[sflag:s0] =	ssyncadd.tile.s32 @!p0 $0x1;
	_ =	shalt  }
.Lfunc_end2:
_tile_overlayer_lowered:
.L_overlay_start_2:
0xc6: {  	(tag) =	ssettag $0x2  }
0xc7: {  	s0 =	rddreg [dreg:$0x0];
	s2 =	stileid.u32  }
0xc8: {  	s1 =	rddreg [dreg:$0x1];
	p0 =	sne.s32 s2, $0x0  }
0xc9: {  	s3 =	rddreg [dreg:$0x2];
	[bflag:$0x3] =	sbarrier.arrive $0xFFFF;
	s2 =	simm.s32 @!p0 $0x1C0B  }
0xca: {  	[timem:s3], [sflag:s2] =	dma.local @!p0 [hbm:s0], s1  }
0xcb: {  	s0 =	simm.s32 @!p0 $0xB  }
0xcc: {  	_ =	swait.ge @!p0 [sflag:s0], s1  }
0xcd: {  	s1 =	ssub.s32 @!p0 $0x0, s1;
	[sflag:s0] =	ssyncset.done @!p0 $0x0  }
0xce: {  	[sflag:s0] =	ssyncadd.s32 @!p0 s1  }
0xcf: {  	[bflag:$0x3] =	sbarrier.arrive $0xFFFF  }
0xd0: {  	_ =	shalt  }

</sc_bundles>
